<compile_context>
chip_gen: v7x
topology: tpu7x:2x2x1
jax: 0.10.2.dev20260603
libtpu: 0.0.44.dev20260713+nightly
codegen_flags: <defaults>
</compile_context>

<pallas_src>
import functools

import jax
import jax.numpy as jnp
from jax import lax
from jax.experimental import pallas as pl
from jax.experimental.pallas import tpu as pltpu
from jax.experimental.pallas import tpu_sc as plsc

NC = 2
NS = 16
NW = NC * NS
L = 16

DEPTH_C = 6
KEY_SPACE = 1 << (3 * DEPTH_C)
GRID = 1 << DEPTH_C
LUT_SLICE = 8224
LUT_SIZE = NW * LUT_SLICE
SENTINEL_KEY = KEY_SPACE
NK_WIN = LUT_SLICE + 16
PAD_KEY = 2 ** 30

SB = 256
NIDX = 8 * SB
DMA_I = 128
C = 32


def _interleave(v, s):
    k = jnp.zeros_like(v)
    for i in range(DEPTH_C):
        k = k | ((v & (1 << i)) << (2 * i + s))
    return k


def _floor_i32(xf):
    xt = xf.astype(jnp.int32)
    xi = jnp.where(xt.astype(jnp.float32) > xf, xt - 1, xt)
    return xi


def _build_lut(node_keys_pad, starts8, sentinel_node):
    mesh = plsc.VectorSubcoreMesh(core_axis_name="c", subcore_axis_name="s")

    @functools.partial(
        pl.kernel,
        out_type=jax.ShapeDtypeStruct((LUT_SIZE,), jnp.int32),
        mesh=mesh,
        compiler_params=pltpu.CompilerParams(
            needs_layout_passes=False, use_tc_tiling_on_sc=False),
        scratch_types=[
            pltpu.VMEM((NK_WIN,), jnp.int32),
            pltpu.VMEM((LUT_SLICE,), jnp.int32),
            pltpu.VMEM((NW + L,), jnp.int32),
        ],
    )
    def lut_kernel(nk_hbm, st_hbm, lut_hbm, nk_v, lut_v, st_v):
        wid = lax.axis_index("s") * NC + lax.axis_index("c")
        pltpu.sync_copy(st_hbm, st_v)
        s8 = pl.multiple_of(st_v[pl.ds(wid, L)][0], 8)
        pltpu.sync_copy(nk_hbm.at[pl.ds(s8, NK_WIN)], nk_v)

        fill = jnp.full((L,), sentinel_node, dtype=jnp.int32)

        def init_body(t, _):
            lut_v[pl.ds(t * L, L)] = fill
            return 0

        lax.fori_loop(0, LUT_SLICE // L, init_body, 0)

        base_local = wid * LUT_SLICE
        lanes = lax.iota(jnp.int32, L)

        def scat_body(t, _):
            kv = nk_v[pl.ds(t * L, L)]
            local = kv - base_local
            mask = (local >= 0) & (local < LUT_SLICE)
            localc = jnp.clip(local, 0, LUT_SLICE - 1)
            gi = s8 + t * L + lanes
            plsc.store_scatter(lut_v, [localc], gi, mask=mask)
            return 0

        lax.fori_loop(0, NK_WIN // L, scat_body, 0)
        pltpu.sync_copy(lut_v, lut_hbm.at[pl.ds(wid * LUT_SLICE, LUT_SLICE)])

    return lut_kernel(node_keys_pad, starts8)


def _interp(xp, yp, zp, lut, data_aug, npw, sentinel_node):
    mesh = plsc.VectorSubcoreMesh(core_axis_name="c", subcore_axis_name="s")
    np_total = npw * NW
    nb = npw // SB

    @functools.partial(
        pl.kernel,
        out_type=jax.ShapeDtypeStruct((np_total, C), jnp.float32),
        mesh=mesh,
        compiler_params=pltpu.CompilerParams(
            needs_layout_passes=False, use_tc_tiling_on_sc=False),
        scratch_types=[
            pltpu.VMEM((SB,), jnp.float32),
            pltpu.VMEM((SB,), jnp.float32),
            pltpu.VMEM((SB,), jnp.float32),
            pltpu.VMEM((NIDX,), jnp.int32),
            pltpu.VMEM((NIDX + L,), jnp.float32),
            pltpu.VMEM((NIDX,), jnp.int32),
            pltpu.VMEM((NIDX, C), jnp.float32),
            pltpu.VMEM((SB + L,), jnp.float32),
            pltpu.VMEM((SB, C), jnp.float32),
            pltpu.SemaphoreType.DMA,
            pltpu.SemaphoreType.DMA,
            pltpu.SemaphoreType.DMA,
            pltpu.SemaphoreType.DMA,
            pltpu.SemaphoreType.DMA,
        ],
    )
    def interp_kernel(xh, yh, zh, lut_hbm, data_hbm, out_hbm,
                      xv, yv, zv, keys_b, w_b, idx_b, rows_b, rinv_v,
                      out_v, sem, rs0, rs1, rs2, rs3):
        rsem = (rs0, rs1, rs2, rs3)
        wid = lax.axis_index("s") * NC + lax.axis_index("c")

        def sub_batch(b, _):
            base = wid * npw + b * SB
            pltpu.sync_copy(xh.at[pl.ds(base, SB)], xv)
            pltpu.sync_copy(yh.at[pl.ds(base, SB)], yv)
            pltpu.sync_copy(zh.at[pl.ds(base, SB)], zv)

            def grp(g, _):
                o = g * L
                x = (xv[pl.ds(o, L)] + 1.0) * (GRID / 2) - 0.5
                y = (yv[pl.ds(o, L)] + 1.0) * (GRID / 2) - 0.5
                z = (zv[pl.ds(o, L)] + 1.0) * (GRID / 2) - 0.5
                xi, yi, zi = _floor_i32(x), _floor_i32(y), _floor_i32(z)
                fx = x - xi.astype(jnp.float32)
                fy = y - yi.astype(jnp.float32)
                fz = z - zi.astype(jnp.float32)
                px = (_interleave(xi, 2), _interleave(xi + 1, 2))
                py = (_interleave(yi, 1), _interleave(yi + 1, 1))
                pz = (_interleave(zi, 0), _interleave(zi + 1, 0))
                bx = ((xi >= 0) & (xi < GRID), (xi + 1 >= 0) & (xi + 1 < GRID))
                by = ((yi >= 0) & (yi < GRID), (yi + 1 >= 0) & (yi + 1 < GRID))
                bz = ((zi >= 0) & (zi < GRID), (zi + 1 >= 0) & (zi + 1 < GRID))
                wx = (1.0 - fx, -fx)
                wy = (1.0 - fy, -fy)
                wz = (1.0 - fz, -fz)
                for j in range(8):
                    cx, cy, cz = j >> 2, (j >> 1) & 1, j & 1
                    key = px[cx] | py[cy] | pz[cz]
                    bnd = bx[cx] & by[cy] & bz[cz]
                    keys_b[pl.ds(j * SB + o, L)] = jnp.where(
                        bnd, key, SENTINEL_KEY)
                    wgt = jnp.abs(wx[cx] * wy[cy] * wz[cz])
                    w_b[pl.ds(j * SB + o, L)] = jnp.where(bnd, wgt, 0.0)
                return 0

            lax.fori_loop(0, SB // L, grp, 0)

            cps = [pltpu.async_copy(
                lut_hbm.at[keys_b.at[pl.ds(d * DMA_I, DMA_I)]],
                idx_b.at[pl.ds(d * DMA_I, DMA_I)], sem)
                for d in range(NIDX // DMA_I)]
            for cp in cps:
                cp.wait()

            def fix(g, _):
                o = g * L
                s = jnp.zeros((L,), jnp.float32)
                for j in range(8):
                    iv = idx_b[pl.ds(j * SB + o, L)]
                    wv = jnp.where(iv == sentinel_node, 0.0,
                                   w_b[pl.ds(j * SB + o, L)])
                    w_b[pl.ds(j * SB + o, L)] = wv
                    s = s + wv
                rinv_v[pl.ds(o, L)] = 1.0 / (s + 1e-12)
                return 0

            lax.fori_loop(0, SB // L, fix, 0)

            def zero(p, _):
                z = jnp.zeros((L,), jnp.float32)
                out_v[p, pl.ds(0, L)] = z
                out_v[p, pl.ds(L, L)] = z
                return 0

            lax.fori_loop(0, SB, zero, 0)

            def fire_row(d):
                return pltpu.async_copy(
                    data_hbm.at[idx_b.at[pl.ds(d * DMA_I, DMA_I)]],
                    rows_b.at[pl.ds(d * DMA_I, DMA_I)], rsem[d % 4])

            def acc_chunk(d):
                po = (d % 2) * DMA_I

                def acc(p, _):
                    r = d * DMA_I + p
                    pp = po + p
                    w = w_b[pl.ds(r, L)][0]
                    out_v[pp, pl.ds(0, L)] = (
                        out_v[pp, pl.ds(0, L)] + w * rows_b[r, pl.ds(0, L)])
                    out_v[pp, pl.ds(L, L)] = (
                        out_v[pp, pl.ds(L, L)] + w * rows_b[r, pl.ds(L, L)])
                    return 0

                lax.fori_loop(0, DMA_I, acc, 0)

            nd = NIDX // DMA_I
            row_cp = {d: fire_row(d) for d in range(4)}
            for d in range(nd):
                row_cp[d].wait()
                if d + 4 < nd:
                    row_cp[d + 4] = fire_row(d + 4)
                acc_chunk(d)

            def scale(p, _):
                rv = rinv_v[pl.ds(p, L)][0]
                out_v[p, pl.ds(0, L)] = out_v[p, pl.ds(0, L)] * rv
                out_v[p, pl.ds(L, L)] = out_v[p, pl.ds(L, L)] * rv
                return 0

            lax.fori_loop(0, SB, scale, 0)
            pltpu.sync_copy(out_v, out_hbm.at[pl.ds(base, SB)])
            return 0

        lax.fori_loop(0, nb, sub_batch, 0)

    return interp_kernel(xp, yp, zp, lut, data_aug)


def kernel(data, pts, node_keys, depth):
    n = pts.shape[0]
    nodes = node_keys.shape[0]
    nb = -(-n // (NW * SB))
    npw = nb * SB
    np_total = npw * NW

    xp = jnp.pad(pts[:, 0], (0, np_total - n))
    yp = jnp.pad(pts[:, 1], (0, np_total - n))
    zp = jnp.pad(pts[:, 2], (0, np_total - n))

    data_aug = jnp.concatenate(
        [data, jnp.zeros((8, data.shape[1]), jnp.float32)], axis=0)
    node_keys_pad = jnp.concatenate(
        [node_keys, jnp.full((NK_WIN,), PAD_KEY, jnp.int32)])
    bounds = jnp.arange(NW + L, dtype=jnp.int32) * LUT_SLICE
    starts8 = (jnp.searchsorted(node_keys, bounds).astype(jnp.int32)
               // 8) * 8
    starts8 = jnp.minimum(starts8, nodes)

    lut = _build_lut(node_keys_pad, starts8, nodes)
    out = _interp(xp, yp, zp, lut, data_aug, npw, nodes)
    return out[:n]

# --- scband reference (transcript-rebuilt; emitter-appended) ---
"""Pipeline reference for scband-octree-interp-17188459119028 (READ-ONLY COPY).

The authoritative reference and input builder live on the scoring server;
editing this copy changes nothing except your own understanding.
"""

import jax, jax.numpy as jnp
import numpy as np

DEPTH = 6
N_PTS = 250000
N_NODES = 200000
C = 32


def xyz2key(x, y, z, b, depth):
    # Morton (z-order) encoding, batch index packed above the coordinate bits.
    key = jnp.zeros_like(x)
    for i in range(DEPTH):
        mask = jnp.int32(1 << i)
        key = key | ((x & mask) << (2 * i + 2)) | ((y & mask) << (2 * i + 1)) | ((z & mask) << (2 * i))
    key = key + b * jnp.int32(2 ** (3 * depth))
    return key


def setup_inputs(seed: int = 0) -> dict:
    key = jax.random.key(seed)
    k1, k2 = jax.random.split(key, 2)
    data = jax.random.normal(k1, (N_NODES, C), dtype=jnp.float32)
    xyz = jax.random.uniform(k2, (N_PTS, 3), dtype=jnp.float32, minval=-1.0, maxval=1.0)
    batch = jnp.zeros((N_PTS, 1), dtype=jnp.float32)  # single batch element
    pts = jnp.concatenate([xyz, batch], axis=1)
    # Octree emulated as a sorted array of unique Morton keys of occupied leaves at DEPTH.
    rng = np.random.default_rng(0)
    nk = np.sort(rng.choice(2 ** (3 * DEPTH), size=N_NODES, replace=False)).astype(np.int32)
    node_keys = jnp.asarray(nk)
    return {"data": data, "pts": pts, "node_keys": node_keys, "depth": DEPTH}


def reference(data, pts, node_keys, depth):
    n = pts.shape[0]
    # rescale_pts=True: map [-1,1) -> [0, 2^depth)
    scale = 2.0 ** (depth - 1)
    xyz = (pts[:, :3] + 1.0) * scale
    grid = jnp.array([[0, 0, 0], [0, 0, 1], [0, 1, 0], [0, 1, 1],
                      [1, 0, 0], [1, 0, 1], [1, 1, 0], [1, 1, 1]], dtype=jnp.float32)
    xyzf = xyz - 0.5
    xyzi = jnp.floor(xyzf)
    frac = xyzf - xyzi
    xyzn = (xyzi[:, None, :] + grid[None, :, :]).reshape(-1, 3)  # [8N, 3]
    b = jnp.repeat(pts[:, 3].astype(jnp.int32), 8)
    xn = xyzn.astype(jnp.int32)
    keyq = xyz2key(xn[:, 0], xn[:, 1], xn[:, 2], b, depth)
    # octree.search_key: binary search in sorted key table, -1 if absent
    pos = jnp.searchsorted(node_keys, keyq)
    posc = jnp.clip(pos, 0, node_keys.shape[0] - 1)
    found = node_keys[posc] == keyq
    # bound_check=True
    bound = jnp.logical_and(xyzn >= 0, xyzn < 2 ** depth).all(axis=1)
    valid = jnp.logical_and(found, bound)
    idx = jnp.where(valid, posc, 0)
    fracw = 1.0 - grid[None, :, :] - frac[:, None, :]
    weight = jnp.abs(jnp.prod(fracw, axis=2)).reshape(-1)
    weight = jnp.where(valid, weight, 0.0)
    ids = jnp.repeat(jnp.arange(n), 8)
    gathered = data[idx] * weight[:, None]
    out = jax.ops.segment_sum(gathered, ids, num_segments=n)
    norm = jax.ops.segment_sum(weight, ids, num_segments=n)
    return out / (norm[:, None] + 1e-12)

if __name__ == "__main__":
    import jax
    _d = setup_inputs()
    print(jax.jit(kernel)(*tuple(_d.values())))

</pallas_src>

<mosaic_0001>
#map = affine_map<(d0, d1) -> (0)>
module attributes {stable_mosaic.version = 14 : i64} {
  func.func @lut_kernel(%arg0: i32, %arg1: i32, %arg2: memref<208240xi32, #tpu.memory_space<hbm>>, %arg3: memref<48xi32, #tpu.memory_space<hbm>>, %arg4: memref<263168xi32, #tpu.memory_space<hbm>>, %arg5: memref<8240xi32, #tpu.memory_space<vmem>>, %arg6: memref<8224xi32, #tpu.memory_space<vmem>>, %arg7: memref<48xi32, #tpu.memory_space<vmem>>) attributes {dimension_semantics = [#tpu.dimension_semantics<core_parallel>, #tpu.dimension_semantics<subcore_parallel>], iteration_bounds = array<i64: 2, 16>, scalar_prefetch = 0 : i64, scratch_operands = 3 : i64, tpu.core_type = #tpu.core_type<sc_vector_subcore>, window_params = [{transform_indices = #map}, {transform_indices = #map}, {transform_indices = #map}]} {
    %mul3A = arith.constant 2 : i32
    %mul3A_0 = arith.muli %arg1, %mul3A : i32
    %add3A = arith.addi %mul3A_0, %arg0 : i32
    "tpu.region"() ({
      %run_scoped3A = tpu.sem_alloc : memref<!tpu.dma_semaphore, #tpu.memory_space<semaphore_mem>>
      tpu.enqueue_dma source(%arg3 : memref<48xi32, #tpu.memory_space<hbm>>) target(%arg7 : memref<48xi32, #tpu.memory_space<vmem>>) target_semaphore(%run_scoped3A : memref<!tpu.dma_semaphore, #tpu.memory_space<semaphore_mem>>)
      tpu.wait_dma2 semaphore(%run_scoped3A : memref<!tpu.dma_semaphore, #tpu.memory_space<semaphore_mem>>) src(%arg3 : memref<48xi32, #tpu.memory_space<hbm>>) dst(%arg7 : memref<48xi32, #tpu.memory_space<vmem>>)
      tpu.yield
    }) : () -> ()
    %get3A = arith.index_cast %add3A : i32 to index
    %get3A_1 = tpu.vector_load %arg7[%get3A] {strides = array<i32>} : memref<48xi32, #tpu.memory_space<vmem>>, vector<16xi32>,
    %slice3A = vector.extract_strided_slice %get3A_1 {offsets = [0], sizes = [1], strides = [1]} : vector<16xi32> to vector<1xi32>
    %squeeze3A = vector.extract %slice3A[0] : i32 from vector<1xi32>
    %multiple_of3A = tpu.assume_multiple %squeeze3A, 8 : i32
    "tpu.region"() ({
      %run_scoped3A = tpu.sem_alloc : memref<!tpu.dma_semaphore, #tpu.memory_space<semaphore_mem>>
      %dma_start3A = tpu.memref_slice %arg2[%multiple_of3A] : memref<208240xi32, #tpu.memory_space<hbm>> -> memref<8240xi32, #tpu.memory_space<hbm>>
      %dma_start3A_20 = tpu.memref_slice %arg2[%multiple_of3A] : memref<208240xi32, #tpu.memory_space<hbm>> -> memref<8240xi32, #tpu.memory_space<hbm>>
      tpu.enqueue_dma source(%dma_start3A_20 : memref<8240xi32, #tpu.memory_space<hbm>>) target(%arg5 : memref<8240xi32, #tpu.memory_space<vmem>>) target_semaphore(%run_scoped3A : memref<!tpu.dma_semaphore, #tpu.memory_space<semaphore_mem>>)
      %dma_wait3A = tpu.memref_slice %arg2[%multiple_of3A] : memref<208240xi32, #tpu.memory_space<hbm>> -> memref<8240xi32, #tpu.memory_space<hbm>>
      %dma_wait3A_21 = tpu.memref_slice %arg2[%multiple_of3A] : memref<208240xi32, #tpu.memory_space<hbm>> -> memref<8240xi32, #tpu.memory_space<hbm>>
      tpu.wait_dma2 semaphore(%run_scoped3A : memref<!tpu.dma_semaphore, #tpu.memory_space<semaphore_mem>>) src(%dma_wait3A_21 : memref<8240xi32, #tpu.memory_space<hbm>>) dst(%arg5 : memref<8240xi32, #tpu.memory_space<vmem>>)
      tpu.yield
    }) : () -> ()
    %broadcast_in_dim3A = arith.constant 200000 : i32
    %broadcast_in_dim3A_2 = vector.broadcast %broadcast_in_dim3A : i32 to vector<16xi32>
    %scan3A = arith.constant 0 : i32
    %scan3A_3 = arith.constant 0 : i32
    %scan3A_4 = arith.constant 514 : i32
    %scan3A_5 = arith.addi %scan3A_3, %scan3A_4 : i32
    %scan3A_6 = arith.constant 1 : i32
    %scan3A_7 = scf.for %scan3A_20 = %scan3A_3 to %scan3A_5 step %scan3A_6 iter_args(%scan3A_21 = %scan3A) -> (i32)  : i32 {
      %mul3A_22 = arith.constant 16 : i32
      %mul3A_23 = arith.muli %scan3A_20, %mul3A_22 : i32
      %swap3A = arith.index_cast %mul3A_23 : i32 to index
      %swap3A_24 = tpu.vector_load %arg6[%swap3A] {strides = array<i32>} : memref<8224xi32, #tpu.memory_space<vmem>>, vector<16xi32>,
      tpu.vector_store %arg6[%swap3A], %broadcast_in_dim3A_2 {strides = array<i32>} : memref<8224xi32, #tpu.memory_space<vmem>>, vector<16xi32>,
      %scan3A_25 = arith.constant 0 : i32
      scf.yield %scan3A_25 : i32
    }
    %scan3A_8 = arith.constant 514 : i32
    %mul3A_9 = arith.constant 8224 : i32
    %mul3A_10 = arith.muli %add3A, %mul3A_9 : i32
    %iota3A = tpu.iota {dimensions = array<i32: 0>} : vector<16xi32>
    %scan3A_11 = arith.constant 0 : i32
    %scan3A_12 = arith.constant 0 : i32
    %scan3A_13 = arith.constant 515 : i32
    %scan3A_14 = arith.addi %scan3A_12, %scan3A_13 : i32
    %scan3A_15 = arith.constant 1 : i32
    %scan3A_16 = scf.for %scan3A_20 = %scan3A_12 to %scan3A_14 step %scan3A_15 iter_args(%scan3A_21 = %scan3A_11) -> (i32)  : i32 {
      %mul3A_22 = arith.constant 16 : i32
      %mul3A_23 = arith.muli %scan3A_20, %mul3A_22 : i32
      %get3A_24 = arith.index_cast %mul3A_23 : i32 to index
      %get3A_25 = tpu.vector_load %arg5[%get3A_24] {strides = array<i32>} : memref<8240xi32, #tpu.memory_space<vmem>>, vector<16xi32>,
      %sub3A = vector.broadcast %mul3A_10 : i32 to vector<16xi32>
      %sub3A_26 = arith.subi %get3A_25, %sub3A : vector<16xi32>
      %ge3A = arith.constant 0 : i32
      %ge3A_27 = vector.broadcast %ge3A : i32 to vector<16xi32>
      %ge3A_28 = arith.cmpi sge, %sub3A_26, %ge3A_27 : vector<16xi32>
      %lt3A = arith.constant 8224 : i32
      %lt3A_29 = vector.broadcast %lt3A : i32 to vector<16xi32>
      %lt3A_30 = arith.cmpi slt, %sub3A_26, %lt3A_29 : vector<16xi32>
      %and3A = arith.andi %ge3A_28, %lt3A_30 : vector<16xi1>
      %jit3A = arith.constant 0 : i32
      %jit3A_31 = arith.constant 8223 : i32
      %max3A = vector.broadcast %jit3A : i32 to vector<16xi32>
      %max3A_32 = arith.maxsi %max3A, %sub3A_26 : vector<16xi32>
      %min3A = vector.broadcast %jit3A_31 : i32 to vector<16xi32>
      %min3A_33 = arith.minsi %min3A, %max3A_32 : vector<16xi32>
      %mul3A_34 = arith.constant 16 : i32
      %mul3A_35 = arith.muli %scan3A_20, %mul3A_34 : i32
      %add3A_36 = arith.addi %multiple_of3A, %mul3A_35 : i32
      %add3A_37 = vector.broadcast %add3A_36 : i32 to vector<16xi32>
      %add3A_38 = arith.addi %add3A_37, %iota3A : vector<16xi32>
      tpu.vector_store_idx %arg6[%min3A_33], %add3A_38 masked %and3A : memref<8224xi32, #tpu.memory_space<vmem>>[vector<16xi32>], vector<16xi32>, vector<16xi1>
      %scan3A_39 = arith.constant 0 : i32
      scf.yield %scan3A_39 : i32
    }
    %scan3A_17 = arith.constant 515 : i32
    %mul3A_18 = arith.constant 8224 : i32
    %mul3A_19 = arith.muli %add3A, %mul3A_18 : i32
    "tpu.region"() ({
      %run_scoped3A = tpu.sem_alloc : memref<!tpu.dma_semaphore, #tpu.memory_space<semaphore_mem>>
      %dma_start3A = tpu.memref_slice %arg4[%mul3A_19] : memref<263168xi32, #tpu.memory_space<hbm>> -> memref<8224xi32, #tpu.memory_space<hbm>>
      %dma_start3A_20 = tpu.memref_slice %arg4[%mul3A_19] : memref<263168xi32, #tpu.memory_space<hbm>> -> memref<8224xi32, #tpu.memory_space<hbm>>
      tpu.enqueue_dma source(%arg6 : memref<8224xi32, #tpu.memory_space<vmem>>) target(%dma_start3A_20 : memref<8224xi32, #tpu.memory_space<hbm>>) target_semaphore(%run_scoped3A : memref<!tpu.dma_semaphore, #tpu.memory_space<semaphore_mem>>)
      %dma_wait3A = tpu.memref_slice %arg4[%mul3A_19] : memref<263168xi32, #tpu.memory_space<hbm>> -> memref<8224xi32, #tpu.memory_space<hbm>>
      %dma_wait3A_21 = tpu.memref_slice %arg4[%mul3A_19] : memref<263168xi32, #tpu.memory_space<hbm>> -> memref<8224xi32, #tpu.memory_space<hbm>>
      tpu.wait_dma2 semaphore(%run_scoped3A : memref<!tpu.dma_semaphore, #tpu.memory_space<semaphore_mem>>) src(%arg6 : memref<8224xi32, #tpu.memory_space<vmem>>) dst(%dma_wait3A_21 : memref<8224xi32, #tpu.memory_space<hbm>>)
      tpu.yield
    }) : () -> ()
    return
  }
}

#map = affine_map<(d0, d1) -> (0)>
#map1 = affine_map<(d0, d1) -> (0, 0)>
module attributes {stable_mosaic.version = 14 : i64} {
  func.func @interp_kernel(%arg0: i32, %arg1: i32, %arg2: memref<253952xf32, #tpu.memory_space<hbm>>, %arg3: memref<253952xf32, #tpu.memory_space<hbm>>, %arg4: memref<253952xf32, #tpu.memory_space<hbm>>, %arg5: memref<263168xi32, #tpu.memory_space<hbm>>, %arg6: memref<200008x32xf32, #tpu.memory_space<hbm>>, %arg7: memref<253952x32xf32, #tpu.memory_space<hbm>>, %arg8: memref<256xf32, #tpu.memory_space<vmem>>, %arg9: memref<256xf32, #tpu.memory_space<vmem>>, %arg10: memref<256xf32, #tpu.memory_space<vmem>>, %arg11: memref<2048xi32, #tpu.memory_space<vmem>>, %arg12: memref<2064xf32, #tpu.memory_space<vmem>>, %arg13: memref<2048xi32, #tpu.memory_space<vmem>>, %arg14: memref<2048x32xf32, #tpu.memory_space<vmem>>, %arg15: memref<272xf32, #tpu.memory_space<vmem>>, %arg16: memref<256x32xf32, #tpu.memory_space<vmem>>, %arg17: memref<!tpu.dma_semaphore, #tpu.memory_space<semaphore_mem>>, %arg18: memref<!tpu.dma_semaphore, #tpu.memory_space<semaphore_mem>>, %arg19: memref<!tpu.dma_semaphore, #tpu.memory_space<semaphore_mem>>, %arg20: memref<!tpu.dma_semaphore, #tpu.memory_space<semaphore_mem>>, %arg21: memref<!tpu.dma_semaphore, #tpu.memory_space<semaphore_mem>>) attributes {dimension_semantics = [#tpu.dimension_semantics<core_parallel>, #tpu.dimension_semantics<subcore_parallel>], iteration_bounds = array<i64: 2, 16>, scalar_prefetch = 0 : i64, scratch_operands = 14 : i64, tpu.core_type = #tpu.core_type<sc_vector_subcore>, window_params = [{transform_indices = #map}, {transform_indices = #map}, {transform_indices = #map}, {transform_indices = #map}, {transform_indices = #map1}, {transform_indices = #map1}]} {
    %mul3A = arith.constant 2 : i32
    %mul3A_0 = arith.muli %arg1, %mul3A : i32
    %add3A = arith.addi %mul3A_0, %arg0 : i32
    %scan3A = arith.constant 0 : i32
    %scan3A_1 = arith.constant 0 : i32
    %scan3A_2 = arith.constant 31 : i32
    %scan3A_3 = arith.addi %scan3A_1, %scan3A_2 : i32
    %scan3A_4 = arith.constant 1 : i32
    %scan3A_5 = scf.for %scan3A_7 = %scan3A_1 to %scan3A_3 step %scan3A_4 iter_args(%scan3A_8 = %scan3A) -> (i32)  : i32 {
      %mul3A_9 = arith.constant 7936 : i32
      %mul3A_10 = arith.muli %add3A, %mul3A_9 : i32
      %mul3A_11 = arith.constant 256 : i32
      %mul3A_12 = arith.muli %scan3A_7, %mul3A_11 : i32
      %add3A_13 = arith.addi %mul3A_10, %mul3A_12 : i32
      "tpu.region"() ({
        %run_scoped3A = tpu.sem_alloc : memref<!tpu.dma_semaphore, #tpu.memory_space<semaphore_mem>>
        %dma_start3A_601 = tpu.memref_slice %arg2[%add3A_13] : memref<253952xf32, #tpu.memory_space<hbm>> -> memref<256xf32, #tpu.memory_space<hbm>>
        %dma_start3A_602 = tpu.memref_slice %arg2[%add3A_13] : memref<253952xf32, #tpu.memory_space<hbm>> -> memref<256xf32, #tpu.memory_space<hbm>>
        tpu.enqueue_dma source(%dma_start3A_602 : memref<256xf32, #tpu.memory_space<hbm>>) target(%arg8 : memref<256xf32, #tpu.memory_space<vmem>>) target_semaphore(%run_scoped3A : memref<!tpu.dma_semaphore, #tpu.memory_space<semaphore_mem>>)
        %dma_wait3A_603 = tpu.memref_slice %arg2[%add3A_13] : memref<253952xf32, #tpu.memory_space<hbm>> -> memref<256xf32, #tpu.memory_space<hbm>>
        %dma_wait3A_604 = tpu.memref_slice %arg2[%add3A_13] : memref<253952xf32, #tpu.memory_space<hbm>> -> memref<256xf32, #tpu.memory_space<hbm>>
        tpu.wait_dma2 semaphore(%run_scoped3A : memref<!tpu.dma_semaphore, #tpu.memory_space<semaphore_mem>>) src(%dma_wait3A_604 : memref<256xf32, #tpu.memory_space<hbm>>) dst(%arg8 : memref<256xf32, #tpu.memory_space<vmem>>)
        tpu.yield
      }) : () -> ()
      "tpu.region"() ({
        %run_scoped3A = tpu.sem_alloc : memref<!tpu.dma_semaphore, #tpu.memory_space<semaphore_mem>>
        %dma_start3A_601 = tpu.memref_slice %arg3[%add3A_13] : memref<253952xf32, #tpu.memory_space<hbm>> -> memref<256xf32, #tpu.memory_space<hbm>>
        %dma_start3A_602 = tpu.memref_slice %arg3[%add3A_13] : memref<253952xf32, #tpu.memory_space<hbm>> -> memref<256xf32, #tpu.memory_space<hbm>>
        tpu.enqueue_dma source(%dma_start3A_602 : memref<256xf32, #tpu.memory_space<hbm>>) target(%arg9 : memref<256xf32, #tpu.memory_space<vmem>>) target_semaphore(%run_scoped3A : memref<!tpu.dma_semaphore, #tpu.memory_space<semaphore_mem>>)
        %dma_wait3A_603 = tpu.memref_slice %arg3[%add3A_13] : memref<253952xf32, #tpu.memory_space<hbm>> -> memref<256xf32, #tpu.memory_space<hbm>>
        %dma_wait3A_604 = tpu.memref_slice %arg3[%add3A_13] : memref<253952xf32, #tpu.memory_space<hbm>> -> memref<256xf32, #tpu.memory_space<hbm>>
        tpu.wait_dma2 semaphore(%run_scoped3A : memref<!tpu.dma_semaphore, #tpu.memory_space<semaphore_mem>>) src(%dma_wait3A_604 : memref<256xf32, #tpu.memory_space<hbm>>) dst(%arg9 : memref<256xf32, #tpu.memory_space<vmem>>)
        tpu.yield
      }) : () -> ()
      "tpu.region"() ({
        %run_scoped3A = tpu.sem_alloc : memref<!tpu.dma_semaphore, #tpu.memory_space<semaphore_mem>>
        %dma_start3A_601 = tpu.memref_slice %arg4[%add3A_13] : memref<253952xf32, #tpu.memory_space<hbm>> -> memref<256xf32, #tpu.memory_space<hbm>>
        %dma_start3A_602 = tpu.memref_slice %arg4[%add3A_13] : memref<253952xf32, #tpu.memory_space<hbm>> -> memref<256xf32, #tpu.memory_space<hbm>>
        tpu.enqueue_dma source(%dma_start3A_602 : memref<256xf32, #tpu.memory_space<hbm>>) target(%arg10 : memref<256xf32, #tpu.memory_space<vmem>>) target_semaphore(%run_scoped3A : memref<!tpu.dma_semaphore, #tpu.memory_space<semaphore_mem>>)
        %dma_wait3A_603 = tpu.memref_slice %arg4[%add3A_13] : memref<253952xf32, #tpu.memory_space<hbm>> -> memref<256xf32, #tpu.memory_space<hbm>>
        %dma_wait3A_604 = tpu.memref_slice %arg4[%add3A_13] : memref<253952xf32, #tpu.memory_space<hbm>> -> memref<256xf32, #tpu.memory_space<hbm>>
        tpu.wait_dma2 semaphore(%run_scoped3A : memref<!tpu.dma_semaphore, #tpu.memory_space<semaphore_mem>>) src(%dma_wait3A_604 : memref<256xf32, #tpu.memory_space<hbm>>) dst(%arg10 : memref<256xf32, #tpu.memory_space<vmem>>)
        tpu.yield
      }) : () -> ()
      %scan3A_14 = arith.constant 0 : i32
      %scan3A_15 = arith.constant 0 : i32
      %scan3A_16 = arith.constant 16 : i32
      %scan3A_17 = arith.addi %scan3A_15, %scan3A_16 : i32
      %scan3A_18 = arith.constant 1 : i32
      %scan3A_19 = scf.for %scan3A_601 = %scan3A_15 to %scan3A_17 step %scan3A_18 iter_args(%scan3A_602 = %scan3A_14) -> (i32)  : i32 {
        %mul3A_603 = arith.constant 16 : i32
        %mul3A_604 = arith.muli %scan3A_601, %mul3A_603 : i32
        %get3A = arith.index_cast %mul3A_604 : i32 to index
        %get3A_605 = tpu.vector_load %arg8[%get3A] {strides = array<i32>} : memref<256xf32, #tpu.memory_space<vmem>>, vector<16xf32>,
        %add3A_606 = arith.constant 1.000000e+00 : f32
        %add3A_607 = vector.broadcast %add3A_606 : f32 to vector<16xf32>
        %add3A_608 = arith.addf %get3A_605, %add3A_607 : vector<16xf32>
        %mul3A_609 = arith.constant 3.200000e+01 : f32
        %mul3A_610 = vector.broadcast %mul3A_609 : f32 to vector<16xf32>
        %mul3A_611 = arith.mulf %add3A_608, %mul3A_610 : vector<16xf32>
        %sub3A = arith.constant 5.000000e-01 : f32
        %sub3A_612 = vector.broadcast %sub3A : f32 to vector<16xf32>
        %sub3A_613 = arith.subf %mul3A_611, %sub3A_612 : vector<16xf32>
        %get3A_614 = arith.index_cast %mul3A_604 : i32 to index
        %get3A_615 = tpu.vector_load %arg9[%get3A_614] {strides = array<i32>} : memref<256xf32, #tpu.memory_space<vmem>>, vector<16xf32>,
        %add3A_616 = arith.constant 1.000000e+00 : f32
        %add3A_617 = vector.broadcast %add3A_616 : f32 to vector<16xf32>
        %add3A_618 = arith.addf %get3A_615, %add3A_617 : vector<16xf32>
        %mul3A_619 = arith.constant 3.200000e+01 : f32
        %mul3A_620 = vector.broadcast %mul3A_619 : f32 to vector<16xf32>
        %mul3A_621 = arith.mulf %add3A_618, %mul3A_620 : vector<16xf32>
        %sub3A_622 = arith.constant 5.000000e-01 : f32
        %sub3A_623 = vector.broadcast %sub3A_622 : f32 to vector<16xf32>
        %sub3A_624 = arith.subf %mul3A_621, %sub3A_623 : vector<16xf32>
        %get3A_625 = arith.index_cast %mul3A_604 : i32 to index
        %get3A_626 = tpu.vector_load %arg10[%get3A_625] {strides = array<i32>} : memref<256xf32, #tpu.memory_space<vmem>>, vector<16xf32>,
        %add3A_627 = arith.constant 1.000000e+00 : f32
        %add3A_628 = vector.broadcast %add3A_627 : f32 to vector<16xf32>
        %add3A_629 = arith.addf %get3A_626, %add3A_628 : vector<16xf32>
        %mul3A_630 = arith.constant 3.200000e+01 : f32
        %mul3A_631 = vector.broadcast %mul3A_630 : f32 to vector<16xf32>
        %mul3A_632 = arith.mulf %add3A_629, %mul3A_631 : vector<16xf32>
        %sub3A_633 = arith.constant 5.000000e-01 : f32
        %sub3A_634 = vector.broadcast %sub3A_633 : f32 to vector<16xf32>
        %sub3A_635 = arith.subf %mul3A_632, %sub3A_634 : vector<16xf32>
        %convert_element_type3A = arith.fptosi %sub3A_613 : vector<16xf32> to vector<16xi32>
        %convert_element_type3A_636 = arith.sitofp %convert_element_type3A : vector<16xi32> to vector<16xf32>
        %gt3A = arith.cmpf ogt, %convert_element_type3A_636, %sub3A_613 : vector<16xf32>
        %sub3A_637 = arith.constant 1 : i32
        %sub3A_638 = vector.broadcast %sub3A_637 : i32 to vector<16xi32>
        %sub3A_639 = arith.subi %convert_element_type3A, %sub3A_638 : vector<16xi32>
        %select_n3A = arith.select %gt3A, %sub3A_639, %convert_element_type3A : vector<16xi1>, vector<16xi32>
        %convert_element_type3A_640 = arith.fptosi %sub3A_624 : vector<16xf32> to vector<16xi32>
        %convert_element_type3A_641 = arith.sitofp %convert_element_type3A_640 : vector<16xi32> to vector<16xf32>
        %gt3A_642 = arith.cmpf ogt, %convert_element_type3A_641, %sub3A_624 : vector<16xf32>
        %sub3A_643 = arith.constant 1 : i32
        %sub3A_644 = vector.broadcast %sub3A_643 : i32 to vector<16xi32>
        %sub3A_645 = arith.subi %convert_element_type3A_640, %sub3A_644 : vector<16xi32>
        %select_n3A_646 = arith.select %gt3A_642, %sub3A_645, %convert_element_type3A_640 : vector<16xi1>, vector<16xi32>
        %convert_element_type3A_647 = arith.fptosi %sub3A_635 : vector<16xf32> to vector<16xi32>
        %convert_element_type3A_648 = arith.sitofp %convert_element_type3A_647 : vector<16xi32> to vector<16xf32>
        %gt3A_649 = arith.cmpf ogt, %convert_element_type3A_648, %sub3A_635 : vector<16xf32>
        %sub3A_650 = arith.constant 1 : i32
        %sub3A_651 = vector.broadcast %sub3A_650 : i32 to vector<16xi32>
        %sub3A_652 = arith.subi %convert_element_type3A_647, %sub3A_651 : vector<16xi32>
        %select_n3A_653 = arith.select %gt3A_649, %sub3A_652, %convert_element_type3A_647 : vector<16xi1>, vector<16xi32>
        %convert_element_type3A_654 = arith.sitofp %select_n3A : vector<16xi32> to vector<16xf32>
        %sub3A_655 = arith.subf %sub3A_613, %convert_element_type3A_654 : vector<16xf32>
        %convert_element_type3A_656 = arith.sitofp %select_n3A_646 : vector<16xi32> to vector<16xf32>
        %sub3A_657 = arith.subf %sub3A_624, %convert_element_type3A_656 : vector<16xf32>
        %convert_element_type3A_658 = arith.sitofp %select_n3A_653 : vector<16xi32> to vector<16xf32>
        %sub3A_659 = arith.subf %sub3A_635, %convert_element_type3A_658 : vector<16xf32>
        %broadcast_in_dim3A = arith.constant 0 : i32
        %broadcast_in_dim3A_660 = vector.broadcast %broadcast_in_dim3A : i32 to vector<16xi32>
        %and3A = arith.constant 1 : i32
        %and3A_661 = vector.broadcast %and3A : i32 to vector<16xi32>
        %and3A_662 = arith.andi %select_n3A, %and3A_661 : vector<16xi32>
        %shift_left3A = arith.constant 2 : i32
        %shift_left3A_663 = vector.broadcast %shift_left3A : i32 to vector<16xi32>
        %shift_left3A_664 = arith.shli %and3A_662, %shift_left3A_663 : vector<16xi32>
        %or3A = arith.ori %broadcast_in_dim3A_660, %shift_left3A_664 : vector<16xi32>
        %and3A_665 = arith.constant 2 : i32
        %and3A_666 = vector.broadcast %and3A_665 : i32 to vector<16xi32>
        %and3A_667 = arith.andi %select_n3A, %and3A_666 : vector<16xi32>
        %shift_left3A_668 = arith.constant 4 : i32
        %shift_left3A_669 = vector.broadcast %shift_left3A_668 : i32 to vector<16xi32>
        %shift_left3A_670 = arith.shli %and3A_667, %shift_left3A_669 : vector<16xi32>
        %or3A_671 = arith.ori %or3A, %shift_left3A_670 : vector<16xi32>
        %and3A_672 = arith.constant 4 : i32
        %and3A_673 = vector.broadcast %and3A_672 : i32 to vector<16xi32>
        %and3A_674 = arith.andi %select_n3A, %and3A_673 : vector<16xi32>
        %shift_left3A_675 = arith.constant 6 : i32
        %shift_left3A_676 = vector.broadcast %shift_left3A_675 : i32 to vector<16xi32>
        %shift_left3A_677 = arith.shli %and3A_674, %shift_left3A_676 : vector<16xi32>
        %or3A_678 = arith.ori %or3A_671, %shift_left3A_677 : vector<16xi32>
        %and3A_679 = arith.constant 8 : i32
        %and3A_680 = vector.broadcast %and3A_679 : i32 to vector<16xi32>
        %and3A_681 = arith.andi %select_n3A, %and3A_680 : vector<16xi32>
        %shift_left3A_682 = arith.constant 8 : i32
        %shift_left3A_683 = vector.broadcast %shift_left3A_682 : i32 to vector<16xi32>
        %shift_left3A_684 = arith.shli %and3A_681, %shift_left3A_683 : vector<16xi32>
        %or3A_685 = arith.ori %or3A_678, %shift_left3A_684 : vector<16xi32>
        %and3A_686 = arith.constant 16 : i32
        %and3A_687 = vector.broadcast %and3A_686 : i32 to vector<16xi32>
        %and3A_688 = arith.andi %select_n3A, %and3A_687 : vector<16xi32>
        %shift_left3A_689 = arith.constant 10 : i32
        %shift_left3A_690 = vector.broadcast %shift_left3A_689 : i32 to vector<16xi32>
        %shift_left3A_691 = arith.shli %and3A_688, %shift_left3A_690 : vector<16xi32>
        %or3A_692 = arith.ori %or3A_685, %shift_left3A_691 : vector<16xi32>
        %and3A_693 = arith.constant 32 : i32
        %and3A_694 = vector.broadcast %and3A_693 : i32 to vector<16xi32>
        %and3A_695 = arith.andi %select_n3A, %and3A_694 : vector<16xi32>
        %shift_left3A_696 = arith.constant 12 : i32
        %shift_left3A_697 = vector.broadcast %shift_left3A_696 : i32 to vector<16xi32>
        %shift_left3A_698 = arith.shli %and3A_695, %shift_left3A_697 : vector<16xi32>
        %or3A_699 = arith.ori %or3A_692, %shift_left3A_698 : vector<16xi32>
        %add3A_700 = arith.constant 1 : i32
        %add3A_701 = vector.broadcast %add3A_700 : i32 to vector<16xi32>
        %add3A_702 = arith.addi %select_n3A, %add3A_701 : vector<16xi32>
        %broadcast_in_dim3A_703 = arith.constant 0 : i32
        %broadcast_in_dim3A_704 = vector.broadcast %broadcast_in_dim3A_703 : i32 to vector<16xi32>
        %and3A_705 = arith.constant 1 : i32
        %and3A_706 = vector.broadcast %and3A_705 : i32 to vector<16xi32>
        %and3A_707 = arith.andi %add3A_702, %and3A_706 : vector<16xi32>
        %shift_left3A_708 = arith.constant 2 : i32
        %shift_left3A_709 = vector.broadcast %shift_left3A_708 : i32 to vector<16xi32>
        %shift_left3A_710 = arith.shli %and3A_707, %shift_left3A_709 : vector<16xi32>
        %or3A_711 = arith.ori %broadcast_in_dim3A_704, %shift_left3A_710 : vector<16xi32>
        %and3A_712 = arith.constant 2 : i32
        %and3A_713 = vector.broadcast %and3A_712 : i32 to vector<16xi32>
        %and3A_714 = arith.andi %add3A_702, %and3A_713 : vector<16xi32>
        %shift_left3A_715 = arith.constant 4 : i32
        %shift_left3A_716 = vector.broadcast %shift_left3A_715 : i32 to vector<16xi32>
        %shift_left3A_717 = arith.shli %and3A_714, %shift_left3A_716 : vector<16xi32>
        %or3A_718 = arith.ori %or3A_711, %shift_left3A_717 : vector<16xi32>
        %and3A_719 = arith.constant 4 : i32
        %and3A_720 = vector.broadcast %and3A_719 : i32 to vector<16xi32>
        %and3A_721 = arith.andi %add3A_702, %and3A_720 : vector<16xi32>
        %shift_left3A_722 = arith.constant 6 : i32
        %shift_left3A_723 = vector.broadcast %shift_left3A_722 : i32 to vector<16xi32>
        %shift_left3A_724 = arith.shli %and3A_721, %shift_left3A_723 : vector<16xi32>
        %or3A_725 = arith.ori %or3A_718, %shift_left3A_724 : vector<16xi32>
        %and3A_726 = arith.constant 8 : i32
        %and3A_727 = vector.broadcast %and3A_726 : i32 to vector<16xi32>
        %and3A_728 = arith.andi %add3A_702, %and3A_727 : vector<16xi32>
        %shift_left3A_729 = arith.constant 8 : i32
        %shift_left3A_730 = vector.broadcast %shift_left3A_729 : i32 to vector<16xi32>
        %shift_left3A_731 = arith.shli %and3A_728, %shift_left3A_730 : vector<16xi32>
        %or3A_732 = arith.ori %or3A_725, %shift_left3A_731 : vector<16xi32>
        %and3A_733 = arith.constant 16 : i32
        %and3A_734 = vector.broadcast %and3A_733 : i32 to vector<16xi32>
        %and3A_735 = arith.andi %add3A_702, %and3A_734 : vector<16xi32>
        %shift_left3A_736 = arith.constant 10 : i32
        %shift_left3A_737 = vector.broadcast %shift_left3A_736 : i32 to vector<16xi32>
        %shift_left3A_738 = arith.shli %and3A_735, %shift_left3A_737 : vector<16xi32>
        %or3A_739 = arith.ori %or3A_732, %shift_left3A_738 : vector<16xi32>
        %and3A_740 = arith.constant 32 : i32
        %and3A_741 = vector.broadcast %and3A_740 : i32 to vector<16xi32>
        %and3A_742 = arith.andi %add3A_702, %and3A_741 : vector<16xi32>
        %shift_left3A_743 = arith.constant 12 : i32
        %shift_left3A_744 = vector.broadcast %shift_left3A_743 : i32 to vector<16xi32>
        %shift_left3A_745 = arith.shli %and3A_742, %shift_left3A_744 : vector<16xi32>
        %or3A_746 = arith.ori %or3A_739, %shift_left3A_745 : vector<16xi32>
        %broadcast_in_dim3A_747 = arith.constant 0 : i32
        %broadcast_in_dim3A_748 = vector.broadcast %broadcast_in_dim3A_747 : i32 to vector<16xi32>
        %and3A_749 = arith.constant 1 : i32
        %and3A_750 = vector.broadcast %and3A_749 : i32 to vector<16xi32>
        %and3A_751 = arith.andi %select_n3A_646, %and3A_750 : vector<16xi32>
        %shift_left3A_752 = arith.constant 1 : i32
        %shift_left3A_753 = vector.broadcast %shift_left3A_752 : i32 to vector<16xi32>
        %shift_left3A_754 = arith.shli %and3A_751, %shift_left3A_753 : vector<16xi32>
        %or3A_755 = arith.ori %broadcast_in_dim3A_748, %shift_left3A_754 : vector<16xi32>
        %and3A_756 = arith.constant 2 : i32
        %and3A_757 = vector.broadcast %and3A_756 : i32 to vector<16xi32>
        %and3A_758 = arith.andi %select_n3A_646, %and3A_757 : vector<16xi32>
        %shift_left3A_759 = arith.constant 3 : i32
        %shift_left3A_760 = vector.broadcast %shift_left3A_759 : i32 to vector<16xi32>
        %shift_left3A_761 = arith.shli %and3A_758, %shift_left3A_760 : vector<16xi32>
        %or3A_762 = arith.ori %or3A_755, %shift_left3A_761 : vector<16xi32>
        %and3A_763 = arith.constant 4 : i32
        %and3A_764 = vector.broadcast %and3A_763 : i32 to vector<16xi32>
        %and3A_765 = arith.andi %select_n3A_646, %and3A_764 : vector<16xi32>
        %shift_left3A_766 = arith.constant 5 : i32
        %shift_left3A_767 = vector.broadcast %shift_left3A_766 : i32 to vector<16xi32>
        %shift_left3A_768 = arith.shli %and3A_765, %shift_left3A_767 : vector<16xi32>
        %or3A_769 = arith.ori %or3A_762, %shift_left3A_768 : vector<16xi32>
        %and3A_770 = arith.constant 8 : i32
        %and3A_771 = vector.broadcast %and3A_770 : i32 to vector<16xi32>
        %and3A_772 = arith.andi %select_n3A_646, %and3A_771 : vector<16xi32>
        %shift_left3A_773 = arith.constant 7 : i32
        %shift_left3A_774 = vector.broadcast %shift_left3A_773 : i32 to vector<16xi32>
        %shift_left3A_775 = arith.shli %and3A_772, %shift_left3A_774 : vector<16xi32>
        %or3A_776 = arith.ori %or3A_769, %shift_left3A_775 : vector<16xi32>
        %and3A_777 = arith.constant 16 : i32
        %and3A_778 = vector.broadcast %and3A_777 : i32 to vector<16xi32>
        %and3A_779 = arith.andi %select_n3A_646, %and3A_778 : vector<16xi32>
        %shift_left3A_780 = arith.constant 9 : i32
        %shift_left3A_781 = vector.broadcast %shift_left3A_780 : i32 to vector<16xi32>
        %shift_left3A_782 = arith.shli %and3A_779, %shift_left3A_781 : vector<16xi32>
        %or3A_783 = arith.ori %or3A_776, %shift_left3A_782 : vector<16xi32>
        %and3A_784 = arith.constant 32 : i32
        %and3A_785 = vector.broadcast %and3A_784 : i32 to vector<16xi32>
        %and3A_786 = arith.andi %select_n3A_646, %and3A_785 : vector<16xi32>
        %shift_left3A_787 = arith.constant 11 : i32
        %shift_left3A_788 = vector.broadcast %shift_left3A_787 : i32 to vector<16xi32>
        %shift_left3A_789 = arith.shli %and3A_786, %shift_left3A_788 : vector<16xi32>
        %or3A_790 = arith.ori %or3A_783, %shift_left3A_789 : vector<16xi32>
        %add3A_791 = arith.constant 1 : i32
        %add3A_792 = vector.broadcast %add3A_791 : i32 to vector<16xi32>
        %add3A_793 = arith.addi %select_n3A_646, %add3A_792 : vector<16xi32>
        %broadcast_in_dim3A_794 = arith.constant 0 : i32
        %broadcast_in_dim3A_795 = vector.broadcast %broadcast_in_dim3A_794 : i32 to vector<16xi32>
        %and3A_796 = arith.constant 1 : i32
        %and3A_797 = vector.broadcast %and3A_796 : i32 to vector<16xi32>
        %and3A_798 = arith.andi %add3A_793, %and3A_797 : vector<16xi32>
        %shift_left3A_799 = arith.constant 1 : i32
        %shift_left3A_800 = vector.broadcast %shift_left3A_799 : i32 to vector<16xi32>
        %shift_left3A_801 = arith.shli %and3A_798, %shift_left3A_800 : vector<16xi32>
        %or3A_802 = arith.ori %broadcast_in_dim3A_795, %shift_left3A_801 : vector<16xi32>
        %and3A_803 = arith.constant 2 : i32
        %and3A_804 = vector.broadcast %and3A_803 : i32 to vector<16xi32>
        %and3A_805 = arith.andi %add3A_793, %and3A_804 : vector<16xi32>
        %shift_left3A_806 = arith.constant 3 : i32
        %shift_left3A_807 = vector.broadcast %shift_left3A_806 : i32 to vector<16xi32>
        %shift_left3A_808 = arith.shli %and3A_805, %shift_left3A_807 : vector<16xi32>
        %or3A_809 = arith.ori %or3A_802, %shift_left3A_808 : vector<16xi32>
        %and3A_810 = arith.constant 4 : i32
        %and3A_811 = vector.broadcast %and3A_810 : i32 to vector<16xi32>
        %and3A_812 = arith.andi %add3A_793, %and3A_811 : vector<16xi32>
        %shift_left3A_813 = arith.constant 5 : i32
        %shift_left3A_814 = vector.broadcast %shift_left3A_813 : i32 to vector<16xi32>
        %shift_left3A_815 = arith.shli %and3A_812, %shift_left3A_814 : vector<16xi32>
        %or3A_816 = arith.ori %or3A_809, %shift_left3A_815 : vector<16xi32>
        %and3A_817 = arith.constant 8 : i32
        %and3A_818 = vector.broadcast %and3A_817 : i32 to vector<16xi32>
        %and3A_819 = arith.andi %add3A_793, %and3A_818 : vector<16xi32>
        %shift_left3A_820 = arith.constant 7 : i32
        %shift_left3A_821 = vector.broadcast %shift_left3A_820 : i32 to vector<16xi32>
        %shift_left3A_822 = arith.shli %and3A_819, %shift_left3A_821 : vector<16xi32>
        %or3A_823 = arith.ori %or3A_816, %shift_left3A_822 : vector<16xi32>
        %and3A_824 = arith.constant 16 : i32
        %and3A_825 = vector.broadcast %and3A_824 : i32 to vector<16xi32>
        %and3A_826 = arith.andi %add3A_793, %and3A_825 : vector<16xi32>
        %shift_left3A_827 = arith.constant 9 : i32
        %shift_left3A_828 = vector.broadcast %shift_left3A_827 : i32 to vector<16xi32>
        %shift_left3A_829 = arith.shli %and3A_826, %shift_left3A_828 : vector<16xi32>
        %or3A_830 = arith.ori %or3A_823, %shift_left3A_829 : vector<16xi32>
        %and3A_831 = arith.constant 32 : i32
        %and3A_832 = vector.broadcast %and3A_831 : i32 to vector<16xi32>
        %and3A_833 = arith.andi %add3A_793, %and3A_832 : vector<16xi32>
        %shift_left3A_834 = arith.constant 11 : i32
        %shift_left3A_835 = vector.broadcast %shift_left3A_834 : i32 to vector<16xi32>
        %shift_left3A_836 = arith.shli %and3A_833, %shift_left3A_835 : vector<16xi32>
        %or3A_837 = arith.ori %or3A_830, %shift_left3A_836 : vector<16xi32>
        %broadcast_in_dim3A_838 = arith.constant 0 : i32
        %broadcast_in_dim3A_839 = vector.broadcast %broadcast_in_dim3A_838 : i32 to vector<16xi32>
        %and3A_840 = arith.constant 1 : i32
        %and3A_841 = vector.broadcast %and3A_840 : i32 to vector<16xi32>
        %and3A_842 = arith.andi %select_n3A_653, %and3A_841 : vector<16xi32>
        %shift_left3A_843 = arith.constant 0 : i32
        %shift_left3A_844 = vector.broadcast %shift_left3A_843 : i32 to vector<16xi32>
        %shift_left3A_845 = arith.shli %and3A_842, %shift_left3A_844 : vector<16xi32>
        %or3A_846 = arith.ori %broadcast_in_dim3A_839, %shift_left3A_845 : vector<16xi32>
        %and3A_847 = arith.constant 2 : i32
        %and3A_848 = vector.broadcast %and3A_847 : i32 to vector<16xi32>
        %and3A_849 = arith.andi %select_n3A_653, %and3A_848 : vector<16xi32>
        %shift_left3A_850 = arith.constant 2 : i32
        %shift_left3A_851 = vector.broadcast %shift_left3A_850 : i32 to vector<16xi32>
        %shift_left3A_852 = arith.shli %and3A_849, %shift_left3A_851 : vector<16xi32>
        %or3A_853 = arith.ori %or3A_846, %shift_left3A_852 : vector<16xi32>
        %and3A_854 = arith.constant 4 : i32
        %and3A_855 = vector.broadcast %and3A_854 : i32 to vector<16xi32>
        %and3A_856 = arith.andi %select_n3A_653, %and3A_855 : vector<16xi32>
        %shift_left3A_857 = arith.constant 4 : i32
        %shift_left3A_858 = vector.broadcast %shift_left3A_857 : i32 to vector<16xi32>
        %shift_left3A_859 = arith.shli %and3A_856, %shift_left3A_858 : vector<16xi32>
        %or3A_860 = arith.ori %or3A_853, %shift_left3A_859 : vector<16xi32>
        %and3A_861 = arith.constant 8 : i32
        %and3A_862 = vector.broadcast %and3A_861 : i32 to vector<16xi32>
        %and3A_863 = arith.andi %select_n3A_653, %and3A_862 : vector<16xi32>
        %shift_left3A_864 = arith.constant 6 : i32
        %shift_left3A_865 = vector.broadcast %shift_left3A_864 : i32 to vector<16xi32>
        %shift_left3A_866 = arith.shli %and3A_863, %shift_left3A_865 : vector<16xi32>
        %or3A_867 = arith.ori %or3A_860, %shift_left3A_866 : vector<16xi32>
        %and3A_868 = arith.constant 16 : i32
        %and3A_869 = vector.broadcast %and3A_868 : i32 to vector<16xi32>
        %and3A_870 = arith.andi %select_n3A_653, %and3A_869 : vector<16xi32>
        %shift_left3A_871 = arith.constant 8 : i32
        %shift_left3A_872 = vector.broadcast %shift_left3A_871 : i32 to vector<16xi32>
        %shift_left3A_873 = arith.shli %and3A_870, %shift_left3A_872 : vector<16xi32>
        %or3A_874 = arith.ori %or3A_867, %shift_left3A_873 : vector<16xi32>
        %and3A_875 = arith.constant 32 : i32
        %and3A_876 = vector.broadcast %and3A_875 : i32 to vector<16xi32>
        %and3A_877 = arith.andi %select_n3A_653, %and3A_876 : vector<16xi32>
        %shift_left3A_878 = arith.constant 10 : i32
        %shift_left3A_879 = vector.broadcast %shift_left3A_878 : i32 to vector<16xi32>
        %shift_left3A_880 = arith.shli %and3A_877, %shift_left3A_879 : vector<16xi32>
        %or3A_881 = arith.ori %or3A_874, %shift_left3A_880 : vector<16xi32>
        %add3A_882 = arith.constant 1 : i32
        %add3A_883 = vector.broadcast %add3A_882 : i32 to vector<16xi32>
        %add3A_884 = arith.addi %select_n3A_653, %add3A_883 : vector<16xi32>
        %broadcast_in_dim3A_885 = arith.constant 0 : i32
        %broadcast_in_dim3A_886 = vector.broadcast %broadcast_in_dim3A_885 : i32 to vector<16xi32>
        %and3A_887 = arith.constant 1 : i32
        %and3A_888 = vector.broadcast %and3A_887 : i32 to vector<16xi32>
        %and3A_889 = arith.andi %add3A_884, %and3A_888 : vector<16xi32>
        %shift_left3A_890 = arith.constant 0 : i32
        %shift_left3A_891 = vector.broadcast %shift_left3A_890 : i32 to vector<16xi32>
        %shift_left3A_892 = arith.shli %and3A_889, %shift_left3A_891 : vector<16xi32>
        %or3A_893 = arith.ori %broadcast_in_dim3A_886, %shift_left3A_892 : vector<16xi32>
        %and3A_894 = arith.constant 2 : i32
        %and3A_895 = vector.broadcast %and3A_894 : i32 to vector<16xi32>
        %and3A_896 = arith.andi %add3A_884, %and3A_895 : vector<16xi32>
        %shift_left3A_897 = arith.constant 2 : i32
        %shift_left3A_898 = vector.broadcast %shift_left3A_897 : i32 to vector<16xi32>
        %shift_left3A_899 = arith.shli %and3A_896, %shift_left3A_898 : vector<16xi32>
        %or3A_900 = arith.ori %or3A_893, %shift_left3A_899 : vector<16xi32>
        %and3A_901 = arith.constant 4 : i32
        %and3A_902 = vector.broadcast %and3A_901 : i32 to vector<16xi32>
        %and3A_903 = arith.andi %add3A_884, %and3A_902 : vector<16xi32>
        %shift_left3A_904 = arith.constant 4 : i32
        %shift_left3A_905 = vector.broadcast %shift_left3A_904 : i32 to vector<16xi32>
        %shift_left3A_906 = arith.shli %and3A_903, %shift_left3A_905 : vector<16xi32>
        %or3A_907 = arith.ori %or3A_900, %shift_left3A_906 : vector<16xi32>
        %and3A_908 = arith.constant 8 : i32
        %and3A_909 = vector.broadcast %and3A_908 : i32 to vector<16xi32>
        %and3A_910 = arith.andi %add3A_884, %and3A_909 : vector<16xi32>
        %shift_left3A_911 = arith.constant 6 : i32
        %shift_left3A_912 = vector.broadcast %shift_left3A_911 : i32 to vector<16xi32>
        %shift_left3A_913 = arith.shli %and3A_910, %shift_left3A_912 : vector<16xi32>
        %or3A_914 = arith.ori %or3A_907, %shift_left3A_913 : vector<16xi32>
        %and3A_915 = arith.constant 16 : i32
        %and3A_916 = vector.broadcast %and3A_915 : i32 to vector<16xi32>
        %and3A_917 = arith.andi %add3A_884, %and3A_916 : vector<16xi32>
        %shift_left3A_918 = arith.constant 8 : i32
        %shift_left3A_919 = vector.broadcast %shift_left3A_918 : i32 to vector<16xi32>
        %shift_left3A_920 = arith.shli %and3A_917, %shift_left3A_919 : vector<16xi32>
        %or3A_921 = arith.ori %or3A_914, %shift_left3A_920 : vector<16xi32>
        %and3A_922 = arith.constant 32 : i32
        %and3A_923 = vector.broadcast %and3A_922 : i32 to vector<16xi32>
        %and3A_924 = arith.andi %add3A_884, %and3A_923 : vector<16xi32>
        %shift_left3A_925 = arith.constant 10 : i32
        %shift_left3A_926 = vector.broadcast %shift_left3A_925 : i32 to vector<16xi32>
        %shift_left3A_927 = arith.shli %and3A_924, %shift_left3A_926 : vector<16xi32>
        %or3A_928 = arith.ori %or3A_921, %shift_left3A_927 : vector<16xi32>
        %ge3A = arith.constant 0 : i32
        %ge3A_929 = vector.broadcast %ge3A : i32 to vector<16xi32>
        %ge3A_930 = arith.cmpi sge, %select_n3A, %ge3A_929 : vector<16xi32>
        %lt3A = arith.constant 64 : i32
        %lt3A_931 = vector.broadcast %lt3A : i32 to vector<16xi32>
        %lt3A_932 = arith.cmpi slt, %select_n3A, %lt3A_931 : vector<16xi32>
        %and3A_933 = arith.andi %ge3A_930, %lt3A_932 : vector<16xi1>
        %add3A_934 = arith.constant 1 : i32
        %add3A_935 = vector.broadcast %add3A_934 : i32 to vector<16xi32>
        %add3A_936 = arith.addi %select_n3A, %add3A_935 : vector<16xi32>
        %ge3A_937 = arith.constant 0 : i32
        %ge3A_938 = vector.broadcast %ge3A_937 : i32 to vector<16xi32>
        %ge3A_939 = arith.cmpi sge, %add3A_936, %ge3A_938 : vector<16xi32>
        %add3A_940 = arith.constant 1 : i32
        %add3A_941 = vector.broadcast %add3A_940 : i32 to vector<16xi32>
        %add3A_942 = arith.addi %select_n3A, %add3A_941 : vector<16xi32>
        %lt3A_943 = arith.constant 64 : i32
        %lt3A_944 = vector.broadcast %lt3A_943 : i32 to vector<16xi32>
        %lt3A_945 = arith.cmpi slt, %add3A_942, %lt3A_944 : vector<16xi32>
        %and3A_946 = arith.andi %ge3A_939, %lt3A_945 : vector<16xi1>
        %ge3A_947 = arith.constant 0 : i32
        %ge3A_948 = vector.broadcast %ge3A_947 : i32 to vector<16xi32>
        %ge3A_949 = arith.cmpi sge, %select_n3A_646, %ge3A_948 : vector<16xi32>
        %lt3A_950 = arith.constant 64 : i32
        %lt3A_951 = vector.broadcast %lt3A_950 : i32 to vector<16xi32>
        %lt3A_952 = arith.cmpi slt, %select_n3A_646, %lt3A_951 : vector<16xi32>
        %and3A_953 = arith.andi %ge3A_949, %lt3A_952 : vector<16xi1>
        %add3A_954 = arith.constant 1 : i32
        %add3A_955 = vector.broadcast %add3A_954 : i32 to vector<16xi32>
        %add3A_956 = arith.addi %select_n3A_646, %add3A_955 : vector<16xi32>
        %ge3A_957 = arith.constant 0 : i32
        %ge3A_958 = vector.broadcast %ge3A_957 : i32 to vector<16xi32>
        %ge3A_959 = arith.cmpi sge, %add3A_956, %ge3A_958 : vector<16xi32>
        %add3A_960 = arith.constant 1 : i32
        %add3A_961 = vector.broadcast %add3A_960 : i32 to vector<16xi32>
        %add3A_962 = arith.addi %select_n3A_646, %add3A_961 : vector<16xi32>
        %lt3A_963 = arith.constant 64 : i32
        %lt3A_964 = vector.broadcast %lt3A_963 : i32 to vector<16xi32>
        %lt3A_965 = arith.cmpi slt, %add3A_962, %lt3A_964 : vector<16xi32>
        %and3A_966 = arith.andi %ge3A_959, %lt3A_965 : vector<16xi1>
        %ge3A_967 = arith.constant 0 : i32
        %ge3A_968 = vector.broadcast %ge3A_967 : i32 to vector<16xi32>
        %ge3A_969 = arith.cmpi sge, %select_n3A_653, %ge3A_968 : vector<16xi32>
        %lt3A_970 = arith.constant 64 : i32
        %lt3A_971 = vector.broadcast %lt3A_970 : i32 to vector<16xi32>
        %lt3A_972 = arith.cmpi slt, %select_n3A_653, %lt3A_971 : vector<16xi32>
        %and3A_973 = arith.andi %ge3A_969, %lt3A_972 : vector<16xi1>
        %add3A_974 = arith.constant 1 : i32
        %add3A_975 = vector.broadcast %add3A_974 : i32 to vector<16xi32>
        %add3A_976 = arith.addi %select_n3A_653, %add3A_975 : vector<16xi32>
        %ge3A_977 = arith.constant 0 : i32
        %ge3A_978 = vector.broadcast %ge3A_977 : i32 to vector<16xi32>
        %ge3A_979 = arith.cmpi sge, %add3A_976, %ge3A_978 : vector<16xi32>
        %add3A_980 = arith.constant 1 : i32
        %add3A_981 = vector.broadcast %add3A_980 : i32 to vector<16xi32>
        %add3A_982 = arith.addi %select_n3A_653, %add3A_981 : vector<16xi32>
        %lt3A_983 = arith.constant 64 : i32
        %lt3A_984 = vector.broadcast %lt3A_983 : i32 to vector<16xi32>
        %lt3A_985 = arith.cmpi slt, %add3A_982, %lt3A_984 : vector<16xi32>
        %and3A_986 = arith.andi %ge3A_979, %lt3A_985 : vector<16xi1>
        %sub3A_987 = arith.constant 1.000000e+00 : f32
        %sub3A_988 = vector.broadcast %sub3A_987 : f32 to vector<16xf32>
        %sub3A_989 = arith.subf %sub3A_988, %sub3A_655 : vector<16xf32>
        %neg3A = arith.constant 0.000000e+00 : f32
        %neg3A_990 = vector.broadcast %neg3A : f32 to vector<16xf32>
        %neg3A_991 = arith.subf %neg3A_990, %sub3A_655 : vector<16xf32>
        %sub3A_992 = arith.constant 1.000000e+00 : f32
        %sub3A_993 = vector.broadcast %sub3A_992 : f32 to vector<16xf32>
        %sub3A_994 = arith.subf %sub3A_993, %sub3A_657 : vector<16xf32>
        %neg3A_995 = arith.constant 0.000000e+00 : f32
        %neg3A_996 = vector.broadcast %neg3A_995 : f32 to vector<16xf32>
        %neg3A_997 = arith.subf %neg3A_996, %sub3A_657 : vector<16xf32>
        %sub3A_998 = arith.constant 1.000000e+00 : f32
        %sub3A_999 = vector.broadcast %sub3A_998 : f32 to vector<16xf32>
        %sub3A_1000 = arith.subf %sub3A_999, %sub3A_659 : vector<16xf32>
        %neg3A_1001 = arith.constant 0.000000e+00 : f32
        %neg3A_1002 = vector.broadcast %neg3A_1001 : f32 to vector<16xf32>
        %neg3A_1003 = arith.subf %neg3A_1002, %sub3A_659 : vector<16xf32>
        %or3A_1004 = arith.ori %or3A_699, %or3A_790 : vector<16xi32>
        %or3A_1005 = arith.ori %or3A_1004, %or3A_881 : vector<16xi32>
        %and3A_1006 = arith.andi %and3A_933, %and3A_953 : vector<16xi1>
        %and3A_1007 = arith.andi %and3A_1006, %and3A_973 : vector<16xi1>
        %jit3A = arith.constant 262144 : i32
        %broadcast_in_dim3A_1008 = vector.broadcast %jit3A : i32 to vector<16xi32>
        %select_n3A_1009 = arith.select %and3A_1007, %or3A_1005, %broadcast_in_dim3A_1008 : vector<16xi1>, vector<16xi32>
        %add3A_1010 = arith.constant 0 : i32
        %add3A_1011 = arith.addi %add3A_1010, %mul3A_604 : i32
        %swap3A = arith.index_cast %add3A_1011 : i32 to index
        %swap3A_1012 = tpu.vector_load %arg11[%swap3A] {strides = array<i32>} : memref<2048xi32, #tpu.memory_space<vmem>>, vector<16xi32>,
        tpu.vector_store %arg11[%swap3A], %select_n3A_1009 {strides = array<i32>} : memref<2048xi32, #tpu.memory_space<vmem>>, vector<16xi32>,
        %mul3A_1013 = arith.mulf %sub3A_989, %sub3A_994 : vector<16xf32>
        %mul3A_1014 = arith.mulf %mul3A_1013, %sub3A_1000 : vector<16xf32>
        %abs3A = math.absf %mul3A_1014 : vector<16xf32>
        %jit3A_1015 = arith.constant 0.000000e+00 : f32
        %broadcast_in_dim3A_1016 = vector.broadcast %jit3A_1015 : f32 to vector<16xf32>
        %select_n3A_1017 = arith.select %and3A_1007, %abs3A, %broadcast_in_dim3A_1016 : vector<16xi1>, vector<16xf32>
        %add3A_1018 = arith.constant 0 : i32
        %add3A_1019 = arith.addi %add3A_1018, %mul3A_604 : i32
        %swap3A_1020 = arith.index_cast %add3A_1019 : i32 to index
        %swap3A_1021 = tpu.vector_load %arg12[%swap3A_1020] {strides = array<i32>} : memref<2064xf32, #tpu.memory_space<vmem>>, vector<16xf32>,
        tpu.vector_store %arg12[%swap3A_1020], %select_n3A_1017 {strides = array<i32>} : memref<2064xf32, #tpu.memory_space<vmem>>, vector<16xf32>,
        %or3A_1022 = arith.ori %or3A_699, %or3A_790 : vector<16xi32>
        %or3A_1023 = arith.ori %or3A_1022, %or3A_928 : vector<16xi32>
        %and3A_1024 = arith.andi %and3A_933, %and3A_953 : vector<16xi1>
        %and3A_1025 = arith.andi %and3A_1024, %and3A_986 : vector<16xi1>
        %jit3A_1026 = arith.constant 262144 : i32
        %broadcast_in_dim3A_1027 = vector.broadcast %jit3A_1026 : i32 to vector<16xi32>
        %select_n3A_1028 = arith.select %and3A_1025, %or3A_1023, %broadcast_in_dim3A_1027 : vector<16xi1>, vector<16xi32>
        %add3A_1029 = arith.constant 256 : i32
        %add3A_1030 = arith.addi %add3A_1029, %mul3A_604 : i32
        %swap3A_1031 = arith.index_cast %add3A_1030 : i32 to index
        %swap3A_1032 = tpu.vector_load %arg11[%swap3A_1031] {strides = array<i32>} : memref<2048xi32, #tpu.memory_space<vmem>>, vector<16xi32>,
        tpu.vector_store %arg11[%swap3A_1031], %select_n3A_1028 {strides = array<i32>} : memref<2048xi32, #tpu.memory_space<vmem>>, vector<16xi32>,
        %mul3A_1033 = arith.mulf %sub3A_989, %sub3A_994 : vector<16xf32>
        %mul3A_1034 = arith.mulf %mul3A_1033, %neg3A_1003 : vector<16xf32>
        %abs3A_1035 = math.absf %mul3A_1034 : vector<16xf32>
        %jit3A_1036 = arith.constant 0.000000e+00 : f32
        %broadcast_in_dim3A_1037 = vector.broadcast %jit3A_1036 : f32 to vector<16xf32>
        %select_n3A_1038 = arith.select %and3A_1025, %abs3A_1035, %broadcast_in_dim3A_1037 : vector<16xi1>, vector<16xf32>
        %add3A_1039 = arith.constant 256 : i32
        %add3A_1040 = arith.addi %add3A_1039, %mul3A_604 : i32
        %swap3A_1041 = arith.index_cast %add3A_1040 : i32 to index
        %swap3A_1042 = tpu.vector_load %arg12[%swap3A_1041] {strides = array<i32>} : memref<2064xf32, #tpu.memory_space<vmem>>, vector<16xf32>,
        tpu.vector_store %arg12[%swap3A_1041], %select_n3A_1038 {strides = array<i32>} : memref<2064xf32, #tpu.memory_space<vmem>>, vector<16xf32>,
        %or3A_1043 = arith.ori %or3A_699, %or3A_837 : vector<16xi32>
        %or3A_1044 = arith.ori %or3A_1043, %or3A_881 : vector<16xi32>
        %and3A_1045 = arith.andi %and3A_933, %and3A_966 : vector<16xi1>
        %and3A_1046 = arith.andi %and3A_1045, %and3A_973 : vector<16xi1>
        %jit3A_1047 = arith.constant 262144 : i32
        %broadcast_in_dim3A_1048 = vector.broadcast %jit3A_1047 : i32 to vector<16xi32>
        %select_n3A_1049 = arith.select %and3A_1046, %or3A_1044, %broadcast_in_dim3A_1048 : vector<16xi1>, vector<16xi32>
        %add3A_1050 = arith.constant 512 : i32
        %add3A_1051 = arith.addi %add3A_1050, %mul3A_604 : i32
        %swap3A_1052 = arith.index_cast %add3A_1051 : i32 to index
        %swap3A_1053 = tpu.vector_load %arg11[%swap3A_1052] {strides = array<i32>} : memref<2048xi32, #tpu.memory_space<vmem>>, vector<16xi32>,
        tpu.vector_store %arg11[%swap3A_1052], %select_n3A_1049 {strides = array<i32>} : memref<2048xi32, #tpu.memory_space<vmem>>, vector<16xi32>,
        %mul3A_1054 = arith.mulf %sub3A_989, %neg3A_997 : vector<16xf32>
        %mul3A_1055 = arith.mulf %mul3A_1054, %sub3A_1000 : vector<16xf32>
        %abs3A_1056 = math.absf %mul3A_1055 : vector<16xf32>
        %jit3A_1057 = arith.constant 0.000000e+00 : f32
        %broadcast_in_dim3A_1058 = vector.broadcast %jit3A_1057 : f32 to vector<16xf32>
        %select_n3A_1059 = arith.select %and3A_1046, %abs3A_1056, %broadcast_in_dim3A_1058 : vector<16xi1>, vector<16xf32>
        %add3A_1060 = arith.constant 512 : i32
        %add3A_1061 = arith.addi %add3A_1060, %mul3A_604 : i32
        %swap3A_1062 = arith.index_cast %add3A_1061 : i32 to index
        %swap3A_1063 = tpu.vector_load %arg12[%swap3A_1062] {strides = array<i32>} : memref<2064xf32, #tpu.memory_space<vmem>>, vector<16xf32>,
        tpu.vector_store %arg12[%swap3A_1062], %select_n3A_1059 {strides = array<i32>} : memref<2064xf32, #tpu.memory_space<vmem>>, vector<16xf32>,
        %or3A_1064 = arith.ori %or3A_699, %or3A_837 : vector<16xi32>
        %or3A_1065 = arith.ori %or3A_1064, %or3A_928 : vector<16xi32>
        %and3A_1066 = arith.andi %and3A_933, %and3A_966 : vector<16xi1>
        %and3A_1067 = arith.andi %and3A_1066, %and3A_986 : vector<16xi1>
        %jit3A_1068 = arith.constant 262144 : i32
        %broadcast_in_dim3A_1069 = vector.broadcast %jit3A_1068 : i32 to vector<16xi32>
        %select_n3A_1070 = arith.select %and3A_1067, %or3A_1065, %broadcast_in_dim3A_1069 : vector<16xi1>, vector<16xi32>
        %add3A_1071 = arith.constant 768 : i32
        %add3A_1072 = arith.addi %add3A_1071, %mul3A_604 : i32
        %swap3A_1073 = arith.index_cast %add3A_1072 : i32 to index
        %swap3A_1074 = tpu.vector_load %arg11[%swap3A_1073] {strides = array<i32>} : memref<2048xi32, #tpu.memory_space<vmem>>, vector<16xi32>,
        tpu.vector_store %arg11[%swap3A_1073], %select_n3A_1070 {strides = array<i32>} : memref<2048xi32, #tpu.memory_space<vmem>>, vector<16xi32>,
        %mul3A_1075 = arith.mulf %sub3A_989, %neg3A_997 : vector<16xf32>
        %mul3A_1076 = arith.mulf %mul3A_1075, %neg3A_1003 : vector<16xf32>
        %abs3A_1077 = math.absf %mul3A_1076 : vector<16xf32>
        %jit3A_1078 = arith.constant 0.000000e+00 : f32
        %broadcast_in_dim3A_1079 = vector.broadcast %jit3A_1078 : f32 to vector<16xf32>
        %select_n3A_1080 = arith.select %and3A_1067, %abs3A_1077, %broadcast_in_dim3A_1079 : vector<16xi1>, vector<16xf32>
        %add3A_1081 = arith.constant 768 : i32
        %add3A_1082 = arith.addi %add3A_1081, %mul3A_604 : i32
        %swap3A_1083 = arith.index_cast %add3A_1082 : i32 to index
        %swap3A_1084 = tpu.vector_load %arg12[%swap3A_1083] {strides = array<i32>} : memref<2064xf32, #tpu.memory_space<vmem>>, vector<16xf32>,
        tpu.vector_store %arg12[%swap3A_1083], %select_n3A_1080 {strides = array<i32>} : memref<2064xf32, #tpu.memory_space<vmem>>, vector<16xf32>,
        %or3A_1085 = arith.ori %or3A_746, %or3A_790 : vector<16xi32>
        %or3A_1086 = arith.ori %or3A_1085, %or3A_881 : vector<16xi32>
        %and3A_1087 = arith.andi %and3A_946, %and3A_953 : vector<16xi1>
        %and3A_1088 = arith.andi %and3A_1087, %and3A_973 : vector<16xi1>
        %jit3A_1089 = arith.constant 262144 : i32
        %broadcast_in_dim3A_1090 = vector.broadcast %jit3A_1089 : i32 to vector<16xi32>
        %select_n3A_1091 = arith.select %and3A_1088, %or3A_1086, %broadcast_in_dim3A_1090 : vector<16xi1>, vector<16xi32>
        %add3A_1092 = arith.constant 1024 : i32
        %add3A_1093 = arith.addi %add3A_1092, %mul3A_604 : i32
        %swap3A_1094 = arith.index_cast %add3A_1093 : i32 to index
        %swap3A_1095 = tpu.vector_load %arg11[%swap3A_1094] {strides = array<i32>} : memref<2048xi32, #tpu.memory_space<vmem>>, vector<16xi32>,
        tpu.vector_store %arg11[%swap3A_1094], %select_n3A_1091 {strides = array<i32>} : memref<2048xi32, #tpu.memory_space<vmem>>, vector<16xi32>,
        %mul3A_1096 = arith.mulf %neg3A_991, %sub3A_994 : vector<16xf32>
        %mul3A_1097 = arith.mulf %mul3A_1096, %sub3A_1000 : vector<16xf32>
        %abs3A_1098 = math.absf %mul3A_1097 : vector<16xf32>
        %jit3A_1099 = arith.constant 0.000000e+00 : f32
        %broadcast_in_dim3A_1100 = vector.broadcast %jit3A_1099 : f32 to vector<16xf32>
        %select_n3A_1101 = arith.select %and3A_1088, %abs3A_1098, %broadcast_in_dim3A_1100 : vector<16xi1>, vector<16xf32>
        %add3A_1102 = arith.constant 1024 : i32
        %add3A_1103 = arith.addi %add3A_1102, %mul3A_604 : i32
        %swap3A_1104 = arith.index_cast %add3A_1103 : i32 to index
        %swap3A_1105 = tpu.vector_load %arg12[%swap3A_1104] {strides = array<i32>} : memref<2064xf32, #tpu.memory_space<vmem>>, vector<16xf32>,
        tpu.vector_store %arg12[%swap3A_1104], %select_n3A_1101 {strides = array<i32>} : memref<2064xf32, #tpu.memory_space<vmem>>, vector<16xf32>,
        %or3A_1106 = arith.ori %or3A_746, %or3A_790 : vector<16xi32>
        %or3A_1107 = arith.ori %or3A_1106, %or3A_928 : vector<16xi32>
        %and3A_1108 = arith.andi %and3A_946, %and3A_953 : vector<16xi1>
        %and3A_1109 = arith.andi %and3A_1108, %and3A_986 : vector<16xi1>
        %jit3A_1110 = arith.constant 262144 : i32
        %broadcast_in_dim3A_1111 = vector.broadcast %jit3A_1110 : i32 to vector<16xi32>
        %select_n3A_1112 = arith.select %and3A_1109, %or3A_1107, %broadcast_in_dim3A_1111 : vector<16xi1>, vector<16xi32>
        %add3A_1113 = arith.constant 1280 : i32
        %add3A_1114 = arith.addi %add3A_1113, %mul3A_604 : i32
        %swap3A_1115 = arith.index_cast %add3A_1114 : i32 to index
        %swap3A_1116 = tpu.vector_load %arg11[%swap3A_1115] {strides = array<i32>} : memref<2048xi32, #tpu.memory_space<vmem>>, vector<16xi32>,
        tpu.vector_store %arg11[%swap3A_1115], %select_n3A_1112 {strides = array<i32>} : memref<2048xi32, #tpu.memory_space<vmem>>, vector<16xi32>,
        %mul3A_1117 = arith.mulf %neg3A_991, %sub3A_994 : vector<16xf32>
        %mul3A_1118 = arith.mulf %mul3A_1117, %neg3A_1003 : vector<16xf32>
        %abs3A_1119 = math.absf %mul3A_1118 : vector<16xf32>
        %jit3A_1120 = arith.constant 0.000000e+00 : f32
        %broadcast_in_dim3A_1121 = vector.broadcast %jit3A_1120 : f32 to vector<16xf32>
        %select_n3A_1122 = arith.select %and3A_1109, %abs3A_1119, %broadcast_in_dim3A_1121 : vector<16xi1>, vector<16xf32>
        %add3A_1123 = arith.constant 1280 : i32
        %add3A_1124 = arith.addi %add3A_1123, %mul3A_604 : i32
        %swap3A_1125 = arith.index_cast %add3A_1124 : i32 to index
        %swap3A_1126 = tpu.vector_load %arg12[%swap3A_1125] {strides = array<i32>} : memref<2064xf32, #tpu.memory_space<vmem>>, vector<16xf32>,
        tpu.vector_store %arg12[%swap3A_1125], %select_n3A_1122 {strides = array<i32>} : memref<2064xf32, #tpu.memory_space<vmem>>, vector<16xf32>,
        %or3A_1127 = arith.ori %or3A_746, %or3A_837 : vector<16xi32>
        %or3A_1128 = arith.ori %or3A_1127, %or3A_881 : vector<16xi32>
        %and3A_1129 = arith.andi %and3A_946, %and3A_966 : vector<16xi1>
        %and3A_1130 = arith.andi %and3A_1129, %and3A_973 : vector<16xi1>
        %jit3A_1131 = arith.constant 262144 : i32
        %broadcast_in_dim3A_1132 = vector.broadcast %jit3A_1131 : i32 to vector<16xi32>
        %select_n3A_1133 = arith.select %and3A_1130, %or3A_1128, %broadcast_in_dim3A_1132 : vector<16xi1>, vector<16xi32>
        %add3A_1134 = arith.constant 1536 : i32
        %add3A_1135 = arith.addi %add3A_1134, %mul3A_604 : i32
        %swap3A_1136 = arith.index_cast %add3A_1135 : i32 to index
        %swap3A_1137 = tpu.vector_load %arg11[%swap3A_1136] {strides = array<i32>} : memref<2048xi32, #tpu.memory_space<vmem>>, vector<16xi32>,
        tpu.vector_store %arg11[%swap3A_1136], %select_n3A_1133 {strides = array<i32>} : memref<2048xi32, #tpu.memory_space<vmem>>, vector<16xi32>,
        %mul3A_1138 = arith.mulf %neg3A_991, %neg3A_997 : vector<16xf32>
        %mul3A_1139 = arith.mulf %mul3A_1138, %sub3A_1000 : vector<16xf32>
        %abs3A_1140 = math.absf %mul3A_1139 : vector<16xf32>
        %jit3A_1141 = arith.constant 0.000000e+00 : f32
        %broadcast_in_dim3A_1142 = vector.broadcast %jit3A_1141 : f32 to vector<16xf32>
        %select_n3A_1143 = arith.select %and3A_1130, %abs3A_1140, %broadcast_in_dim3A_1142 : vector<16xi1>, vector<16xf32>
        %add3A_1144 = arith.constant 1536 : i32
        %add3A_1145 = arith.addi %add3A_1144, %mul3A_604 : i32
        %swap3A_1146 = arith.index_cast %add3A_1145 : i32 to index
        %swap3A_1147 = tpu.vector_load %arg12[%swap3A_1146] {strides = array<i32>} : memref<2064xf32, #tpu.memory_space<vmem>>, vector<16xf32>,
        tpu.vector_store %arg12[%swap3A_1146], %select_n3A_1143 {strides = array<i32>} : memref<2064xf32, #tpu.memory_space<vmem>>, vector<16xf32>,
        %or3A_1148 = arith.ori %or3A_746, %or3A_837 : vector<16xi32>
        %or3A_1149 = arith.ori %or3A_1148, %or3A_928 : vector<16xi32>
        %and3A_1150 = arith.andi %and3A_946, %and3A_966 : vector<16xi1>
        %and3A_1151 = arith.andi %and3A_1150, %and3A_986 : vector<16xi1>
        %jit3A_1152 = arith.constant 262144 : i32
        %broadcast_in_dim3A_1153 = vector.broadcast %jit3A_1152 : i32 to vector<16xi32>
        %select_n3A_1154 = arith.select %and3A_1151, %or3A_1149, %broadcast_in_dim3A_1153 : vector<16xi1>, vector<16xi32>
        %add3A_1155 = arith.constant 1792 : i32
        %add3A_1156 = arith.addi %add3A_1155, %mul3A_604 : i32
        %swap3A_1157 = arith.index_cast %add3A_1156 : i32 to index
        %swap3A_1158 = tpu.vector_load %arg11[%swap3A_1157] {strides = array<i32>} : memref<2048xi32, #tpu.memory_space<vmem>>, vector<16xi32>,
        tpu.vector_store %arg11[%swap3A_1157], %select_n3A_1154 {strides = array<i32>} : memref<2048xi32, #tpu.memory_space<vmem>>, vector<16xi32>,
        %mul3A_1159 = arith.mulf %neg3A_991, %neg3A_997 : vector<16xf32>
        %mul3A_1160 = arith.mulf %mul3A_1159, %neg3A_1003 : vector<16xf32>
        %abs3A_1161 = math.absf %mul3A_1160 : vector<16xf32>
        %jit3A_1162 = arith.constant 0.000000e+00 : f32
        %broadcast_in_dim3A_1163 = vector.broadcast %jit3A_1162 : f32 to vector<16xf32>
        %select_n3A_1164 = arith.select %and3A_1151, %abs3A_1161, %broadcast_in_dim3A_1163 : vector<16xi1>, vector<16xf32>
        %add3A_1165 = arith.constant 1792 : i32
        %add3A_1166 = arith.addi %add3A_1165, %mul3A_604 : i32
        %swap3A_1167 = arith.index_cast %add3A_1166 : i32 to index
        %swap3A_1168 = tpu.vector_load %arg12[%swap3A_1167] {strides = array<i32>} : memref<2064xf32, #tpu.memory_space<vmem>>, vector<16xf32>,
        tpu.vector_store %arg12[%swap3A_1167], %select_n3A_1164 {strides = array<i32>} : memref<2064xf32, #tpu.memory_space<vmem>>, vector<16xf32>,
        %scan3A_1169 = arith.constant 0 : i32
        scf.yield %scan3A_1169 : i32
      }
      %scan3A_20 = arith.constant 16 : i32
      %dma_start3A = arith.constant 0 : i32
      %dma_start3A_21 = tpu.memref_slice %arg13[%dma_start3A] : memref<2048xi32, #tpu.memory_space<vmem>> -> memref<128xi32, #tpu.memory_space<vmem>>
      %dma_start3A_22 = arith.constant 0 : i32
      %dma_start3A_23 = tpu.memref_slice %arg11[%dma_start3A_22] : memref<2048xi32, #tpu.memory_space<vmem>> -> memref<128xi32, #tpu.memory_space<vmem>>
      %dma_start3A_24 = arith.constant 0 : i32
      %dma_start3A_25 = tpu.memref_slice %arg5[%dma_start3A_24] : memref<263168xi32, #tpu.memory_space<hbm>> -> memref<263168xi32, #tpu.memory_space<hbm>>
      tpu.enqueue_indirect_dma source(%dma_start3A_25 : memref<263168xi32, #tpu.memory_space<hbm>>) target(%dma_start3A_21 : memref<128xi32, #tpu.memory_space<vmem>>) offsets(%dma_start3A_23 : memref<128xi32, #tpu.memory_space<vmem>>) semaphore(%arg17 : memref<!tpu.dma_semaphore, #tpu.memory_space<semaphore_mem>>)
      %dma_start3A_26 = arith.constant 128 : i32
      %dma_start3A_27 = tpu.memref_slice %arg13[%dma_start3A_26] : memref<2048xi32, #tpu.memory_space<vmem>> -> memref<128xi32, #tpu.memory_space<vmem>>
      %dma_start3A_28 = arith.constant 128 : i32
      %dma_start3A_29 = tpu.memref_slice %arg11[%dma_start3A_28] : memref<2048xi32, #tpu.memory_space<vmem>> -> memref<128xi32, #tpu.memory_space<vmem>>
      %dma_start3A_30 = arith.constant 0 : i32
      %dma_start3A_31 = tpu.memref_slice %arg5[%dma_start3A_30] : memref<263168xi32, #tpu.memory_space<hbm>> -> memref<263168xi32, #tpu.memory_space<hbm>>
      tpu.enqueue_indirect_dma source(%dma_start3A_31 : memref<263168xi32, #tpu.memory_space<hbm>>) target(%dma_start3A_27 : memref<128xi32, #tpu.memory_space<vmem>>) offsets(%dma_start3A_29 : memref<128xi32, #tpu.memory_space<vmem>>) semaphore(%arg17 : memref<!tpu.dma_semaphore, #tpu.memory_space<semaphore_mem>>)
      %dma_start3A_32 = arith.constant 256 : i32
      %dma_start3A_33 = tpu.memref_slice %arg13[%dma_start3A_32] : memref<2048xi32, #tpu.memory_space<vmem>> -> memref<128xi32, #tpu.memory_space<vmem>>
      %dma_start3A_34 = arith.constant 256 : i32
      %dma_start3A_35 = tpu.memref_slice %arg11[%dma_start3A_34] : memref<2048xi32, #tpu.memory_space<vmem>> -> memref<128xi32, #tpu.memory_space<vmem>>
      %dma_start3A_36 = arith.constant 0 : i32
      %dma_start3A_37 = tpu.memref_slice %arg5[%dma_start3A_36] : memref<263168xi32, #tpu.memory_space<hbm>> -> memref<263168xi32, #tpu.memory_space<hbm>>
      tpu.enqueue_indirect_dma source(%dma_start3A_37 : memref<263168xi32, #tpu.memory_space<hbm>>) target(%dma_start3A_33 : memref<128xi32, #tpu.memory_space<vmem>>) offsets(%dma_start3A_35 : memref<128xi32, #tpu.memory_space<vmem>>) semaphore(%arg17 : memref<!tpu.dma_semaphore, #tpu.memory_space<semaphore_mem>>)
      %dma_start3A_38 = arith.constant 384 : i32
      %dma_start3A_39 = tpu.memref_slice %arg13[%dma_start3A_38] : memref<2048xi32, #tpu.memory_space<vmem>> -> memref<128xi32, #tpu.memory_space<vmem>>
      %dma_start3A_40 = arith.constant 384 : i32
      %dma_start3A_41 = tpu.memref_slice %arg11[%dma_start3A_40] : memref<2048xi32, #tpu.memory_space<vmem>> -> memref<128xi32, #tpu.memory_space<vmem>>
      %dma_start3A_42 = arith.constant 0 : i32
      %dma_start3A_43 = tpu.memref_slice %arg5[%dma_start3A_42] : memref<263168xi32, #tpu.memory_space<hbm>> -> memref<263168xi32, #tpu.memory_space<hbm>>
      tpu.enqueue_indirect_dma source(%dma_start3A_43 : memref<263168xi32, #tpu.memory_space<hbm>>) target(%dma_start3A_39 : memref<128xi32, #tpu.memory_space<vmem>>) offsets(%dma_start3A_41 : memref<128xi32, #tpu.memory_space<vmem>>) semaphore(%arg17 : memref<!tpu.dma_semaphore, #tpu.memory_space<semaphore_mem>>)
      %dma_start3A_44 = arith.constant 512 : i32
      %dma_start3A_45 = tpu.memref_slice %arg13[%dma_start3A_44] : memref<2048xi32, #tpu.memory_space<vmem>> -> memref<128xi32, #tpu.memory_space<vmem>>
      %dma_start3A_46 = arith.constant 512 : i32
      %dma_start3A_47 = tpu.memref_slice %arg11[%dma_start3A_46] : memref<2048xi32, #tpu.memory_space<vmem>> -> memref<128xi32, #tpu.memory_space<vmem>>
      %dma_start3A_48 = arith.constant 0 : i32
      %dma_start3A_49 = tpu.memref_slice %arg5[%dma_start3A_48] : memref<263168xi32, #tpu.memory_space<hbm>> -> memref<263168xi32, #tpu.memory_space<hbm>>
      tpu.enqueue_indirect_dma source(%dma_start3A_49 : memref<263168xi32, #tpu.memory_space<hbm>>) target(%dma_start3A_45 : memref<128xi32, #tpu.memory_space<vmem>>) offsets(%dma_start3A_47 : memref<128xi32, #tpu.memory_space<vmem>>) semaphore(%arg17 : memref<!tpu.dma_semaphore, #tpu.memory_space<semaphore_mem>>)
      %dma_start3A_50 = arith.constant 640 : i32
      %dma_start3A_51 = tpu.memref_slice %arg13[%dma_start3A_50] : memref<2048xi32, #tpu.memory_space<vmem>> -> memref<128xi32, #tpu.memory_space<vmem>>
      %dma_start3A_52 = arith.constant 640 : i32
      %dma_start3A_53 = tpu.memref_slice %arg11[%dma_start3A_52] : memref<2048xi32, #tpu.memory_space<vmem>> -> memref<128xi32, #tpu.memory_space<vmem>>
      %dma_start3A_54 = arith.constant 0 : i32
      %dma_start3A_55 = tpu.memref_slice %arg5[%dma_start3A_54] : memref<263168xi32, #tpu.memory_space<hbm>> -> memref<263168xi32, #tpu.memory_space<hbm>>
      tpu.enqueue_indirect_dma source(%dma_start3A_55 : memref<263168xi32, #tpu.memory_space<hbm>>) target(%dma_start3A_51 : memref<128xi32, #tpu.memory_space<vmem>>) offsets(%dma_start3A_53 : memref<128xi32, #tpu.memory_space<vmem>>) semaphore(%arg17 : memref<!tpu.dma_semaphore, #tpu.memory_space<semaphore_mem>>)
      %dma_start3A_56 = arith.constant 768 : i32
      %dma_start3A_57 = tpu.memref_slice %arg13[%dma_start3A_56] : memref<2048xi32, #tpu.memory_space<vmem>> -> memref<128xi32, #tpu.memory_space<vmem>>
      %dma_start3A_58 = arith.constant 768 : i32
      %dma_start3A_59 = tpu.memref_slice %arg11[%dma_start3A_58] : memref<2048xi32, #tpu.memory_space<vmem>> -> memref<128xi32, #tpu.memory_space<vmem>>
      %dma_start3A_60 = arith.constant 0 : i32
      %dma_start3A_61 = tpu.memref_slice %arg5[%dma_start3A_60] : memref<263168xi32, #tpu.memory_space<hbm>> -> memref<263168xi32, #tpu.memory_space<hbm>>
      tpu.enqueue_indirect_dma source(%dma_start3A_61 : memref<263168xi32, #tpu.memory_space<hbm>>) target(%dma_start3A_57 : memref<128xi32, #tpu.memory_space<vmem>>) offsets(%dma_start3A_59 : memref<128xi32, #tpu.memory_space<vmem>>) semaphore(%arg17 : memref<!tpu.dma_semaphore, #tpu.memory_space<semaphore_mem>>)
      %dma_start3A_62 = arith.constant 896 : i32
      %dma_start3A_63 = tpu.memref_slice %arg13[%dma_start3A_62] : memref<2048xi32, #tpu.memory_space<vmem>> -> memref<128xi32, #tpu.memory_space<vmem>>
      %dma_start3A_64 = arith.constant 896 : i32
      %dma_start3A_65 = tpu.memref_slice %arg11[%dma_start3A_64] : memref<2048xi32, #tpu.memory_space<vmem>> -> memref<128xi32, #tpu.memory_space<vmem>>
      %dma_start3A_66 = arith.constant 0 : i32
      %dma_start3A_67 = tpu.memref_slice %arg5[%dma_start3A_66] : memref<263168xi32, #tpu.memory_space<hbm>> -> memref<263168xi32, #tpu.memory_space<hbm>>
      tpu.enqueue_indirect_dma source(%dma_start3A_67 : memref<263168xi32, #tpu.memory_space<hbm>>) target(%dma_start3A_63 : memref<128xi32, #tpu.memory_space<vmem>>) offsets(%dma_start3A_65 : memref<128xi32, #tpu.memory_space<vmem>>) semaphore(%arg17 : memref<!tpu.dma_semaphore, #tpu.memory_space<semaphore_mem>>)
      %dma_start3A_68 = arith.constant 1024 : i32
      %dma_start3A_69 = tpu.memref_slice %arg13[%dma_start3A_68] : memref<2048xi32, #tpu.memory_space<vmem>> -> memref<128xi32, #tpu.memory_space<vmem>>
      %dma_start3A_70 = arith.constant 1024 : i32
      %dma_start3A_71 = tpu.memref_slice %arg11[%dma_start3A_70] : memref<2048xi32, #tpu.memory_space<vmem>> -> memref<128xi32, #tpu.memory_space<vmem>>
      %dma_start3A_72 = arith.constant 0 : i32
      %dma_start3A_73 = tpu.memref_slice %arg5[%dma_start3A_72] : memref<263168xi32, #tpu.memory_space<hbm>> -> memref<263168xi32, #tpu.memory_space<hbm>>
      tpu.enqueue_indirect_dma source(%dma_start3A_73 : memref<263168xi32, #tpu.memory_space<hbm>>) target(%dma_start3A_69 : memref<128xi32, #tpu.memory_space<vmem>>) offsets(%dma_start3A_71 : memref<128xi32, #tpu.memory_space<vmem>>) semaphore(%arg17 : memref<!tpu.dma_semaphore, #tpu.memory_space<semaphore_mem>>)
      %dma_start3A_74 = arith.constant 1152 : i32
      %dma_start3A_75 = tpu.memref_slice %arg13[%dma_start3A_74] : memref<2048xi32, #tpu.memory_space<vmem>> -> memref<128xi32, #tpu.memory_space<vmem>>
      %dma_start3A_76 = arith.constant 1152 : i32
      %dma_start3A_77 = tpu.memref_slice %arg11[%dma_start3A_76] : memref<2048xi32, #tpu.memory_space<vmem>> -> memref<128xi32, #tpu.memory_space<vmem>>
      %dma_start3A_78 = arith.constant 0 : i32
      %dma_start3A_79 = tpu.memref_slice %arg5[%dma_start3A_78] : memref<263168xi32, #tpu.memory_space<hbm>> -> memref<263168xi32, #tpu.memory_space<hbm>>
      tpu.enqueue_indirect_dma source(%dma_start3A_79 : memref<263168xi32, #tpu.memory_space<hbm>>) target(%dma_start3A_75 : memref<128xi32, #tpu.memory_space<vmem>>) offsets(%dma_start3A_77 : memref<128xi32, #tpu.memory_space<vmem>>) semaphore(%arg17 : memref<!tpu.dma_semaphore, #tpu.memory_space<semaphore_mem>>)
      %dma_start3A_80 = arith.constant 1280 : i32
      %dma_start3A_81 = tpu.memref_slice %arg13[%dma_start3A_80] : memref<2048xi32, #tpu.memory_space<vmem>> -> memref<128xi32, #tpu.memory_space<vmem>>
      %dma_start3A_82 = arith.constant 1280 : i32
      %dma_start3A_83 = tpu.memref_slice %arg11[%dma_start3A_82] : memref<2048xi32, #tpu.memory_space<vmem>> -> memref<128xi32, #tpu.memory_space<vmem>>
      %dma_start3A_84 = arith.constant 0 : i32
      %dma_start3A_85 = tpu.memref_slice %arg5[%dma_start3A_84] : memref<263168xi32, #tpu.memory_space<hbm>> -> memref<263168xi32, #tpu.memory_space<hbm>>
      tpu.enqueue_indirect_dma source(%dma_start3A_85 : memref<263168xi32, #tpu.memory_space<hbm>>) target(%dma_start3A_81 : memref<128xi32, #tpu.memory_space<vmem>>) offsets(%dma_start3A_83 : memref<128xi32, #tpu.memory_space<vmem>>) semaphore(%arg17 : memref<!tpu.dma_semaphore, #tpu.memory_space<semaphore_mem>>)
      %dma_start3A_86 = arith.constant 1408 : i32
      %dma_start3A_87 = tpu.memref_slice %arg13[%dma_start3A_86] : memref<2048xi32, #tpu.memory_space<vmem>> -> memref<128xi32, #tpu.memory_space<vmem>>
      %dma_start3A_88 = arith.constant 1408 : i32
      %dma_start3A_89 = tpu.memref_slice %arg11[%dma_start3A_88] : memref<2048xi32, #tpu.memory_space<vmem>> -> memref<128xi32, #tpu.memory_space<vmem>>
      %dma_start3A_90 = arith.constant 0 : i32
      %dma_start3A_91 = tpu.memref_slice %arg5[%dma_start3A_90] : memref<263168xi32, #tpu.memory_space<hbm>> -> memref<263168xi32, #tpu.memory_space<hbm>>
      tpu.enqueue_indirect_dma source(%dma_start3A_91 : memref<263168xi32, #tpu.memory_space<hbm>>) target(%dma_start3A_87 : memref<128xi32, #tpu.memory_space<vmem>>) offsets(%dma_start3A_89 : memref<128xi32, #tpu.memory_space<vmem>>) semaphore(%arg17 : memref<!tpu.dma_semaphore, #tpu.memory_space<semaphore_mem>>)
      %dma_start3A_92 = arith.constant 1536 : i32
      %dma_start3A_93 = tpu.memref_slice %arg13[%dma_start3A_92] : memref<2048xi32, #tpu.memory_space<vmem>> -> memref<128xi32, #tpu.memory_space<vmem>>
      %dma_start3A_94 = arith.constant 1536 : i32
      %dma_start3A_95 = tpu.memref_slice %arg11[%dma_start3A_94] : memref<2048xi32, #tpu.memory_space<vmem>> -> memref<128xi32, #tpu.memory_space<vmem>>
      %dma_start3A_96 = arith.constant 0 : i32
      %dma_start3A_97 = tpu.memref_slice %arg5[%dma_start3A_96] : memref<263168xi32, #tpu.memory_space<hbm>> -> memref<263168xi32, #tpu.memory_space<hbm>>
      tpu.enqueue_indirect_dma source(%dma_start3A_97 : memref<263168xi32, #tpu.memory_space<hbm>>) target(%dma_start3A_93 : memref<128xi32, #tpu.memory_space<vmem>>) offsets(%dma_start3A_95 : memref<128xi32, #tpu.memory_space<vmem>>) semaphore(%arg17 : memref<!tpu.dma_semaphore, #tpu.memory_space<semaphore_mem>>)
      %dma_start3A_98 = arith.constant 1664 : i32
      %dma_start3A_99 = tpu.memref_slice %arg13[%dma_start3A_98] : memref<2048xi32, #tpu.memory_space<vmem>> -> memref<128xi32, #tpu.memory_space<vmem>>
      %dma_start3A_100 = arith.constant 1664 : i32
      %dma_start3A_101 = tpu.memref_slice %arg11[%dma_start3A_100] : memref<2048xi32, #tpu.memory_space<vmem>> -> memref<128xi32, #tpu.memory_space<vmem>>
      %dma_start3A_102 = arith.constant 0 : i32
      %dma_start3A_103 = tpu.memref_slice %arg5[%dma_start3A_102] : memref<263168xi32, #tpu.memory_space<hbm>> -> memref<263168xi32, #tpu.memory_space<hbm>>
      tpu.enqueue_indirect_dma source(%dma_start3A_103 : memref<263168xi32, #tpu.memory_space<hbm>>) target(%dma_start3A_99 : memref<128xi32, #tpu.memory_space<vmem>>) offsets(%dma_start3A_101 : memref<128xi32, #tpu.memory_space<vmem>>) semaphore(%arg17 : memref<!tpu.dma_semaphore, #tpu.memory_space<semaphore_mem>>)
      %dma_start3A_104 = arith.constant 1792 : i32
      %dma_start3A_105 = tpu.memref_slice %arg13[%dma_start3A_104] : memref<2048xi32, #tpu.memory_space<vmem>> -> memref<128xi32, #tpu.memory_space<vmem>>
      %dma_start3A_106 = arith.constant 1792 : i32
      %dma_start3A_107 = tpu.memref_slice %arg11[%dma_start3A_106] : memref<2048xi32, #tpu.memory_space<vmem>> -> memref<128xi32, #tpu.memory_space<vmem>>
      %dma_start3A_108 = arith.constant 0 : i32
      %dma_start3A_109 = tpu.memref_slice %arg5[%dma_start3A_108] : memref<263168xi32, #tpu.memory_space<hbm>> -> memref<263168xi32, #tpu.memory_space<hbm>>
      tpu.enqueue_indirect_dma source(%dma_start3A_109 : memref<263168xi32, #tpu.memory_space<hbm>>) target(%dma_start3A_105 : memref<128xi32, #tpu.memory_space<vmem>>) offsets(%dma_start3A_107 : memref<128xi32, #tpu.memory_space<vmem>>) semaphore(%arg17 : memref<!tpu.dma_semaphore, #tpu.memory_space<semaphore_mem>>)
      %dma_start3A_110 = arith.constant 1920 : i32
      %dma_start3A_111 = tpu.memref_slice %arg13[%dma_start3A_110] : memref<2048xi32, #tpu.memory_space<vmem>> -> memref<128xi32, #tpu.memory_space<vmem>>
      %dma_start3A_112 = arith.constant 1920 : i32
      %dma_start3A_113 = tpu.memref_slice %arg11[%dma_start3A_112] : memref<2048xi32, #tpu.memory_space<vmem>> -> memref<128xi32, #tpu.memory_space<vmem>>
      %dma_start3A_114 = arith.constant 0 : i32
      %dma_start3A_115 = tpu.memref_slice %arg5[%dma_start3A_114] : memref<263168xi32, #tpu.memory_space<hbm>> -> memref<263168xi32, #tpu.memory_space<hbm>>
      tpu.enqueue_indirect_dma source(%dma_start3A_115 : memref<263168xi32, #tpu.memory_space<hbm>>) target(%dma_start3A_111 : memref<128xi32, #tpu.memory_space<vmem>>) offsets(%dma_start3A_113 : memref<128xi32, #tpu.memory_space<vmem>>) semaphore(%arg17 : memref<!tpu.dma_semaphore, #tpu.memory_space<semaphore_mem>>)
      %dma_wait3A = arith.constant 0 : i32
      %dma_wait3A_116 = tpu.memref_slice %arg13[%dma_wait3A] : memref<2048xi32, #tpu.memory_space<vmem>> -> memref<128xi32, #tpu.memory_space<vmem>>
      %dma_wait3A_117 = arith.constant 0 : i32
      %dma_wait3A_118 = tpu.memref_slice %arg11[%dma_wait3A_117] : memref<2048xi32, #tpu.memory_space<vmem>> -> memref<128xi32, #tpu.memory_space<vmem>>
      %dma_wait3A_119 = arith.constant 0 : i32
      %dma_wait3A_120 = tpu.memref_slice %arg5[%dma_wait3A_119] : memref<263168xi32, #tpu.memory_space<hbm>> -> memref<263168xi32, #tpu.memory_space<hbm>>
      tpu.wait_indirect_dma semaphore(%arg17 : memref<!tpu.dma_semaphore, #tpu.memory_space<semaphore_mem>>) src(%dma_wait3A_120 : memref<263168xi32, #tpu.memory_space<hbm>>) dst(%dma_wait3A_116 : memref<128xi32, #tpu.memory_space<vmem>>)
      %dma_wait3A_121 = arith.constant 128 : i32
      %dma_wait3A_122 = tpu.memref_slice %arg13[%dma_wait3A_121] : memref<2048xi32, #tpu.memory_space<vmem>> -> memref<128xi32, #tpu.memory_space<vmem>>
      %dma_wait3A_123 = arith.constant 128 : i32
      %dma_wait3A_124 = tpu.memref_slice %arg11[%dma_wait3A_123] : memref<2048xi32, #tpu.memory_space<vmem>> -> memref<128xi32, #tpu.memory_space<vmem>>
      %dma_wait3A_125 = arith.constant 0 : i32
      %dma_wait3A_126 = tpu.memref_slice %arg5[%dma_wait3A_125] : memref<263168xi32, #tpu.memory_space<hbm>> -> memref<263168xi32, #tpu.memory_space<hbm>>
      tpu.wait_indirect_dma semaphore(%arg17 : memref<!tpu.dma_semaphore, #tpu.memory_space<semaphore_mem>>) src(%dma_wait3A_126 : memref<263168xi32, #tpu.memory_space<hbm>>) dst(%dma_wait3A_122 : memref<128xi32, #tpu.memory_space<vmem>>)
      %dma_wait3A_127 = arith.constant 256 : i32
      %dma_wait3A_128 = tpu.memref_slice %arg13[%dma_wait3A_127] : memref<2048xi32, #tpu.memory_space<vmem>> -> memref<128xi32, #tpu.memory_space<vmem>>
      %dma_wait3A_129 = arith.constant 256 : i32
      %dma_wait3A_130 = tpu.memref_slice %arg11[%dma_wait3A_129] : memref<2048xi32, #tpu.memory_space<vmem>> -> memref<128xi32, #tpu.memory_space<vmem>>
      %dma_wait3A_131 = arith.constant 0 : i32
      %dma_wait3A_132 = tpu.memref_slice %arg5[%dma_wait3A_131] : memref<263168xi32, #tpu.memory_space<hbm>> -> memref<263168xi32, #tpu.memory_space<hbm>>
      tpu.wait_indirect_dma semaphore(%arg17 : memref<!tpu.dma_semaphore, #tpu.memory_space<semaphore_mem>>) src(%dma_wait3A_132 : memref<263168xi32, #tpu.memory_space<hbm>>) dst(%dma_wait3A_128 : memref<128xi32, #tpu.memory_space<vmem>>)
      %dma_wait3A_133 = arith.constant 384 : i32
      %dma_wait3A_134 = tpu.memref_slice %arg13[%dma_wait3A_133] : memref<2048xi32, #tpu.memory_space<vmem>> -> memref<128xi32, #tpu.memory_space<vmem>>
      %dma_wait3A_135 = arith.constant 384 : i32
      %dma_wait3A_136 = tpu.memref_slice %arg11[%dma_wait3A_135] : memref<2048xi32, #tpu.memory_space<vmem>> -> memref<128xi32, #tpu.memory_space<vmem>>
      %dma_wait3A_137 = arith.constant 0 : i32
      %dma_wait3A_138 = tpu.memref_slice %arg5[%dma_wait3A_137] : memref<263168xi32, #tpu.memory_space<hbm>> -> memref<263168xi32, #tpu.memory_space<hbm>>
      tpu.wait_indirect_dma semaphore(%arg17 : memref<!tpu.dma_semaphore, #tpu.memory_space<semaphore_mem>>) src(%dma_wait3A_138 : memref<263168xi32, #tpu.memory_space<hbm>>) dst(%dma_wait3A_134 : memref<128xi32, #tpu.memory_space<vmem>>)
      %dma_wait3A_139 = arith.constant 512 : i32
      %dma_wait3A_140 = tpu.memref_slice %arg13[%dma_wait3A_139] : memref<2048xi32, #tpu.memory_space<vmem>> -> memref<128xi32, #tpu.memory_space<vmem>>
      %dma_wait3A_141 = arith.constant 512 : i32
      %dma_wait3A_142 = tpu.memref_slice %arg11[%dma_wait3A_141] : memref<2048xi32, #tpu.memory_space<vmem>> -> memref<128xi32, #tpu.memory_space<vmem>>
      %dma_wait3A_143 = arith.constant 0 : i32
      %dma_wait3A_144 = tpu.memref_slice %arg5[%dma_wait3A_143] : memref<263168xi32, #tpu.memory_space<hbm>> -> memref<263168xi32, #tpu.memory_space<hbm>>
      tpu.wait_indirect_dma semaphore(%arg17 : memref<!tpu.dma_semaphore, #tpu.memory_space<semaphore_mem>>) src(%dma_wait3A_144 : memref<263168xi32, #tpu.memory_space<hbm>>) dst(%dma_wait3A_140 : memref<128xi32, #tpu.memory_space<vmem>>)
      %dma_wait3A_145 = arith.constant 640 : i32
      %dma_wait3A_146 = tpu.memref_slice %arg13[%dma_wait3A_145] : memref<2048xi32, #tpu.memory_space<vmem>> -> memref<128xi32, #tpu.memory_space<vmem>>
      %dma_wait3A_147 = arith.constant 640 : i32
      %dma_wait3A_148 = tpu.memref_slice %arg11[%dma_wait3A_147] : memref<2048xi32, #tpu.memory_space<vmem>> -> memref<128xi32, #tpu.memory_space<vmem>>
      %dma_wait3A_149 = arith.constant 0 : i32
      %dma_wait3A_150 = tpu.memref_slice %arg5[%dma_wait3A_149] : memref<263168xi32, #tpu.memory_space<hbm>> -> memref<263168xi32, #tpu.memory_space<hbm>>
      tpu.wait_indirect_dma semaphore(%arg17 : memref<!tpu.dma_semaphore, #tpu.memory_space<semaphore_mem>>) src(%dma_wait3A_150 : memref<263168xi32, #tpu.memory_space<hbm>>) dst(%dma_wait3A_146 : memref<128xi32, #tpu.memory_space<vmem>>)
      %dma_wait3A_151 = arith.constant 768 : i32
      %dma_wait3A_152 = tpu.memref_slice %arg13[%dma_wait3A_151] : memref<2048xi32, #tpu.memory_space<vmem>> -> memref<128xi32, #tpu.memory_space<vmem>>
      %dma_wait3A_153 = arith.constant 768 : i32
      %dma_wait3A_154 = tpu.memref_slice %arg11[%dma_wait3A_153] : memref<2048xi32, #tpu.memory_space<vmem>> -> memref<128xi32, #tpu.memory_space<vmem>>
      %dma_wait3A_155 = arith.constant 0 : i32
      %dma_wait3A_156 = tpu.memref_slice %arg5[%dma_wait3A_155] : memref<263168xi32, #tpu.memory_space<hbm>> -> memref<263168xi32, #tpu.memory_space<hbm>>
      tpu.wait_indirect_dma semaphore(%arg17 : memref<!tpu.dma_semaphore, #tpu.memory_space<semaphore_mem>>) src(%dma_wait3A_156 : memref<263168xi32, #tpu.memory_space<hbm>>) dst(%dma_wait3A_152 : memref<128xi32, #tpu.memory_space<vmem>>)
      %dma_wait3A_157 = arith.constant 896 : i32
      %dma_wait3A_158 = tpu.memref_slice %arg13[%dma_wait3A_157] : memref<2048xi32, #tpu.memory_space<vmem>> -> memref<128xi32, #tpu.memory_space<vmem>>
      %dma_wait3A_159 = arith.constant 896 : i32
      %dma_wait3A_160 = tpu.memref_slice %arg11[%dma_wait3A_159] : memref<2048xi32, #tpu.memory_space<vmem>> -> memref<128xi32, #tpu.memory_space<vmem>>
      %dma_wait3A_161 = arith.constant 0 : i32
      %dma_wait3A_162 = tpu.memref_slice %arg5[%dma_wait3A_161] : memref<263168xi32, #tpu.memory_space<hbm>> -> memref<263168xi32, #tpu.memory_space<hbm>>
      tpu.wait_indirect_dma semaphore(%arg17 : memref<!tpu.dma_semaphore, #tpu.memory_space<semaphore_mem>>) src(%dma_wait3A_162 : memref<263168xi32, #tpu.memory_space<hbm>>) dst(%dma_wait3A_158 : memref<128xi32, #tpu.memory_space<vmem>>)
      %dma_wait3A_163 = arith.constant 1024 : i32
      %dma_wait3A_164 = tpu.memref_slice %arg13[%dma_wait3A_163] : memref<2048xi32, #tpu.memory_space<vmem>> -> memref<128xi32, #tpu.memory_space<vmem>>
      %dma_wait3A_165 = arith.constant 1024 : i32
      %dma_wait3A_166 = tpu.memref_slice %arg11[%dma_wait3A_165] : memref<2048xi32, #tpu.memory_space<vmem>> -> memref<128xi32, #tpu.memory_space<vmem>>
      %dma_wait3A_167 = arith.constant 0 : i32
      %dma_wait3A_168 = tpu.memref_slice %arg5[%dma_wait3A_167] : memref<263168xi32, #tpu.memory_space<hbm>> -> memref<263168xi32, #tpu.memory_space<hbm>>
      tpu.wait_indirect_dma semaphore(%arg17 : memref<!tpu.dma_semaphore, #tpu.memory_space<semaphore_mem>>) src(%dma_wait3A_168 : memref<263168xi32, #tpu.memory_space<hbm>>) dst(%dma_wait3A_164 : memref<128xi32, #tpu.memory_space<vmem>>)
      %dma_wait3A_169 = arith.constant 1152 : i32
      %dma_wait3A_170 = tpu.memref_slice %arg13[%dma_wait3A_169] : memref<2048xi32, #tpu.memory_space<vmem>> -> memref<128xi32, #tpu.memory_space<vmem>>
      %dma_wait3A_171 = arith.constant 1152 : i32
      %dma_wait3A_172 = tpu.memref_slice %arg11[%dma_wait3A_171] : memref<2048xi32, #tpu.memory_space<vmem>> -> memref<128xi32, #tpu.memory_space<vmem>>
      %dma_wait3A_173 = arith.constant 0 : i32
      %dma_wait3A_174 = tpu.memref_slice %arg5[%dma_wait3A_173] : memref<263168xi32, #tpu.memory_space<hbm>> -> memref<263168xi32, #tpu.memory_space<hbm>>
      tpu.wait_indirect_dma semaphore(%arg17 : memref<!tpu.dma_semaphore, #tpu.memory_space<semaphore_mem>>) src(%dma_wait3A_174 : memref<263168xi32, #tpu.memory_space<hbm>>) dst(%dma_wait3A_170 : memref<128xi32, #tpu.memory_space<vmem>>)
      %dma_wait3A_175 = arith.constant 1280 : i32
      %dma_wait3A_176 = tpu.memref_slice %arg13[%dma_wait3A_175] : memref<2048xi32, #tpu.memory_space<vmem>> -> memref<128xi32, #tpu.memory_space<vmem>>
      %dma_wait3A_177 = arith.constant 1280 : i32
      %dma_wait3A_178 = tpu.memref_slice %arg11[%dma_wait3A_177] : memref<2048xi32, #tpu.memory_space<vmem>> -> memref<128xi32, #tpu.memory_space<vmem>>
      %dma_wait3A_179 = arith.constant 0 : i32
      %dma_wait3A_180 = tpu.memref_slice %arg5[%dma_wait3A_179] : memref<263168xi32, #tpu.memory_space<hbm>> -> memref<263168xi32, #tpu.memory_space<hbm>>
      tpu.wait_indirect_dma semaphore(%arg17 : memref<!tpu.dma_semaphore, #tpu.memory_space<semaphore_mem>>) src(%dma_wait3A_180 : memref<263168xi32, #tpu.memory_space<hbm>>) dst(%dma_wait3A_176 : memref<128xi32, #tpu.memory_space<vmem>>)
      %dma_wait3A_181 = arith.constant 1408 : i32
      %dma_wait3A_182 = tpu.memref_slice %arg13[%dma_wait3A_181] : memref<2048xi32, #tpu.memory_space<vmem>> -> memref<128xi32, #tpu.memory_space<vmem>>
      %dma_wait3A_183 = arith.constant 1408 : i32
      %dma_wait3A_184 = tpu.memref_slice %arg11[%dma_wait3A_183] : memref<2048xi32, #tpu.memory_space<vmem>> -> memref<128xi32, #tpu.memory_space<vmem>>
      %dma_wait3A_185 = arith.constant 0 : i32
      %dma_wait3A_186 = tpu.memref_slice %arg5[%dma_wait3A_185] : memref<263168xi32, #tpu.memory_space<hbm>> -> memref<263168xi32, #tpu.memory_space<hbm>>
      tpu.wait_indirect_dma semaphore(%arg17 : memref<!tpu.dma_semaphore, #tpu.memory_space<semaphore_mem>>) src(%dma_wait3A_186 : memref<263168xi32, #tpu.memory_space<hbm>>) dst(%dma_wait3A_182 : memref<128xi32, #tpu.memory_space<vmem>>)
      %dma_wait3A_187 = arith.constant 1536 : i32
      %dma_wait3A_188 = tpu.memref_slice %arg13[%dma_wait3A_187] : memref<2048xi32, #tpu.memory_space<vmem>> -> memref<128xi32, #tpu.memory_space<vmem>>
      %dma_wait3A_189 = arith.constant 1536 : i32
      %dma_wait3A_190 = tpu.memref_slice %arg11[%dma_wait3A_189] : memref<2048xi32, #tpu.memory_space<vmem>> -> memref<128xi32, #tpu.memory_space<vmem>>
      %dma_wait3A_191 = arith.constant 0 : i32
      %dma_wait3A_192 = tpu.memref_slice %arg5[%dma_wait3A_191] : memref<263168xi32, #tpu.memory_space<hbm>> -> memref<263168xi32, #tpu.memory_space<hbm>>
      tpu.wait_indirect_dma semaphore(%arg17 : memref<!tpu.dma_semaphore, #tpu.memory_space<semaphore_mem>>) src(%dma_wait3A_192 : memref<263168xi32, #tpu.memory_space<hbm>>) dst(%dma_wait3A_188 : memref<128xi32, #tpu.memory_space<vmem>>)
      %dma_wait3A_193 = arith.constant 1664 : i32
      %dma_wait3A_194 = tpu.memref_slice %arg13[%dma_wait3A_193] : memref<2048xi32, #tpu.memory_space<vmem>> -> memref<128xi32, #tpu.memory_space<vmem>>
      %dma_wait3A_195 = arith.constant 1664 : i32
      %dma_wait3A_196 = tpu.memref_slice %arg11[%dma_wait3A_195] : memref<2048xi32, #tpu.memory_space<vmem>> -> memref<128xi32, #tpu.memory_space<vmem>>
      %dma_wait3A_197 = arith.constant 0 : i32
      %dma_wait3A_198 = tpu.memref_slice %arg5[%dma_wait3A_197] : memref<263168xi32, #tpu.memory_space<hbm>> -> memref<263168xi32, #tpu.memory_space<hbm>>
      tpu.wait_indirect_dma semaphore(%arg17 : memref<!tpu.dma_semaphore, #tpu.memory_space<semaphore_mem>>) src(%dma_wait3A_198 : memref<263168xi32, #tpu.memory_space<hbm>>) dst(%dma_wait3A_194 : memref<128xi32, #tpu.memory_space<vmem>>)
      %dma_wait3A_199 = arith.constant 1792 : i32
      %dma_wait3A_200 = tpu.memref_slice %arg13[%dma_wait3A_199] : memref<2048xi32, #tpu.memory_space<vmem>> -> memref<128xi32, #tpu.memory_space<vmem>>
      %dma_wait3A_201 = arith.constant 1792 : i32
      %dma_wait3A_202 = tpu.memref_slice %arg11[%dma_wait3A_201] : memref<2048xi32, #tpu.memory_space<vmem>> -> memref<128xi32, #tpu.memory_space<vmem>>
      %dma_wait3A_203 = arith.constant 0 : i32
      %dma_wait3A_204 = tpu.memref_slice %arg5[%dma_wait3A_203] : memref<263168xi32, #tpu.memory_space<hbm>> -> memref<263168xi32, #tpu.memory_space<hbm>>
      tpu.wait_indirect_dma semaphore(%arg17 : memref<!tpu.dma_semaphore, #tpu.memory_space<semaphore_mem>>) src(%dma_wait3A_204 : memref<263168xi32, #tpu.memory_space<hbm>>) dst(%dma_wait3A_200 : memref<128xi32, #tpu.memory_space<vmem>>)
      %dma_wait3A_205 = arith.constant 1920 : i32
      %dma_wait3A_206 = tpu.memref_slice %arg13[%dma_wait3A_205] : memref<2048xi32, #tpu.memory_space<vmem>> -> memref<128xi32, #tpu.memory_space<vmem>>
      %dma_wait3A_207 = arith.constant 1920 : i32
      %dma_wait3A_208 = tpu.memref_slice %arg11[%dma_wait3A_207] : memref<2048xi32, #tpu.memory_space<vmem>> -> memref<128xi32, #tpu.memory_space<vmem>>
      %dma_wait3A_209 = arith.constant 0 : i32
      %dma_wait3A_210 = tpu.memref_slice %arg5[%dma_wait3A_209] : memref<263168xi32, #tpu.memory_space<hbm>> -> memref<263168xi32, #tpu.memory_space<hbm>>
      tpu.wait_indirect_dma semaphore(%arg17 : memref<!tpu.dma_semaphore, #tpu.memory_space<semaphore_mem>>) src(%dma_wait3A_210 : memref<263168xi32, #tpu.memory_space<hbm>>) dst(%dma_wait3A_206 : memref<128xi32, #tpu.memory_space<vmem>>)
      %scan3A_211 = arith.constant 0 : i32
      %scan3A_212 = arith.constant 0 : i32
      %scan3A_213 = arith.constant 16 : i32
      %scan3A_214 = arith.addi %scan3A_212, %scan3A_213 : i32
      %scan3A_215 = arith.constant 1 : i32
      %scan3A_216 = scf.for %scan3A_601 = %scan3A_212 to %scan3A_214 step %scan3A_215 iter_args(%scan3A_602 = %scan3A_211) -> (i32)  : i32 {
        %mul3A_603 = arith.constant 16 : i32
        %mul3A_604 = arith.muli %scan3A_601, %mul3A_603 : i32
        %broadcast_in_dim3A = arith.constant 0.000000e+00 : f32
        %broadcast_in_dim3A_605 = vector.broadcast %broadcast_in_dim3A : f32 to vector<16xf32>
        %add3A_606 = arith.constant 0 : i32
        %add3A_607 = arith.addi %add3A_606, %mul3A_604 : i32
        %get3A = arith.index_cast %add3A_607 : i32 to index
        %get3A_608 = tpu.vector_load %arg13[%get3A] {strides = array<i32>} : memref<2048xi32, #tpu.memory_space<vmem>>, vector<16xi32>,
        %eq3A = arith.constant 200000 : i32
        %eq3A_609 = vector.broadcast %eq3A : i32 to vector<16xi32>
        %eq3A_610 = arith.cmpi eq, %get3A_608, %eq3A_609 : vector<16xi32>
        %add3A_611 = arith.constant 0 : i32
        %add3A_612 = arith.addi %add3A_611, %mul3A_604 : i32
        %get3A_613 = arith.index_cast %add3A_612 : i32 to index
        %get3A_614 = tpu.vector_load %arg12[%get3A_613] {strides = array<i32>} : memref<2064xf32, #tpu.memory_space<vmem>>, vector<16xf32>,
        %jit3A = arith.constant 0.000000e+00 : f32
        %broadcast_in_dim3A_615 = vector.broadcast %jit3A : f32 to vector<16xf32>
        %select_n3A = arith.select %eq3A_610, %broadcast_in_dim3A_615, %get3A_614 : vector<16xi1>, vector<16xf32>
        %add3A_616 = arith.constant 0 : i32
        %add3A_617 = arith.addi %add3A_616, %mul3A_604 : i32
        %swap3A = arith.index_cast %add3A_617 : i32 to index
        %swap3A_618 = tpu.vector_load %arg12[%swap3A] {strides = array<i32>} : memref<2064xf32, #tpu.memory_space<vmem>>, vector<16xf32>,
        tpu.vector_store %arg12[%swap3A], %select_n3A {strides = array<i32>} : memref<2064xf32, #tpu.memory_space<vmem>>, vector<16xf32>,
        %add3A_619 = arith.addf %broadcast_in_dim3A_605, %select_n3A : vector<16xf32>
        %add3A_620 = arith.constant 256 : i32
        %add3A_621 = arith.addi %add3A_620, %mul3A_604 : i32
        %get3A_622 = arith.index_cast %add3A_621 : i32 to index
        %get3A_623 = tpu.vector_load %arg13[%get3A_622] {strides = array<i32>} : memref<2048xi32, #tpu.memory_space<vmem>>, vector<16xi32>,
        %eq3A_624 = arith.constant 200000 : i32
        %eq3A_625 = vector.broadcast %eq3A_624 : i32 to vector<16xi32>
        %eq3A_626 = arith.cmpi eq, %get3A_623, %eq3A_625 : vector<16xi32>
        %add3A_627 = arith.constant 256 : i32
        %add3A_628 = arith.addi %add3A_627, %mul3A_604 : i32
        %get3A_629 = arith.index_cast %add3A_628 : i32 to index
        %get3A_630 = tpu.vector_load %arg12[%get3A_629] {strides = array<i32>} : memref<2064xf32, #tpu.memory_space<vmem>>, vector<16xf32>,
        %jit3A_631 = arith.constant 0.000000e+00 : f32
        %broadcast_in_dim3A_632 = vector.broadcast %jit3A_631 : f32 to vector<16xf32>
        %select_n3A_633 = arith.select %eq3A_626, %broadcast_in_dim3A_632, %get3A_630 : vector<16xi1>, vector<16xf32>
        %add3A_634 = arith.constant 256 : i32
        %add3A_635 = arith.addi %add3A_634, %mul3A_604 : i32
        %swap3A_636 = arith.index_cast %add3A_635 : i32 to index
        %swap3A_637 = tpu.vector_load %arg12[%swap3A_636] {strides = array<i32>} : memref<2064xf32, #tpu.memory_space<vmem>>, vector<16xf32>,
        tpu.vector_store %arg12[%swap3A_636], %select_n3A_633 {strides = array<i32>} : memref<2064xf32, #tpu.memory_space<vmem>>, vector<16xf32>,
        %add3A_638 = arith.addf %add3A_619, %select_n3A_633 : vector<16xf32>
        %add3A_639 = arith.constant 512 : i32
        %add3A_640 = arith.addi %add3A_639, %mul3A_604 : i32
        %get3A_641 = arith.index_cast %add3A_640 : i32 to index
        %get3A_642 = tpu.vector_load %arg13[%get3A_641] {strides = array<i32>} : memref<2048xi32, #tpu.memory_space<vmem>>, vector<16xi32>,
        %eq3A_643 = arith.constant 200000 : i32
        %eq3A_644 = vector.broadcast %eq3A_643 : i32 to vector<16xi32>
        %eq3A_645 = arith.cmpi eq, %get3A_642, %eq3A_644 : vector<16xi32>
        %add3A_646 = arith.constant 512 : i32
        %add3A_647 = arith.addi %add3A_646, %mul3A_604 : i32
        %get3A_648 = arith.index_cast %add3A_647 : i32 to index
        %get3A_649 = tpu.vector_load %arg12[%get3A_648] {strides = array<i32>} : memref<2064xf32, #tpu.memory_space<vmem>>, vector<16xf32>,
        %jit3A_650 = arith.constant 0.000000e+00 : f32
        %broadcast_in_dim3A_651 = vector.broadcast %jit3A_650 : f32 to vector<16xf32>
        %select_n3A_652 = arith.select %eq3A_645, %broadcast_in_dim3A_651, %get3A_649 : vector<16xi1>, vector<16xf32>
        %add3A_653 = arith.constant 512 : i32
        %add3A_654 = arith.addi %add3A_653, %mul3A_604 : i32
        %swap3A_655 = arith.index_cast %add3A_654 : i32 to index
        %swap3A_656 = tpu.vector_load %arg12[%swap3A_655] {strides = array<i32>} : memref<2064xf32, #tpu.memory_space<vmem>>, vector<16xf32>,
        tpu.vector_store %arg12[%swap3A_655], %select_n3A_652 {strides = array<i32>} : memref<2064xf32, #tpu.memory_space<vmem>>, vector<16xf32>,
        %add3A_657 = arith.addf %add3A_638, %select_n3A_652 : vector<16xf32>
        %add3A_658 = arith.constant 768 : i32
        %add3A_659 = arith.addi %add3A_658, %mul3A_604 : i32
        %get3A_660 = arith.index_cast %add3A_659 : i32 to index
        %get3A_661 = tpu.vector_load %arg13[%get3A_660] {strides = array<i32>} : memref<2048xi32, #tpu.memory_space<vmem>>, vector<16xi32>,
        %eq3A_662 = arith.constant 200000 : i32
        %eq3A_663 = vector.broadcast %eq3A_662 : i32 to vector<16xi32>
        %eq3A_664 = arith.cmpi eq, %get3A_661, %eq3A_663 : vector<16xi32>
        %add3A_665 = arith.constant 768 : i32
        %add3A_666 = arith.addi %add3A_665, %mul3A_604 : i32
        %get3A_667 = arith.index_cast %add3A_666 : i32 to index
        %get3A_668 = tpu.vector_load %arg12[%get3A_667] {strides = array<i32>} : memref<2064xf32, #tpu.memory_space<vmem>>, vector<16xf32>,
        %jit3A_669 = arith.constant 0.000000e+00 : f32
        %broadcast_in_dim3A_670 = vector.broadcast %jit3A_669 : f32 to vector<16xf32>
        %select_n3A_671 = arith.select %eq3A_664, %broadcast_in_dim3A_670, %get3A_668 : vector<16xi1>, vector<16xf32>
        %add3A_672 = arith.constant 768 : i32
        %add3A_673 = arith.addi %add3A_672, %mul3A_604 : i32
        %swap3A_674 = arith.index_cast %add3A_673 : i32 to index
        %swap3A_675 = tpu.vector_load %arg12[%swap3A_674] {strides = array<i32>} : memref<2064xf32, #tpu.memory_space<vmem>>, vector<16xf32>,
        tpu.vector_store %arg12[%swap3A_674], %select_n3A_671 {strides = array<i32>} : memref<2064xf32, #tpu.memory_space<vmem>>, vector<16xf32>,
        %add3A_676 = arith.addf %add3A_657, %select_n3A_671 : vector<16xf32>
        %add3A_677 = arith.constant 1024 : i32
        %add3A_678 = arith.addi %add3A_677, %mul3A_604 : i32
        %get3A_679 = arith.index_cast %add3A_678 : i32 to index
        %get3A_680 = tpu.vector_load %arg13[%get3A_679] {strides = array<i32>} : memref<2048xi32, #tpu.memory_space<vmem>>, vector<16xi32>,
        %eq3A_681 = arith.constant 200000 : i32
        %eq3A_682 = vector.broadcast %eq3A_681 : i32 to vector<16xi32>
        %eq3A_683 = arith.cmpi eq, %get3A_680, %eq3A_682 : vector<16xi32>
        %add3A_684 = arith.constant 1024 : i32
        %add3A_685 = arith.addi %add3A_684, %mul3A_604 : i32
        %get3A_686 = arith.index_cast %add3A_685 : i32 to index
        %get3A_687 = tpu.vector_load %arg12[%get3A_686] {strides = array<i32>} : memref<2064xf32, #tpu.memory_space<vmem>>, vector<16xf32>,
        %jit3A_688 = arith.constant 0.000000e+00 : f32
        %broadcast_in_dim3A_689 = vector.broadcast %jit3A_688 : f32 to vector<16xf32>
        %select_n3A_690 = arith.select %eq3A_683, %broadcast_in_dim3A_689, %get3A_687 : vector<16xi1>, vector<16xf32>
        %add3A_691 = arith.constant 1024 : i32
        %add3A_692 = arith.addi %add3A_691, %mul3A_604 : i32
        %swap3A_693 = arith.index_cast %add3A_692 : i32 to index
        %swap3A_694 = tpu.vector_load %arg12[%swap3A_693] {strides = array<i32>} : memref<2064xf32, #tpu.memory_space<vmem>>, vector<16xf32>,
        tpu.vector_store %arg12[%swap3A_693], %select_n3A_690 {strides = array<i32>} : memref<2064xf32, #tpu.memory_space<vmem>>, vector<16xf32>,
        %add3A_695 = arith.addf %add3A_676, %select_n3A_690 : vector<16xf32>
        %add3A_696 = arith.constant 1280 : i32
        %add3A_697 = arith.addi %add3A_696, %mul3A_604 : i32
        %get3A_698 = arith.index_cast %add3A_697 : i32 to index
        %get3A_699 = tpu.vector_load %arg13[%get3A_698] {strides = array<i32>} : memref<2048xi32, #tpu.memory_space<vmem>>, vector<16xi32>,
        %eq3A_700 = arith.constant 200000 : i32
        %eq3A_701 = vector.broadcast %eq3A_700 : i32 to vector<16xi32>
        %eq3A_702 = arith.cmpi eq, %get3A_699, %eq3A_701 : vector<16xi32>
        %add3A_703 = arith.constant 1280 : i32
        %add3A_704 = arith.addi %add3A_703, %mul3A_604 : i32
        %get3A_705 = arith.index_cast %add3A_704 : i32 to index
        %get3A_706 = tpu.vector_load %arg12[%get3A_705] {strides = array<i32>} : memref<2064xf32, #tpu.memory_space<vmem>>, vector<16xf32>,
        %jit3A_707 = arith.constant 0.000000e+00 : f32
        %broadcast_in_dim3A_708 = vector.broadcast %jit3A_707 : f32 to vector<16xf32>
        %select_n3A_709 = arith.select %eq3A_702, %broadcast_in_dim3A_708, %get3A_706 : vector<16xi1>, vector<16xf32>
        %add3A_710 = arith.constant 1280 : i32
        %add3A_711 = arith.addi %add3A_710, %mul3A_604 : i32
        %swap3A_712 = arith.index_cast %add3A_711 : i32 to index
        %swap3A_713 = tpu.vector_load %arg12[%swap3A_712] {strides = array<i32>} : memref<2064xf32, #tpu.memory_space<vmem>>, vector<16xf32>,
        tpu.vector_store %arg12[%swap3A_712], %select_n3A_709 {strides = array<i32>} : memref<2064xf32, #tpu.memory_space<vmem>>, vector<16xf32>,
        %add3A_714 = arith.addf %add3A_695, %select_n3A_709 : vector<16xf32>
        %add3A_715 = arith.constant 1536 : i32
        %add3A_716 = arith.addi %add3A_715, %mul3A_604 : i32
        %get3A_717 = arith.index_cast %add3A_716 : i32 to index
        %get3A_718 = tpu.vector_load %arg13[%get3A_717] {strides = array<i32>} : memref<2048xi32, #tpu.memory_space<vmem>>, vector<16xi32>,
        %eq3A_719 = arith.constant 200000 : i32
        %eq3A_720 = vector.broadcast %eq3A_719 : i32 to vector<16xi32>
        %eq3A_721 = arith.cmpi eq, %get3A_718, %eq3A_720 : vector<16xi32>
        %add3A_722 = arith.constant 1536 : i32
        %add3A_723 = arith.addi %add3A_722, %mul3A_604 : i32
        %get3A_724 = arith.index_cast %add3A_723 : i32 to index
        %get3A_725 = tpu.vector_load %arg12[%get3A_724] {strides = array<i32>} : memref<2064xf32, #tpu.memory_space<vmem>>, vector<16xf32>,
        %jit3A_726 = arith.constant 0.000000e+00 : f32
        %broadcast_in_dim3A_727 = vector.broadcast %jit3A_726 : f32 to vector<16xf32>
        %select_n3A_728 = arith.select %eq3A_721, %broadcast_in_dim3A_727, %get3A_725 : vector<16xi1>, vector<16xf32>
        %add3A_729 = arith.constant 1536 : i32
        %add3A_730 = arith.addi %add3A_729, %mul3A_604 : i32
        %swap3A_731 = arith.index_cast %add3A_730 : i32 to index
        %swap3A_732 = tpu.vector_load %arg12[%swap3A_731] {strides = array<i32>} : memref<2064xf32, #tpu.memory_space<vmem>>, vector<16xf32>,
        tpu.vector_store %arg12[%swap3A_731], %select_n3A_728 {strides = array<i32>} : memref<2064xf32, #tpu.memory_space<vmem>>, vector<16xf32>,
        %add3A_733 = arith.addf %add3A_714, %select_n3A_728 : vector<16xf32>
        %add3A_734 = arith.constant 1792 : i32
        %add3A_735 = arith.addi %add3A_734, %mul3A_604 : i32
        %get3A_736 = arith.index_cast %add3A_735 : i32 to index
        %get3A_737 = tpu.vector_load %arg13[%get3A_736] {strides = array<i32>} : memref<2048xi32, #tpu.memory_space<vmem>>, vector<16xi32>,
        %eq3A_738 = arith.constant 200000 : i32
        %eq3A_739 = vector.broadcast %eq3A_738 : i32 to vector<16xi32>
        %eq3A_740 = arith.cmpi eq, %get3A_737, %eq3A_739 : vector<16xi32>
        %add3A_741 = arith.constant 1792 : i32
        %add3A_742 = arith.addi %add3A_741, %mul3A_604 : i32
        %get3A_743 = arith.index_cast %add3A_742 : i32 to index
        %get3A_744 = tpu.vector_load %arg12[%get3A_743] {strides = array<i32>} : memref<2064xf32, #tpu.memory_space<vmem>>, vector<16xf32>,
        %jit3A_745 = arith.constant 0.000000e+00 : f32
        %broadcast_in_dim3A_746 = vector.broadcast %jit3A_745 : f32 to vector<16xf32>
        %select_n3A_747 = arith.select %eq3A_740, %broadcast_in_dim3A_746, %get3A_744 : vector<16xi1>, vector<16xf32>
        %add3A_748 = arith.constant 1792 : i32
        %add3A_749 = arith.addi %add3A_748, %mul3A_604 : i32
        %swap3A_750 = arith.index_cast %add3A_749 : i32 to index
        %swap3A_751 = tpu.vector_load %arg12[%swap3A_750] {strides = array<i32>} : memref<2064xf32, #tpu.memory_space<vmem>>, vector<16xf32>,
        tpu.vector_store %arg12[%swap3A_750], %select_n3A_747 {strides = array<i32>} : memref<2064xf32, #tpu.memory_space<vmem>>, vector<16xf32>,
        %add3A_752 = arith.addf %add3A_733, %select_n3A_747 : vector<16xf32>
        %add3A_753 = arith.constant 9.99999996E-13 : f32
        %add3A_754 = vector.broadcast %add3A_753 : f32 to vector<16xf32>
        %add3A_755 = arith.addf %add3A_752, %add3A_754 : vector<16xf32>
        %div3A = arith.constant 1.000000e+00 : f32
        %div3A_756 = vector.broadcast %div3A : f32 to vector<16xf32>
        %div3A_757 = arith.divf %div3A_756, %add3A_755 : vector<16xf32>
        %swap3A_758 = arith.index_cast %mul3A_604 : i32 to index
        %swap3A_759 = tpu.vector_load %arg15[%swap3A_758] {strides = array<i32>} : memref<272xf32, #tpu.memory_space<vmem>>, vector<16xf32>,
        tpu.vector_store %arg15[%swap3A_758], %div3A_757 {strides = array<i32>} : memref<272xf32, #tpu.memory_space<vmem>>, vector<16xf32>,
        %scan3A_760 = arith.constant 0 : i32
        scf.yield %scan3A_760 : i32
      }
      %scan3A_217 = arith.constant 16 : i32
      %scan3A_218 = arith.constant 0 : i32
      %scan3A_219 = arith.constant 0 : i32
      %scan3A_220 = arith.constant 256 : i32
      %scan3A_221 = arith.addi %scan3A_219, %scan3A_220 : i32
      %scan3A_222 = arith.constant 1 : i32
      %scan3A_223 = scf.for %scan3A_601 = %scan3A_219 to %scan3A_221 step %scan3A_222 iter_args(%scan3A_602 = %scan3A_218) -> (i32)  : i32 {
        %broadcast_in_dim3A = arith.constant 0.000000e+00 : f32
        %broadcast_in_dim3A_603 = vector.broadcast %broadcast_in_dim3A : f32 to vector<16xf32>
        %swap3A = arith.index_cast %scan3A_601 : i32 to index
        %swap3A_604 = arith.constant 0 : index
        %swap3A_605 = tpu.vector_load %arg16[%swap3A, %swap3A_604] {strides = array<i32>} : memref<256x32xf32, #tpu.memory_space<vmem>>, vector<16xf32>,
        tpu.vector_store %arg16[%swap3A, %swap3A_604], %broadcast_in_dim3A_603 {strides = array<i32>} : memref<256x32xf32, #tpu.memory_space<vmem>>, vector<16xf32>,
        %swap3A_606 = arith.index_cast %scan3A_601 : i32 to index
        %swap3A_607 = arith.constant 16 : index
        %swap3A_608 = tpu.vector_load %arg16[%swap3A_606, %swap3A_607] {strides = array<i32>} : memref<256x32xf32, #tpu.memory_space<vmem>>, vector<16xf32>,
        tpu.vector_store %arg16[%swap3A_606, %swap3A_607], %broadcast_in_dim3A_603 {strides = array<i32>} : memref<256x32xf32, #tpu.memory_space<vmem>>, vector<16xf32>,
        %scan3A_609 = arith.constant 0 : i32
        scf.yield %scan3A_609 : i32
      }
      %scan3A_224 = arith.constant 256 : i32
      %dma_start3A_225 = arith.constant 0 : i32
      %dma_start3A_226 = arith.constant 0 : i32
      %dma_start3A_227 = tpu.memref_slice %arg14[%dma_start3A_225, %dma_start3A_226] : memref<2048x32xf32, #tpu.memory_space<vmem>> -> memref<128x32xf32, #tpu.memory_space<vmem>>
      %dma_start3A_228 = arith.constant 0 : i32
      %dma_start3A_229 = tpu.memref_slice %arg13[%dma_start3A_228] : memref<2048xi32, #tpu.memory_space<vmem>> -> memref<128xi32, #tpu.memory_space<vmem>>
      %dma_start3A_230 = arith.constant 0 : i32
      %dma_start3A_231 = arith.constant 0 : i32
      %dma_start3A_232 = tpu.memref_slice %arg6[%dma_start3A_230, %dma_start3A_231] : memref<200008x32xf32, #tpu.memory_space<hbm>> -> memref<200008x32xf32, #tpu.memory_space<hbm>>
      tpu.enqueue_indirect_dma source(%dma_start3A_232 : memref<200008x32xf32, #tpu.memory_space<hbm>>) target(%dma_start3A_227 : memref<128x32xf32, #tpu.memory_space<vmem>>) offsets(%dma_start3A_229 : memref<128xi32, #tpu.memory_space<vmem>>) semaphore(%arg18 : memref<!tpu.dma_semaphore, #tpu.memory_space<semaphore_mem>>)
      %dma_start3A_233 = arith.constant 128 : i32
      %dma_start3A_234 = arith.constant 0 : i32
      %dma_start3A_235 = tpu.memref_slice %arg14[%dma_start3A_233, %dma_start3A_234] : memref<2048x32xf32, #tpu.memory_space<vmem>> -> memref<128x32xf32, #tpu.memory_space<vmem>>
      %dma_start3A_236 = arith.constant 128 : i32
      %dma_start3A_237 = tpu.memref_slice %arg13[%dma_start3A_236] : memref<2048xi32, #tpu.memory_space<vmem>> -> memref<128xi32, #tpu.memory_space<vmem>>
      %dma_start3A_238 = arith.constant 0 : i32
      %dma_start3A_239 = arith.constant 0 : i32
      %dma_start3A_240 = tpu.memref_slice %arg6[%dma_start3A_238, %dma_start3A_239] : memref<200008x32xf32, #tpu.memory_space<hbm>> -> memref<200008x32xf32, #tpu.memory_space<hbm>>
      tpu.enqueue_indirect_dma source(%dma_start3A_240 : memref<200008x32xf32, #tpu.memory_space<hbm>>) target(%dma_start3A_235 : memref<128x32xf32, #tpu.memory_space<vmem>>) offsets(%dma_start3A_237 : memref<128xi32, #tpu.memory_space<vmem>>) semaphore(%arg19 : memref<!tpu.dma_semaphore, #tpu.memory_space<semaphore_mem>>)
      %dma_start3A_241 = arith.constant 256 : i32
      %dma_start3A_242 = arith.constant 0 : i32
      %dma_start3A_243 = tpu.memref_slice %arg14[%dma_start3A_241, %dma_start3A_242] : memref<2048x32xf32, #tpu.memory_space<vmem>> -> memref<128x32xf32, #tpu.memory_space<vmem>>
      %dma_start3A_244 = arith.constant 256 : i32
      %dma_start3A_245 = tpu.memref_slice %arg13[%dma_start3A_244] : memref<2048xi32, #tpu.memory_space<vmem>> -> memref<128xi32, #tpu.memory_space<vmem>>
      %dma_start3A_246 = arith.constant 0 : i32
      %dma_start3A_247 = arith.constant 0 : i32
      %dma_start3A_248 = tpu.memref_slice %arg6[%dma_start3A_246, %dma_start3A_247] : memref<200008x32xf32, #tpu.memory_space<hbm>> -> memref<200008x32xf32, #tpu.memory_space<hbm>>
      tpu.enqueue_indirect_dma source(%dma_start3A_248 : memref<200008x32xf32, #tpu.memory_space<hbm>>) target(%dma_start3A_243 : memref<128x32xf32, #tpu.memory_space<vmem>>) offsets(%dma_start3A_245 : memref<128xi32, #tpu.memory_space<vmem>>) semaphore(%arg20 : memref<!tpu.dma_semaphore, #tpu.memory_space<semaphore_mem>>)
      %dma_start3A_249 = arith.constant 384 : i32
      %dma_start3A_250 = arith.constant 0 : i32
      %dma_start3A_251 = tpu.memref_slice %arg14[%dma_start3A_249, %dma_start3A_250] : memref<2048x32xf32, #tpu.memory_space<vmem>> -> memref<128x32xf32, #tpu.memory_space<vmem>>
      %dma_start3A_252 = arith.constant 384 : i32
      %dma_start3A_253 = tpu.memref_slice %arg13[%dma_start3A_252] : memref<2048xi32, #tpu.memory_space<vmem>> -> memref<128xi32, #tpu.memory_space<vmem>>
      %dma_start3A_254 = arith.constant 0 : i32
      %dma_start3A_255 = arith.constant 0 : i32
      %dma_start3A_256 = tpu.memref_slice %arg6[%dma_start3A_254, %dma_start3A_255] : memref<200008x32xf32, #tpu.memory_space<hbm>> -> memref<200008x32xf32, #tpu.memory_space<hbm>>
      tpu.enqueue_indirect_dma source(%dma_start3A_256 : memref<200008x32xf32, #tpu.memory_space<hbm>>) target(%dma_start3A_251 : memref<128x32xf32, #tpu.memory_space<vmem>>) offsets(%dma_start3A_253 : memref<128xi32, #tpu.memory_space<vmem>>) semaphore(%arg21 : memref<!tpu.dma_semaphore, #tpu.memory_space<semaphore_mem>>)
      %dma_wait3A_257 = arith.constant 0 : i32
      %dma_wait3A_258 = arith.constant 0 : i32
      %dma_wait3A_259 = tpu.memref_slice %arg14[%dma_wait3A_257, %dma_wait3A_258] : memref<2048x32xf32, #tpu.memory_space<vmem>> -> memref<128x32xf32, #tpu.memory_space<vmem>>
      %dma_wait3A_260 = arith.constant 0 : i32
      %dma_wait3A_261 = tpu.memref_slice %arg13[%dma_wait3A_260] : memref<2048xi32, #tpu.memory_space<vmem>> -> memref<128xi32, #tpu.memory_space<vmem>>
      %dma_wait3A_262 = arith.constant 0 : i32
      %dma_wait3A_263 = arith.constant 0 : i32
      %dma_wait3A_264 = tpu.memref_slice %arg6[%dma_wait3A_262, %dma_wait3A_263] : memref<200008x32xf32, #tpu.memory_space<hbm>> -> memref<200008x32xf32, #tpu.memory_space<hbm>>
      tpu.wait_indirect_dma semaphore(%arg18 : memref<!tpu.dma_semaphore, #tpu.memory_space<semaphore_mem>>) src(%dma_wait3A_264 : memref<200008x32xf32, #tpu.memory_space<hbm>>) dst(%dma_wait3A_259 : memref<128x32xf32, #tpu.memory_space<vmem>>)
      %dma_start3A_265 = arith.constant 512 : i32
      %dma_start3A_266 = arith.constant 0 : i32
      %dma_start3A_267 = tpu.memref_slice %arg14[%dma_start3A_265, %dma_start3A_266] : memref<2048x32xf32, #tpu.memory_space<vmem>> -> memref<128x32xf32, #tpu.memory_space<vmem>>
      %dma_start3A_268 = arith.constant 512 : i32
      %dma_start3A_269 = tpu.memref_slice %arg13[%dma_start3A_268] : memref<2048xi32, #tpu.memory_space<vmem>> -> memref<128xi32, #tpu.memory_space<vmem>>
      %dma_start3A_270 = arith.constant 0 : i32
      %dma_start3A_271 = arith.constant 0 : i32
      %dma_start3A_272 = tpu.memref_slice %arg6[%dma_start3A_270, %dma_start3A_271] : memref<200008x32xf32, #tpu.memory_space<hbm>> -> memref<200008x32xf32, #tpu.memory_space<hbm>>
      tpu.enqueue_indirect_dma source(%dma_start3A_272 : memref<200008x32xf32, #tpu.memory_space<hbm>>) target(%dma_start3A_267 : memref<128x32xf32, #tpu.memory_space<vmem>>) offsets(%dma_start3A_269 : memref<128xi32, #tpu.memory_space<vmem>>) semaphore(%arg18 : memref<!tpu.dma_semaphore, #tpu.memory_space<semaphore_mem>>)
      %scan3A_273 = arith.constant 0 : i32
      %scan3A_274 = arith.constant 0 : i32
      %scan3A_275 = arith.constant 128 : i32
      %scan3A_276 = arith.addi %scan3A_274, %scan3A_275 : i32
      %scan3A_277 = arith.constant 1 : i32
      %scan3A_278 = scf.for %scan3A_601 = %scan3A_274 to %scan3A_276 step %scan3A_277 iter_args(%scan3A_602 = %scan3A_273) -> (i32)  : i32 {
        %add3A_603 = arith.constant 0 : i32
        %add3A_604 = arith.addi %add3A_603, %scan3A_601 : i32
        %add3A_605 = arith.constant 0 : i32
        %add3A_606 = arith.addi %add3A_605, %scan3A_601 : i32
        %get3A = arith.index_cast %add3A_604 : i32 to index
        %get3A_607 = tpu.vector_load %arg12[%get3A] {strides = array<i32>} : memref<2064xf32, #tpu.memory_space<vmem>>, vector<16xf32>,
        %slice3A = vector.extract_strided_slice %get3A_607 {offsets = [0], sizes = [1], strides = [1]} : vector<16xf32> to vector<1xf32>
        %squeeze3A = vector.extract %slice3A[0] : f32 from vector<1xf32>
        %get3A_608 = arith.index_cast %add3A_606 : i32 to index
        %get3A_609 = arith.constant 0 : index
        %get3A_610 = tpu.vector_load %arg16[%get3A_608, %get3A_609] {strides = array<i32>} : memref<256x32xf32, #tpu.memory_space<vmem>>, vector<16xf32>,
        %get3A_611 = arith.index_cast %add3A_604 : i32 to index
        %get3A_612 = arith.constant 0 : index
        %get3A_613 = tpu.vector_load %arg14[%get3A_611, %get3A_612] {strides = array<i32>} : memref<2048x32xf32, #tpu.memory_space<vmem>>, vector<16xf32>,
        %mul3A_614 = vector.broadcast %squeeze3A : f32 to vector<16xf32>
        %mul3A_615 = arith.mulf %mul3A_614, %get3A_613 : vector<16xf32>
        %add3A_616 = arith.addf %get3A_610, %mul3A_615 : vector<16xf32>
        %swap3A = arith.index_cast %add3A_606 : i32 to index
        %swap3A_617 = arith.constant 0 : index
        %swap3A_618 = tpu.vector_load %arg16[%swap3A, %swap3A_617] {strides = array<i32>} : memref<256x32xf32, #tpu.memory_space<vmem>>, vector<16xf32>,
        tpu.vector_store %arg16[%swap3A, %swap3A_617], %add3A_616 {strides = array<i32>} : memref<256x32xf32, #tpu.memory_space<vmem>>, vector<16xf32>,
        %get3A_619 = arith.index_cast %add3A_606 : i32 to index
        %get3A_620 = arith.constant 16 : index
        %get3A_621 = tpu.vector_load %arg16[%get3A_619, %get3A_620] {strides = array<i32>} : memref<256x32xf32, #tpu.memory_space<vmem>>, vector<16xf32>,
        %get3A_622 = arith.index_cast %add3A_604 : i32 to index
        %get3A_623 = arith.constant 16 : index
        %get3A_624 = tpu.vector_load %arg14[%get3A_622, %get3A_623] {strides = array<i32>} : memref<2048x32xf32, #tpu.memory_space<vmem>>, vector<16xf32>,
        %mul3A_625 = vector.broadcast %squeeze3A : f32 to vector<16xf32>
        %mul3A_626 = arith.mulf %mul3A_625, %get3A_624 : vector<16xf32>
        %add3A_627 = arith.addf %get3A_621, %mul3A_626 : vector<16xf32>
        %swap3A_628 = arith.index_cast %add3A_606 : i32 to index
        %swap3A_629 = arith.constant 16 : index
        %swap3A_630 = tpu.vector_load %arg16[%swap3A_628, %swap3A_629] {strides = array<i32>} : memref<256x32xf32, #tpu.memory_space<vmem>>, vector<16xf32>,
        tpu.vector_store %arg16[%swap3A_628, %swap3A_629], %add3A_627 {strides = array<i32>} : memref<256x32xf32, #tpu.memory_space<vmem>>, vector<16xf32>,
        %scan3A_631 = arith.constant 0 : i32
        scf.yield %scan3A_631 : i32
      }
      %scan3A_279 = arith.constant 128 : i32
      %dma_wait3A_280 = arith.constant 128 : i32
      %dma_wait3A_281 = arith.constant 0 : i32
      %dma_wait3A_282 = tpu.memref_slice %arg14[%dma_wait3A_280, %dma_wait3A_281] : memref<2048x32xf32, #tpu.memory_space<vmem>> -> memref<128x32xf32, #tpu.memory_space<vmem>>
      %dma_wait3A_283 = arith.constant 128 : i32
      %dma_wait3A_284 = tpu.memref_slice %arg13[%dma_wait3A_283] : memref<2048xi32, #tpu.memory_space<vmem>> -> memref<128xi32, #tpu.memory_space<vmem>>
      %dma_wait3A_285 = arith.constant 0 : i32
      %dma_wait3A_286 = arith.constant 0 : i32
      %dma_wait3A_287 = tpu.memref_slice %arg6[%dma_wait3A_285, %dma_wait3A_286] : memref<200008x32xf32, #tpu.memory_space<hbm>> -> memref<200008x32xf32, #tpu.memory_space<hbm>>
      tpu.wait_indirect_dma semaphore(%arg19 : memref<!tpu.dma_semaphore, #tpu.memory_space<semaphore_mem>>) src(%dma_wait3A_287 : memref<200008x32xf32, #tpu.memory_space<hbm>>) dst(%dma_wait3A_282 : memref<128x32xf32, #tpu.memory_space<vmem>>)
      %dma_start3A_288 = arith.constant 640 : i32
      %dma_start3A_289 = arith.constant 0 : i32
      %dma_start3A_290 = tpu.memref_slice %arg14[%dma_start3A_288, %dma_start3A_289] : memref<2048x32xf32, #tpu.memory_space<vmem>> -> memref<128x32xf32, #tpu.memory_space<vmem>>
      %dma_start3A_291 = arith.constant 640 : i32
      %dma_start3A_292 = tpu.memref_slice %arg13[%dma_start3A_291] : memref<2048xi32, #tpu.memory_space<vmem>> -> memref<128xi32, #tpu.memory_space<vmem>>
      %dma_start3A_293 = arith.constant 0 : i32
      %dma_start3A_294 = arith.constant 0 : i32
      %dma_start3A_295 = tpu.memref_slice %arg6[%dma_start3A_293, %dma_start3A_294] : memref<200008x32xf32, #tpu.memory_space<hbm>> -> memref<200008x32xf32, #tpu.memory_space<hbm>>
      tpu.enqueue_indirect_dma source(%dma_start3A_295 : memref<200008x32xf32, #tpu.memory_space<hbm>>) target(%dma_start3A_290 : memref<128x32xf32, #tpu.memory_space<vmem>>) offsets(%dma_start3A_292 : memref<128xi32, #tpu.memory_space<vmem>>) semaphore(%arg19 : memref<!tpu.dma_semaphore, #tpu.memory_space<semaphore_mem>>)
      %scan3A_296 = arith.constant 0 : i32
      %scan3A_297 = arith.constant 0 : i32
      %scan3A_298 = arith.constant 128 : i32
      %scan3A_299 = arith.addi %scan3A_297, %scan3A_298 : i32
      %scan3A_300 = arith.constant 1 : i32
      %scan3A_301 = scf.for %scan3A_601 = %scan3A_297 to %scan3A_299 step %scan3A_300 iter_args(%scan3A_602 = %scan3A_296) -> (i32)  : i32 {
        %add3A_603 = arith.constant 128 : i32
        %add3A_604 = arith.addi %add3A_603, %scan3A_601 : i32
        %add3A_605 = arith.constant 128 : i32
        %add3A_606 = arith.addi %add3A_605, %scan3A_601 : i32
        %get3A = arith.index_cast %add3A_604 : i32 to index
        %get3A_607 = tpu.vector_load %arg12[%get3A] {strides = array<i32>} : memref<2064xf32, #tpu.memory_space<vmem>>, vector<16xf32>,
        %slice3A = vector.extract_strided_slice %get3A_607 {offsets = [0], sizes = [1], strides = [1]} : vector<16xf32> to vector<1xf32>
        %squeeze3A = vector.extract %slice3A[0] : f32 from vector<1xf32>
        %get3A_608 = arith.index_cast %add3A_606 : i32 to index
        %get3A_609 = arith.constant 0 : index
        %get3A_610 = tpu.vector_load %arg16[%get3A_608, %get3A_609] {strides = array<i32>} : memref<256x32xf32, #tpu.memory_space<vmem>>, vector<16xf32>,
        %get3A_611 = arith.index_cast %add3A_604 : i32 to index
        %get3A_612 = arith.constant 0 : index
        %get3A_613 = tpu.vector_load %arg14[%get3A_611, %get3A_612] {strides = array<i32>} : memref<2048x32xf32, #tpu.memory_space<vmem>>, vector<16xf32>,
        %mul3A_614 = vector.broadcast %squeeze3A : f32 to vector<16xf32>
        %mul3A_615 = arith.mulf %mul3A_614, %get3A_613 : vector<16xf32>
        %add3A_616 = arith.addf %get3A_610, %mul3A_615 : vector<16xf32>
        %swap3A = arith.index_cast %add3A_606 : i32 to index
        %swap3A_617 = arith.constant 0 : index
        %swap3A_618 = tpu.vector_load %arg16[%swap3A, %swap3A_617] {strides = array<i32>} : memref<256x32xf32, #tpu.memory_space<vmem>>, vector<16xf32>,
        tpu.vector_store %arg16[%swap3A, %swap3A_617], %add3A_616 {strides = array<i32>} : memref<256x32xf32, #tpu.memory_space<vmem>>, vector<16xf32>,
        %get3A_619 = arith.index_cast %add3A_606 : i32 to index
        %get3A_620 = arith.constant 16 : index
        %get3A_621 = tpu.vector_load %arg16[%get3A_619, %get3A_620] {strides = array<i32>} : memref<256x32xf32, #tpu.memory_space<vmem>>, vector<16xf32>,
        %get3A_622 = arith.index_cast %add3A_604 : i32 to index
        %get3A_623 = arith.constant 16 : index
        %get3A_624 = tpu.vector_load %arg14[%get3A_622, %get3A_623] {strides = array<i32>} : memref<2048x32xf32, #tpu.memory_space<vmem>>, vector<16xf32>,
        %mul3A_625 = vector.broadcast %squeeze3A : f32 to vector<16xf32>
        %mul3A_626 = arith.mulf %mul3A_625, %get3A_624 : vector<16xf32>
        %add3A_627 = arith.addf %get3A_621, %mul3A_626 : vector<16xf32>
        %swap3A_628 = arith.index_cast %add3A_606 : i32 to index
        %swap3A_629 = arith.constant 16 : index
        %swap3A_630 = tpu.vector_load %arg16[%swap3A_628, %swap3A_629] {strides = array<i32>} : memref<256x32xf32, #tpu.memory_space<vmem>>, vector<16xf32>,
        tpu.vector_store %arg16[%swap3A_628, %swap3A_629], %add3A_627 {strides = array<i32>} : memref<256x32xf32, #tpu.memory_space<vmem>>, vector<16xf32>,
        %scan3A_631 = arith.constant 0 : i32
        scf.yield %scan3A_631 : i32
      }
      %scan3A_302 = arith.constant 128 : i32
      %dma_wait3A_303 = arith.constant 256 : i32
      %dma_wait3A_304 = arith.constant 0 : i32
      %dma_wait3A_305 = tpu.memref_slice %arg14[%dma_wait3A_303, %dma_wait3A_304] : memref<2048x32xf32, #tpu.memory_space<vmem>> -> memref<128x32xf32, #tpu.memory_space<vmem>>
      %dma_wait3A_306 = arith.constant 256 : i32
      %dma_wait3A_307 = tpu.memref_slice %arg13[%dma_wait3A_306] : memref<2048xi32, #tpu.memory_space<vmem>> -> memref<128xi32, #tpu.memory_space<vmem>>
      %dma_wait3A_308 = arith.constant 0 : i32
      %dma_wait3A_309 = arith.constant 0 : i32
      %dma_wait3A_310 = tpu.memref_slice %arg6[%dma_wait3A_308, %dma_wait3A_309] : memref<200008x32xf32, #tpu.memory_space<hbm>> -> memref<200008x32xf32, #tpu.memory_space<hbm>>
      tpu.wait_indirect_dma semaphore(%arg20 : memref<!tpu.dma_semaphore, #tpu.memory_space<semaphore_mem>>) src(%dma_wait3A_310 : memref<200008x32xf32, #tpu.memory_space<hbm>>) dst(%dma_wait3A_305 : memref<128x32xf32, #tpu.memory_space<vmem>>)
      %dma_start3A_311 = arith.constant 768 : i32
      %dma_start3A_312 = arith.constant 0 : i32
      %dma_start3A_313 = tpu.memref_slice %arg14[%dma_start3A_311, %dma_start3A_312] : memref<2048x32xf32, #tpu.memory_space<vmem>> -> memref<128x32xf32, #tpu.memory_space<vmem>>
      %dma_start3A_314 = arith.constant 768 : i32
      %dma_start3A_315 = tpu.memref_slice %arg13[%dma_start3A_314] : memref<2048xi32, #tpu.memory_space<vmem>> -> memref<128xi32, #tpu.memory_space<vmem>>
      %dma_start3A_316 = arith.constant 0 : i32
      %dma_start3A_317 = arith.constant 0 : i32
      %dma_start3A_318 = tpu.memref_slice %arg6[%dma_start3A_316, %dma_start3A_317] : memref<200008x32xf32, #tpu.memory_space<hbm>> -> memref<200008x32xf32, #tpu.memory_space<hbm>>
      tpu.enqueue_indirect_dma source(%dma_start3A_318 : memref<200008x32xf32, #tpu.memory_space<hbm>>) target(%dma_start3A_313 : memref<128x32xf32, #tpu.memory_space<vmem>>) offsets(%dma_start3A_315 : memref<128xi32, #tpu.memory_space<vmem>>) semaphore(%arg20 : memref<!tpu.dma_semaphore, #tpu.memory_space<semaphore_mem>>)
      %scan3A_319 = arith.constant 0 : i32
      %scan3A_320 = arith.constant 0 : i32
      %scan3A_321 = arith.constant 128 : i32
      %scan3A_322 = arith.addi %scan3A_320, %scan3A_321 : i32
      %scan3A_323 = arith.constant 1 : i32
      %scan3A_324 = scf.for %scan3A_601 = %scan3A_320 to %scan3A_322 step %scan3A_323 iter_args(%scan3A_602 = %scan3A_319) -> (i32)  : i32 {
        %add3A_603 = arith.constant 256 : i32
        %add3A_604 = arith.addi %add3A_603, %scan3A_601 : i32
        %add3A_605 = arith.constant 0 : i32
        %add3A_606 = arith.addi %add3A_605, %scan3A_601 : i32
        %get3A = arith.index_cast %add3A_604 : i32 to index
        %get3A_607 = tpu.vector_load %arg12[%get3A] {strides = array<i32>} : memref<2064xf32, #tpu.memory_space<vmem>>, vector<16xf32>,
        %slice3A = vector.extract_strided_slice %get3A_607 {offsets = [0], sizes = [1], strides = [1]} : vector<16xf32> to vector<1xf32>
        %squeeze3A = vector.extract %slice3A[0] : f32 from vector<1xf32>
        %get3A_608 = arith.index_cast %add3A_606 : i32 to index
        %get3A_609 = arith.constant 0 : index
        %get3A_610 = tpu.vector_load %arg16[%get3A_608, %get3A_609] {strides = array<i32>} : memref<256x32xf32, #tpu.memory_space<vmem>>, vector<16xf32>,
        %get3A_611 = arith.index_cast %add3A_604 : i32 to index
        %get3A_612 = arith.constant 0 : index
        %get3A_613 = tpu.vector_load %arg14[%get3A_611, %get3A_612] {strides = array<i32>} : memref<2048x32xf32, #tpu.memory_space<vmem>>, vector<16xf32>,
        %mul3A_614 = vector.broadcast %squeeze3A : f32 to vector<16xf32>
        %mul3A_615 = arith.mulf %mul3A_614, %get3A_613 : vector<16xf32>
        %add3A_616 = arith.addf %get3A_610, %mul3A_615 : vector<16xf32>
        %swap3A = arith.index_cast %add3A_606 : i32 to index
        %swap3A_617 = arith.constant 0 : index
        %swap3A_618 = tpu.vector_load %arg16[%swap3A, %swap3A_617] {strides = array<i32>} : memref<256x32xf32, #tpu.memory_space<vmem>>, vector<16xf32>,
        tpu.vector_store %arg16[%swap3A, %swap3A_617], %add3A_616 {strides = array<i32>} : memref<256x32xf32, #tpu.memory_space<vmem>>, vector<16xf32>,
        %get3A_619 = arith.index_cast %add3A_606 : i32 to index
        %get3A_620 = arith.constant 16 : index
        %get3A_621 = tpu.vector_load %arg16[%get3A_619, %get3A_620] {strides = array<i32>} : memref<256x32xf32, #tpu.memory_space<vmem>>, vector<16xf32>,
        %get3A_622 = arith.index_cast %add3A_604 : i32 to index
        %get3A_623 = arith.constant 16 : index
        %get3A_624 = tpu.vector_load %arg14[%get3A_622, %get3A_623] {strides = array<i32>} : memref<2048x32xf32, #tpu.memory_space<vmem>>, vector<16xf32>,
        %mul3A_625 = vector.broadcast %squeeze3A : f32 to vector<16xf32>
        %mul3A_626 = arith.mulf %mul3A_625, %get3A_624 : vector<16xf32>
        %add3A_627 = arith.addf %get3A_621, %mul3A_626 : vector<16xf32>
        %swap3A_628 = arith.index_cast %add3A_606 : i32 to index
        %swap3A_629 = arith.constant 16 : index
        %swap3A_630 = tpu.vector_load %arg16[%swap3A_628, %swap3A_629] {strides = array<i32>} : memref<256x32xf32, #tpu.memory_space<vmem>>, vector<16xf32>,
        tpu.vector_store %arg16[%swap3A_628, %swap3A_629], %add3A_627 {strides = array<i32>} : memref<256x32xf32, #tpu.memory_space<vmem>>, vector<16xf32>,
        %scan3A_631 = arith.constant 0 : i32
        scf.yield %scan3A_631 : i32
      }
      %scan3A_325 = arith.constant 128 : i32
      %dma_wait3A_326 = arith.constant 384 : i32
      %dma_wait3A_327 = arith.constant 0 : i32
      %dma_wait3A_328 = tpu.memref_slice %arg14[%dma_wait3A_326, %dma_wait3A_327] : memref<2048x32xf32, #tpu.memory_space<vmem>> -> memref<128x32xf32, #tpu.memory_space<vmem>>
      %dma_wait3A_329 = arith.constant 384 : i32
      %dma_wait3A_330 = tpu.memref_slice %arg13[%dma_wait3A_329] : memref<2048xi32, #tpu.memory_space<vmem>> -> memref<128xi32, #tpu.memory_space<vmem>>
      %dma_wait3A_331 = arith.constant 0 : i32
      %dma_wait3A_332 = arith.constant 0 : i32
      %dma_wait3A_333 = tpu.memref_slice %arg6[%dma_wait3A_331, %dma_wait3A_332] : memref<200008x32xf32, #tpu.memory_space<hbm>> -> memref<200008x32xf32, #tpu.memory_space<hbm>>
      tpu.wait_indirect_dma semaphore(%arg21 : memref<!tpu.dma_semaphore, #tpu.memory_space<semaphore_mem>>) src(%dma_wait3A_333 : memref<200008x32xf32, #tpu.memory_space<hbm>>) dst(%dma_wait3A_328 : memref<128x32xf32, #tpu.memory_space<vmem>>)
      %dma_start3A_334 = arith.constant 896 : i32
      %dma_start3A_335 = arith.constant 0 : i32
      %dma_start3A_336 = tpu.memref_slice %arg14[%dma_start3A_334, %dma_start3A_335] : memref<2048x32xf32, #tpu.memory_space<vmem>> -> memref<128x32xf32, #tpu.memory_space<vmem>>
      %dma_start3A_337 = arith.constant 896 : i32
      %dma_start3A_338 = tpu.memref_slice %arg13[%dma_start3A_337] : memref<2048xi32, #tpu.memory_space<vmem>> -> memref<128xi32, #tpu.memory_space<vmem>>
      %dma_start3A_339 = arith.constant 0 : i32
      %dma_start3A_340 = arith.constant 0 : i32
      %dma_start3A_341 = tpu.memref_slice %arg6[%dma_start3A_339, %dma_start3A_340] : memref<200008x32xf32, #tpu.memory_space<hbm>> -> memref<200008x32xf32, #tpu.memory_space<hbm>>
      tpu.enqueue_indirect_dma source(%dma_start3A_341 : memref<200008x32xf32, #tpu.memory_space<hbm>>) target(%dma_start3A_336 : memref<128x32xf32, #tpu.memory_space<vmem>>) offsets(%dma_start3A_338 : memref<128xi32, #tpu.memory_space<vmem>>) semaphore(%arg21 : memref<!tpu.dma_semaphore, #tpu.memory_space<semaphore_mem>>)
      %scan3A_342 = arith.constant 0 : i32
      %scan3A_343 = arith.constant 0 : i32
      %scan3A_344 = arith.constant 128 : i32
      %scan3A_345 = arith.addi %scan3A_343, %scan3A_344 : i32
      %scan3A_346 = arith.constant 1 : i32
      %scan3A_347 = scf.for %scan3A_601 = %scan3A_343 to %scan3A_345 step %scan3A_346 iter_args(%scan3A_602 = %scan3A_342) -> (i32)  : i32 {
        %add3A_603 = arith.constant 384 : i32
        %add3A_604 = arith.addi %add3A_603, %scan3A_601 : i32
        %add3A_605 = arith.constant 128 : i32
        %add3A_606 = arith.addi %add3A_605, %scan3A_601 : i32
        %get3A = arith.index_cast %add3A_604 : i32 to index
        %get3A_607 = tpu.vector_load %arg12[%get3A] {strides = array<i32>} : memref<2064xf32, #tpu.memory_space<vmem>>, vector<16xf32>,
        %slice3A = vector.extract_strided_slice %get3A_607 {offsets = [0], sizes = [1], strides = [1]} : vector<16xf32> to vector<1xf32>
        %squeeze3A = vector.extract %slice3A[0] : f32 from vector<1xf32>
        %get3A_608 = arith.index_cast %add3A_606 : i32 to index
        %get3A_609 = arith.constant 0 : index
        %get3A_610 = tpu.vector_load %arg16[%get3A_608, %get3A_609] {strides = array<i32>} : memref<256x32xf32, #tpu.memory_space<vmem>>, vector<16xf32>,
        %get3A_611 = arith.index_cast %add3A_604 : i32 to index
        %get3A_612 = arith.constant 0 : index
        %get3A_613 = tpu.vector_load %arg14[%get3A_611, %get3A_612] {strides = array<i32>} : memref<2048x32xf32, #tpu.memory_space<vmem>>, vector<16xf32>,
        %mul3A_614 = vector.broadcast %squeeze3A : f32 to vector<16xf32>
        %mul3A_615 = arith.mulf %mul3A_614, %get3A_613 : vector<16xf32>
        %add3A_616 = arith.addf %get3A_610, %mul3A_615 : vector<16xf32>
        %swap3A = arith.index_cast %add3A_606 : i32 to index
        %swap3A_617 = arith.constant 0 : index
        %swap3A_618 = tpu.vector_load %arg16[%swap3A, %swap3A_617] {strides = array<i32>} : memref<256x32xf32, #tpu.memory_space<vmem>>, vector<16xf32>,
        tpu.vector_store %arg16[%swap3A, %swap3A_617], %add3A_616 {strides = array<i32>} : memref<256x32xf32, #tpu.memory_space<vmem>>, vector<16xf32>,
        %get3A_619 = arith.index_cast %add3A_606 : i32 to index
        %get3A_620 = arith.constant 16 : index
        %get3A_621 = tpu.vector_load %arg16[%get3A_619, %get3A_620] {strides = array<i32>} : memref<256x32xf32, #tpu.memory_space<vmem>>, vector<16xf32>,
        %get3A_622 = arith.index_cast %add3A_604 : i32 to index
        %get3A_623 = arith.constant 16 : index
        %get3A_624 = tpu.vector_load %arg14[%get3A_622, %get3A_623] {strides = array<i32>} : memref<2048x32xf32, #tpu.memory_space<vmem>>, vector<16xf32>,
        %mul3A_625 = vector.broadcast %squeeze3A : f32 to vector<16xf32>
        %mul3A_626 = arith.mulf %mul3A_625, %get3A_624 : vector<16xf32>
        %add3A_627 = arith.addf %get3A_621, %mul3A_626 : vector<16xf32>
        %swap3A_628 = arith.index_cast %add3A_606 : i32 to index
        %swap3A_629 = arith.constant 16 : index
        %swap3A_630 = tpu.vector_load %arg16[%swap3A_628, %swap3A_629] {strides = array<i32>} : memref<256x32xf32, #tpu.memory_space<vmem>>, vector<16xf32>,
        tpu.vector_store %arg16[%swap3A_628, %swap3A_629], %add3A_627 {strides = array<i32>} : memref<256x32xf32, #tpu.memory_space<vmem>>, vector<16xf32>,
        %scan3A_631 = arith.constant 0 : i32
        scf.yield %scan3A_631 : i32
      }
      %scan3A_348 = arith.constant 128 : i32
      %dma_wait3A_349 = arith.constant 512 : i32
      %dma_wait3A_350 = arith.constant 0 : i32
      %dma_wait3A_351 = tpu.memref_slice %arg14[%dma_wait3A_349, %dma_wait3A_350] : memref<2048x32xf32, #tpu.memory_space<vmem>> -> memref<128x32xf32, #tpu.memory_space<vmem>>
      %dma_wait3A_352 = arith.constant 512 : i32
      %dma_wait3A_353 = tpu.memref_slice %arg13[%dma_wait3A_352] : memref<2048xi32, #tpu.memory_space<vmem>> -> memref<128xi32, #tpu.memory_space<vmem>>
      %dma_wait3A_354 = arith.constant 0 : i32
      %dma_wait3A_355 = arith.constant 0 : i32
      %dma_wait3A_356 = tpu.memref_slice %arg6[%dma_wait3A_354, %dma_wait3A_355] : memref<200008x32xf32, #tpu.memory_space<hbm>> -> memref<200008x32xf32, #tpu.memory_space<hbm>>
      tpu.wait_indirect_dma semaphore(%arg18 : memref<!tpu.dma_semaphore, #tpu.memory_space<semaphore_mem>>) src(%dma_wait3A_356 : memref<200008x32xf32, #tpu.memory_space<hbm>>) dst(%dma_wait3A_351 : memref<128x32xf32, #tpu.memory_space<vmem>>)
      %dma_start3A_357 = arith.constant 1024 : i32
      %dma_start3A_358 = arith.constant 0 : i32
      %dma_start3A_359 = tpu.memref_slice %arg14[%dma_start3A_357, %dma_start3A_358] : memref<2048x32xf32, #tpu.memory_space<vmem>> -> memref<128x32xf32, #tpu.memory_space<vmem>>
      %dma_start3A_360 = arith.constant 1024 : i32
      %dma_start3A_361 = tpu.memref_slice %arg13[%dma_start3A_360] : memref<2048xi32, #tpu.memory_space<vmem>> -> memref<128xi32, #tpu.memory_space<vmem>>
      %dma_start3A_362 = arith.constant 0 : i32
      %dma_start3A_363 = arith.constant 0 : i32
      %dma_start3A_364 = tpu.memref_slice %arg6[%dma_start3A_362, %dma_start3A_363] : memref<200008x32xf32, #tpu.memory_space<hbm>> -> memref<200008x32xf32, #tpu.memory_space<hbm>>
      tpu.enqueue_indirect_dma source(%dma_start3A_364 : memref<200008x32xf32, #tpu.memory_space<hbm>>) target(%dma_start3A_359 : memref<128x32xf32, #tpu.memory_space<vmem>>) offsets(%dma_start3A_361 : memref<128xi32, #tpu.memory_space<vmem>>) semaphore(%arg18 : memref<!tpu.dma_semaphore, #tpu.memory_space<semaphore_mem>>)
      %scan3A_365 = arith.constant 0 : i32
      %scan3A_366 = arith.constant 0 : i32
      %scan3A_367 = arith.constant 128 : i32
      %scan3A_368 = arith.addi %scan3A_366, %scan3A_367 : i32
      %scan3A_369 = arith.constant 1 : i32
      %scan3A_370 = scf.for %scan3A_601 = %scan3A_366 to %scan3A_368 step %scan3A_369 iter_args(%scan3A_602 = %scan3A_365) -> (i32)  : i32 {
        %add3A_603 = arith.constant 512 : i32
        %add3A_604 = arith.addi %add3A_603, %scan3A_601 : i32
        %add3A_605 = arith.constant 0 : i32
        %add3A_606 = arith.addi %add3A_605, %scan3A_601 : i32
        %get3A = arith.index_cast %add3A_604 : i32 to index
        %get3A_607 = tpu.vector_load %arg12[%get3A] {strides = array<i32>} : memref<2064xf32, #tpu.memory_space<vmem>>, vector<16xf32>,
        %slice3A = vector.extract_strided_slice %get3A_607 {offsets = [0], sizes = [1], strides = [1]} : vector<16xf32> to vector<1xf32>
        %squeeze3A = vector.extract %slice3A[0] : f32 from vector<1xf32>
        %get3A_608 = arith.index_cast %add3A_606 : i32 to index
        %get3A_609 = arith.constant 0 : index
        %get3A_610 = tpu.vector_load %arg16[%get3A_608, %get3A_609] {strides = array<i32>} : memref<256x32xf32, #tpu.memory_space<vmem>>, vector<16xf32>,
        %get3A_611 = arith.index_cast %add3A_604 : i32 to index
        %get3A_612 = arith.constant 0 : index
        %get3A_613 = tpu.vector_load %arg14[%get3A_611, %get3A_612] {strides = array<i32>} : memref<2048x32xf32, #tpu.memory_space<vmem>>, vector<16xf32>,
        %mul3A_614 = vector.broadcast %squeeze3A : f32 to vector<16xf32>
        %mul3A_615 = arith.mulf %mul3A_614, %get3A_613 : vector<16xf32>
        %add3A_616 = arith.addf %get3A_610, %mul3A_615 : vector<16xf32>
        %swap3A = arith.index_cast %add3A_606 : i32 to index
        %swap3A_617 = arith.constant 0 : index
        %swap3A_618 = tpu.vector_load %arg16[%swap3A, %swap3A_617] {strides = array<i32>} : memref<256x32xf32, #tpu.memory_space<vmem>>, vector<16xf32>,
        tpu.vector_store %arg16[%swap3A, %swap3A_617], %add3A_616 {strides = array<i32>} : memref<256x32xf32, #tpu.memory_space<vmem>>, vector<16xf32>,
        %get3A_619 = arith.index_cast %add3A_606 : i32 to index
        %get3A_620 = arith.constant 16 : index
        %get3A_621 = tpu.vector_load %arg16[%get3A_619, %get3A_620] {strides = array<i32>} : memref<256x32xf32, #tpu.memory_space<vmem>>, vector<16xf32>,
        %get3A_622 = arith.index_cast %add3A_604 : i32 to index
        %get3A_623 = arith.constant 16 : index
        %get3A_624 = tpu.vector_load %arg14[%get3A_622, %get3A_623] {strides = array<i32>} : memref<2048x32xf32, #tpu.memory_space<vmem>>, vector<16xf32>,
        %mul3A_625 = vector.broadcast %squeeze3A : f32 to vector<16xf32>
        %mul3A_626 = arith.mulf %mul3A_625, %get3A_624 : vector<16xf32>
        %add3A_627 = arith.addf %get3A_621, %mul3A_626 : vector<16xf32>
        %swap3A_628 = arith.index_cast %add3A_606 : i32 to index
        %swap3A_629 = arith.constant 16 : index
        %swap3A_630 = tpu.vector_load %arg16[%swap3A_628, %swap3A_629] {strides = array<i32>} : memref<256x32xf32, #tpu.memory_space<vmem>>, vector<16xf32>,
        tpu.vector_store %arg16[%swap3A_628, %swap3A_629], %add3A_627 {strides = array<i32>} : memref<256x32xf32, #tpu.memory_space<vmem>>, vector<16xf32>,
        %scan3A_631 = arith.constant 0 : i32
        scf.yield %scan3A_631 : i32
      }
      %scan3A_371 = arith.constant 128 : i32
      %dma_wait3A_372 = arith.constant 640 : i32
      %dma_wait3A_373 = arith.constant 0 : i32
      %dma_wait3A_374 = tpu.memref_slice %arg14[%dma_wait3A_372, %dma_wait3A_373] : memref<2048x32xf32, #tpu.memory_space<vmem>> -> memref<128x32xf32, #tpu.memory_space<vmem>>
      %dma_wait3A_375 = arith.constant 640 : i32
      %dma_wait3A_376 = tpu.memref_slice %arg13[%dma_wait3A_375] : memref<2048xi32, #tpu.memory_space<vmem>> -> memref<128xi32, #tpu.memory_space<vmem>>
      %dma_wait3A_377 = arith.constant 0 : i32
      %dma_wait3A_378 = arith.constant 0 : i32
      %dma_wait3A_379 = tpu.memref_slice %arg6[%dma_wait3A_377, %dma_wait3A_378] : memref<200008x32xf32, #tpu.memory_space<hbm>> -> memref<200008x32xf32, #tpu.memory_space<hbm>>
      tpu.wait_indirect_dma semaphore(%arg19 : memref<!tpu.dma_semaphore, #tpu.memory_space<semaphore_mem>>) src(%dma_wait3A_379 : memref<200008x32xf32, #tpu.memory_space<hbm>>) dst(%dma_wait3A_374 : memref<128x32xf32, #tpu.memory_space<vmem>>)
      %dma_start3A_380 = arith.constant 1152 : i32
      %dma_start3A_381 = arith.constant 0 : i32
      %dma_start3A_382 = tpu.memref_slice %arg14[%dma_start3A_380, %dma_start3A_381] : memref<2048x32xf32, #tpu.memory_space<vmem>> -> memref<128x32xf32, #tpu.memory_space<vmem>>
      %dma_start3A_383 = arith.constant 1152 : i32
      %dma_start3A_384 = tpu.memref_slice %arg13[%dma_start3A_383] : memref<2048xi32, #tpu.memory_space<vmem>> -> memref<128xi32, #tpu.memory_space<vmem>>
      %dma_start3A_385 = arith.constant 0 : i32
      %dma_start3A_386 = arith.constant 0 : i32
      %dma_start3A_387 = tpu.memref_slice %arg6[%dma_start3A_385, %dma_start3A_386] : memref<200008x32xf32, #tpu.memory_space<hbm>> -> memref<200008x32xf32, #tpu.memory_space<hbm>>
      tpu.enqueue_indirect_dma source(%dma_start3A_387 : memref<200008x32xf32, #tpu.memory_space<hbm>>) target(%dma_start3A_382 : memref<128x32xf32, #tpu.memory_space<vmem>>) offsets(%dma_start3A_384 : memref<128xi32, #tpu.memory_space<vmem>>) semaphore(%arg19 : memref<!tpu.dma_semaphore, #tpu.memory_space<semaphore_mem>>)
      %scan3A_388 = arith.constant 0 : i32
      %scan3A_389 = arith.constant 0 : i32
      %scan3A_390 = arith.constant 128 : i32
      %scan3A_391 = arith.addi %scan3A_389, %scan3A_390 : i32
      %scan3A_392 = arith.constant 1 : i32
      %scan3A_393 = scf.for %scan3A_601 = %scan3A_389 to %scan3A_391 step %scan3A_392 iter_args(%scan3A_602 = %scan3A_388) -> (i32)  : i32 {
        %add3A_603 = arith.constant 640 : i32
        %add3A_604 = arith.addi %add3A_603, %scan3A_601 : i32
        %add3A_605 = arith.constant 128 : i32
        %add3A_606 = arith.addi %add3A_605, %scan3A_601 : i32
        %get3A = arith.index_cast %add3A_604 : i32 to index
        %get3A_607 = tpu.vector_load %arg12[%get3A] {strides = array<i32>} : memref<2064xf32, #tpu.memory_space<vmem>>, vector<16xf32>,
        %slice3A = vector.extract_strided_slice %get3A_607 {offsets = [0], sizes = [1], strides = [1]} : vector<16xf32> to vector<1xf32>
        %squeeze3A = vector.extract %slice3A[0] : f32 from vector<1xf32>
        %get3A_608 = arith.index_cast %add3A_606 : i32 to index
        %get3A_609 = arith.constant 0 : index
        %get3A_610 = tpu.vector_load %arg16[%get3A_608, %get3A_609] {strides = array<i32>} : memref<256x32xf32, #tpu.memory_space<vmem>>, vector<16xf32>,
        %get3A_611 = arith.index_cast %add3A_604 : i32 to index
        %get3A_612 = arith.constant 0 : index
        %get3A_613 = tpu.vector_load %arg14[%get3A_611, %get3A_612] {strides = array<i32>} : memref<2048x32xf32, #tpu.memory_space<vmem>>, vector<16xf32>,
        %mul3A_614 = vector.broadcast %squeeze3A : f32 to vector<16xf32>
        %mul3A_615 = arith.mulf %mul3A_614, %get3A_613 : vector<16xf32>
        %add3A_616 = arith.addf %get3A_610, %mul3A_615 : vector<16xf32>
        %swap3A = arith.index_cast %add3A_606 : i32 to index
        %swap3A_617 = arith.constant 0 : index
        %swap3A_618 = tpu.vector_load %arg16[%swap3A, %swap3A_617] {strides = array<i32>} : memref<256x32xf32, #tpu.memory_space<vmem>>, vector<16xf32>,
        tpu.vector_store %arg16[%swap3A, %swap3A_617], %add3A_616 {strides = array<i32>} : memref<256x32xf32, #tpu.memory_space<vmem>>, vector<16xf32>,
        %get3A_619 = arith.index_cast %add3A_606 : i32 to index
        %get3A_620 = arith.constant 16 : index
        %get3A_621 = tpu.vector_load %arg16[%get3A_619, %get3A_620] {strides = array<i32>} : memref<256x32xf32, #tpu.memory_space<vmem>>, vector<16xf32>,
        %get3A_622 = arith.index_cast %add3A_604 : i32 to index
        %get3A_623 = arith.constant 16 : index
        %get3A_624 = tpu.vector_load %arg14[%get3A_622, %get3A_623] {strides = array<i32>} : memref<2048x32xf32, #tpu.memory_space<vmem>>, vector<16xf32>,
        %mul3A_625 = vector.broadcast %squeeze3A : f32 to vector<16xf32>
        %mul3A_626 = arith.mulf %mul3A_625, %get3A_624 : vector<16xf32>
        %add3A_627 = arith.addf %get3A_621, %mul3A_626 : vector<16xf32>
        %swap3A_628 = arith.index_cast %add3A_606 : i32 to index
        %swap3A_629 = arith.constant 16 : index
        %swap3A_630 = tpu.vector_load %arg16[%swap3A_628, %swap3A_629] {strides = array<i32>} : memref<256x32xf32, #tpu.memory_space<vmem>>, vector<16xf32>,
        tpu.vector_store %arg16[%swap3A_628, %swap3A_629], %add3A_627 {strides = array<i32>} : memref<256x32xf32, #tpu.memory_space<vmem>>, vector<16xf32>,
        %scan3A_631 = arith.constant 0 : i32
        scf.yield %scan3A_631 : i32
      }
      %scan3A_394 = arith.constant 128 : i32
      %dma_wait3A_395 = arith.constant 768 : i32
      %dma_wait3A_396 = arith.constant 0 : i32
      %dma_wait3A_397 = tpu.memref_slice %arg14[%dma_wait3A_395, %dma_wait3A_396] : memref<2048x32xf32, #tpu.memory_space<vmem>> -> memref<128x32xf32, #tpu.memory_space<vmem>>
      %dma_wait3A_398 = arith.constant 768 : i32
      %dma_wait3A_399 = tpu.memref_slice %arg13[%dma_wait3A_398] : memref<2048xi32, #tpu.memory_space<vmem>> -> memref<128xi32, #tpu.memory_space<vmem>>
      %dma_wait3A_400 = arith.constant 0 : i32
      %dma_wait3A_401 = arith.constant 0 : i32
      %dma_wait3A_402 = tpu.memref_slice %arg6[%dma_wait3A_400, %dma_wait3A_401] : memref<200008x32xf32, #tpu.memory_space<hbm>> -> memref<200008x32xf32, #tpu.memory_space<hbm>>
      tpu.wait_indirect_dma semaphore(%arg20 : memref<!tpu.dma_semaphore, #tpu.memory_space<semaphore_mem>>) src(%dma_wait3A_402 : memref<200008x32xf32, #tpu.memory_space<hbm>>) dst(%dma_wait3A_397 : memref<128x32xf32, #tpu.memory_space<vmem>>)
      %dma_start3A_403 = arith.constant 1280 : i32
      %dma_start3A_404 = arith.constant 0 : i32
      %dma_start3A_405 = tpu.memref_slice %arg14[%dma_start3A_403, %dma_start3A_404] : memref<2048x32xf32, #tpu.memory_space<vmem>> -> memref<128x32xf32, #tpu.memory_space<vmem>>
      %dma_start3A_406 = arith.constant 1280 : i32
      %dma_start3A_407 = tpu.memref_slice %arg13[%dma_start3A_406] : memref<2048xi32, #tpu.memory_space<vmem>> -> memref<128xi32, #tpu.memory_space<vmem>>
      %dma_start3A_408 = arith.constant 0 : i32
      %dma_start3A_409 = arith.constant 0 : i32
      %dma_start3A_410 = tpu.memref_slice %arg6[%dma_start3A_408, %dma_start3A_409] : memref<200008x32xf32, #tpu.memory_space<hbm>> -> memref<200008x32xf32, #tpu.memory_space<hbm>>
      tpu.enqueue_indirect_dma source(%dma_start3A_410 : memref<200008x32xf32, #tpu.memory_space<hbm>>) target(%dma_start3A_405 : memref<128x32xf32, #tpu.memory_space<vmem>>) offsets(%dma_start3A_407 : memref<128xi32, #tpu.memory_space<vmem>>) semaphore(%arg20 : memref<!tpu.dma_semaphore, #tpu.memory_space<semaphore_mem>>)
      %scan3A_411 = arith.constant 0 : i32
      %scan3A_412 = arith.constant 0 : i32
      %scan3A_413 = arith.constant 128 : i32
      %scan3A_414 = arith.addi %scan3A_412, %scan3A_413 : i32
      %scan3A_415 = arith.constant 1 : i32
      %scan3A_416 = scf.for %scan3A_601 = %scan3A_412 to %scan3A_414 step %scan3A_415 iter_args(%scan3A_602 = %scan3A_411) -> (i32)  : i32 {
        %add3A_603 = arith.constant 768 : i32
        %add3A_604 = arith.addi %add3A_603, %scan3A_601 : i32
        %add3A_605 = arith.constant 0 : i32
        %add3A_606 = arith.addi %add3A_605, %scan3A_601 : i32
        %get3A = arith.index_cast %add3A_604 : i32 to index
        %get3A_607 = tpu.vector_load %arg12[%get3A] {strides = array<i32>} : memref<2064xf32, #tpu.memory_space<vmem>>, vector<16xf32>,
        %slice3A = vector.extract_strided_slice %get3A_607 {offsets = [0], sizes = [1], strides = [1]} : vector<16xf32> to vector<1xf32>
        %squeeze3A = vector.extract %slice3A[0] : f32 from vector<1xf32>
        %get3A_608 = arith.index_cast %add3A_606 : i32 to index
        %get3A_609 = arith.constant 0 : index
        %get3A_610 = tpu.vector_load %arg16[%get3A_608, %get3A_609] {strides = array<i32>} : memref<256x32xf32, #tpu.memory_space<vmem>>, vector<16xf32>,
        %get3A_611 = arith.index_cast %add3A_604 : i32 to index
        %get3A_612 = arith.constant 0 : index
        %get3A_613 = tpu.vector_load %arg14[%get3A_611, %get3A_612] {strides = array<i32>} : memref<2048x32xf32, #tpu.memory_space<vmem>>, vector<16xf32>,
        %mul3A_614 = vector.broadcast %squeeze3A : f32 to vector<16xf32>
        %mul3A_615 = arith.mulf %mul3A_614, %get3A_613 : vector<16xf32>
        %add3A_616 = arith.addf %get3A_610, %mul3A_615 : vector<16xf32>
        %swap3A = arith.index_cast %add3A_606 : i32 to index
        %swap3A_617 = arith.constant 0 : index
        %swap3A_618 = tpu.vector_load %arg16[%swap3A, %swap3A_617] {strides = array<i32>} : memref<256x32xf32, #tpu.memory_space<vmem>>, vector<16xf32>,
        tpu.vector_store %arg16[%swap3A, %swap3A_617], %add3A_616 {strides = array<i32>} : memref<256x32xf32, #tpu.memory_space<vmem>>, vector<16xf32>,
        %get3A_619 = arith.index_cast %add3A_606 : i32 to index
        %get3A_620 = arith.constant 16 : index
        %get3A_621 = tpu.vector_load %arg16[%get3A_619, %get3A_620] {strides = array<i32>} : memref<256x32xf32, #tpu.memory_space<vmem>>, vector<16xf32>,
        %get3A_622 = arith.index_cast %add3A_604 : i32 to index
        %get3A_623 = arith.constant 16 : index
        %get3A_624 = tpu.vector_load %arg14[%get3A_622, %get3A_623] {strides = array<i32>} : memref<2048x32xf32, #tpu.memory_space<vmem>>, vector<16xf32>,
        %mul3A_625 = vector.broadcast %squeeze3A : f32 to vector<16xf32>
        %mul3A_626 = arith.mulf %mul3A_625, %get3A_624 : vector<16xf32>
        %add3A_627 = arith.addf %get3A_621, %mul3A_626 : vector<16xf32>
        %swap3A_628 = arith.index_cast %add3A_606 : i32 to index
        %swap3A_629 = arith.constant 16 : index
        %swap3A_630 = tpu.vector_load %arg16[%swap3A_628, %swap3A_629] {strides = array<i32>} : memref<256x32xf32, #tpu.memory_space<vmem>>, vector<16xf32>,
        tpu.vector_store %arg16[%swap3A_628, %swap3A_629], %add3A_627 {strides = array<i32>} : memref<256x32xf32, #tpu.memory_space<vmem>>, vector<16xf32>,
        %scan3A_631 = arith.constant 0 : i32
        scf.yield %scan3A_631 : i32
      }
      %scan3A_417 = arith.constant 128 : i32
      %dma_wait3A_418 = arith.constant 896 : i32
      %dma_wait3A_419 = arith.constant 0 : i32
      %dma_wait3A_420 = tpu.memref_slice %arg14[%dma_wait3A_418, %dma_wait3A_419] : memref<2048x32xf32, #tpu.memory_space<vmem>> -> memref<128x32xf32, #tpu.memory_space<vmem>>
      %dma_wait3A_421 = arith.constant 896 : i32
      %dma_wait3A_422 = tpu.memref_slice %arg13[%dma_wait3A_421] : memref<2048xi32, #tpu.memory_space<vmem>> -> memref<128xi32, #tpu.memory_space<vmem>>
      %dma_wait3A_423 = arith.constant 0 : i32
      %dma_wait3A_424 = arith.constant 0 : i32
      %dma_wait3A_425 = tpu.memref_slice %arg6[%dma_wait3A_423, %dma_wait3A_424] : memref<200008x32xf32, #tpu.memory_space<hbm>> -> memref<200008x32xf32, #tpu.memory_space<hbm>>
      tpu.wait_indirect_dma semaphore(%arg21 : memref<!tpu.dma_semaphore, #tpu.memory_space<semaphore_mem>>) src(%dma_wait3A_425 : memref<200008x32xf32, #tpu.memory_space<hbm>>) dst(%dma_wait3A_420 : memref<128x32xf32, #tpu.memory_space<vmem>>)
      %dma_start3A_426 = arith.constant 1408 : i32
      %dma_start3A_427 = arith.constant 0 : i32
      %dma_start3A_428 = tpu.memref_slice %arg14[%dma_start3A_426, %dma_start3A_427] : memref<2048x32xf32, #tpu.memory_space<vmem>> -> memref<128x32xf32, #tpu.memory_space<vmem>>
      %dma_start3A_429 = arith.constant 1408 : i32
      %dma_start3A_430 = tpu.memref_slice %arg13[%dma_start3A_429] : memref<2048xi32, #tpu.memory_space<vmem>> -> memref<128xi32, #tpu.memory_space<vmem>>
      %dma_start3A_431 = arith.constant 0 : i32
      %dma_start3A_432 = arith.constant 0 : i32
      %dma_start3A_433 = tpu.memref_slice %arg6[%dma_start3A_431, %dma_start3A_432] : memref<200008x32xf32, #tpu.memory_space<hbm>> -> memref<200008x32xf32, #tpu.memory_space<hbm>>
      tpu.enqueue_indirect_dma source(%dma_start3A_433 : memref<200008x32xf32, #tpu.memory_space<hbm>>) target(%dma_start3A_428 : memref<128x32xf32, #tpu.memory_space<vmem>>) offsets(%dma_start3A_430 : memref<128xi32, #tpu.memory_space<vmem>>) semaphore(%arg21 : memref<!tpu.dma_semaphore, #tpu.memory_space<semaphore_mem>>)
      %scan3A_434 = arith.constant 0 : i32
      %scan3A_435 = arith.constant 0 : i32
      %scan3A_436 = arith.constant 128 : i32
      %scan3A_437 = arith.addi %scan3A_435, %scan3A_436 : i32
      %scan3A_438 = arith.constant 1 : i32
      %scan3A_439 = scf.for %scan3A_601 = %scan3A_435 to %scan3A_437 step %scan3A_438 iter_args(%scan3A_602 = %scan3A_434) -> (i32)  : i32 {
        %add3A_603 = arith.constant 896 : i32
        %add3A_604 = arith.addi %add3A_603, %scan3A_601 : i32
        %add3A_605 = arith.constant 128 : i32
        %add3A_606 = arith.addi %add3A_605, %scan3A_601 : i32
        %get3A = arith.index_cast %add3A_604 : i32 to index
        %get3A_607 = tpu.vector_load %arg12[%get3A] {strides = array<i32>} : memref<2064xf32, #tpu.memory_space<vmem>>, vector<16xf32>,
        %slice3A = vector.extract_strided_slice %get3A_607 {offsets = [0], sizes = [1], strides = [1]} : vector<16xf32> to vector<1xf32>
        %squeeze3A = vector.extract %slice3A[0] : f32 from vector<1xf32>
        %get3A_608 = arith.index_cast %add3A_606 : i32 to index
        %get3A_609 = arith.constant 0 : index
        %get3A_610 = tpu.vector_load %arg16[%get3A_608, %get3A_609] {strides = array<i32>} : memref<256x32xf32, #tpu.memory_space<vmem>>, vector<16xf32>,
        %get3A_611 = arith.index_cast %add3A_604 : i32 to index
        %get3A_612 = arith.constant 0 : index
        %get3A_613 = tpu.vector_load %arg14[%get3A_611, %get3A_612] {strides = array<i32>} : memref<2048x32xf32, #tpu.memory_space<vmem>>, vector<16xf32>,
        %mul3A_614 = vector.broadcast %squeeze3A : f32 to vector<16xf32>
        %mul3A_615 = arith.mulf %mul3A_614, %get3A_613 : vector<16xf32>
        %add3A_616 = arith.addf %get3A_610, %mul3A_615 : vector<16xf32>
        %swap3A = arith.index_cast %add3A_606 : i32 to index
        %swap3A_617 = arith.constant 0 : index
        %swap3A_618 = tpu.vector_load %arg16[%swap3A, %swap3A_617] {strides = array<i32>} : memref<256x32xf32, #tpu.memory_space<vmem>>, vector<16xf32>,
        tpu.vector_store %arg16[%swap3A, %swap3A_617], %add3A_616 {strides = array<i32>} : memref<256x32xf32, #tpu.memory_space<vmem>>, vector<16xf32>,
        %get3A_619 = arith.index_cast %add3A_606 : i32 to index
        %get3A_620 = arith.constant 16 : index
        %get3A_621 = tpu.vector_load %arg16[%get3A_619, %get3A_620] {strides = array<i32>} : memref<256x32xf32, #tpu.memory_space<vmem>>, vector<16xf32>,
        %get3A_622 = arith.index_cast %add3A_604 : i32 to index
        %get3A_623 = arith.constant 16 : index
        %get3A_624 = tpu.vector_load %arg14[%get3A_622, %get3A_623] {strides = array<i32>} : memref<2048x32xf32, #tpu.memory_space<vmem>>, vector<16xf32>,
        %mul3A_625 = vector.broadcast %squeeze3A : f32 to vector<16xf32>
        %mul3A_626 = arith.mulf %mul3A_625, %get3A_624 : vector<16xf32>
        %add3A_627 = arith.addf %get3A_621, %mul3A_626 : vector<16xf32>
        %swap3A_628 = arith.index_cast %add3A_606 : i32 to index
        %swap3A_629 = arith.constant 16 : index
        %swap3A_630 = tpu.vector_load %arg16[%swap3A_628, %swap3A_629] {strides = array<i32>} : memref<256x32xf32, #tpu.memory_space<vmem>>, vector<16xf32>,
        tpu.vector_store %arg16[%swap3A_628, %swap3A_629], %add3A_627 {strides = array<i32>} : memref<256x32xf32, #tpu.memory_space<vmem>>, vector<16xf32>,
        %scan3A_631 = arith.constant 0 : i32
        scf.yield %scan3A_631 : i32
      }
      %scan3A_440 = arith.constant 128 : i32
      %dma_wait3A_441 = arith.constant 1024 : i32
      %dma_wait3A_442 = arith.constant 0 : i32
      %dma_wait3A_443 = tpu.memref_slice %arg14[%dma_wait3A_441, %dma_wait3A_442] : memref<2048x32xf32, #tpu.memory_space<vmem>> -> memref<128x32xf32, #tpu.memory_space<vmem>>
      %dma_wait3A_444 = arith.constant 1024 : i32
      %dma_wait3A_445 = tpu.memref_slice %arg13[%dma_wait3A_444] : memref<2048xi32, #tpu.memory_space<vmem>> -> memref<128xi32, #tpu.memory_space<vmem>>
      %dma_wait3A_446 = arith.constant 0 : i32
      %dma_wait3A_447 = arith.constant 0 : i32
      %dma_wait3A_448 = tpu.memref_slice %arg6[%dma_wait3A_446, %dma_wait3A_447] : memref<200008x32xf32, #tpu.memory_space<hbm>> -> memref<200008x32xf32, #tpu.memory_space<hbm>>
      tpu.wait_indirect_dma semaphore(%arg18 : memref<!tpu.dma_semaphore, #tpu.memory_space<semaphore_mem>>) src(%dma_wait3A_448 : memref<200008x32xf32, #tpu.memory_space<hbm>>) dst(%dma_wait3A_443 : memref<128x32xf32, #tpu.memory_space<vmem>>)
      %dma_start3A_449 = arith.constant 1536 : i32
      %dma_start3A_450 = arith.constant 0 : i32
      %dma_start3A_451 = tpu.memref_slice %arg14[%dma_start3A_449, %dma_start3A_450] : memref<2048x32xf32, #tpu.memory_space<vmem>> -> memref<128x32xf32, #tpu.memory_space<vmem>>
      %dma_start3A_452 = arith.constant 1536 : i32
      %dma_start3A_453 = tpu.memref_slice %arg13[%dma_start3A_452] : memref<2048xi32, #tpu.memory_space<vmem>> -> memref<128xi32, #tpu.memory_space<vmem>>
      %dma_start3A_454 = arith.constant 0 : i32
      %dma_start3A_455 = arith.constant 0 : i32
      %dma_start3A_456 = tpu.memref_slice %arg6[%dma_start3A_454, %dma_start3A_455] : memref<200008x32xf32, #tpu.memory_space<hbm>> -> memref<200008x32xf32, #tpu.memory_space<hbm>>
      tpu.enqueue_indirect_dma source(%dma_start3A_456 : memref<200008x32xf32, #tpu.memory_space<hbm>>) target(%dma_start3A_451 : memref<128x32xf32, #tpu.memory_space<vmem>>) offsets(%dma_start3A_453 : memref<128xi32, #tpu.memory_space<vmem>>) semaphore(%arg18 : memref<!tpu.dma_semaphore, #tpu.memory_space<semaphore_mem>>)
      %scan3A_457 = arith.constant 0 : i32
      %scan3A_458 = arith.constant 0 : i32
      %scan3A_459 = arith.constant 128 : i32
      %scan3A_460 = arith.addi %scan3A_458, %scan3A_459 : i32
      %scan3A_461 = arith.constant 1 : i32
      %scan3A_462 = scf.for %scan3A_601 = %scan3A_458 to %scan3A_460 step %scan3A_461 iter_args(%scan3A_602 = %scan3A_457) -> (i32)  : i32 {
        %add3A_603 = arith.constant 1024 : i32
        %add3A_604 = arith.addi %add3A_603, %scan3A_601 : i32
        %add3A_605 = arith.constant 0 : i32
        %add3A_606 = arith.addi %add3A_605, %scan3A_601 : i32
        %get3A = arith.index_cast %add3A_604 : i32 to index
        %get3A_607 = tpu.vector_load %arg12[%get3A] {strides = array<i32>} : memref<2064xf32, #tpu.memory_space<vmem>>, vector<16xf32>,
        %slice3A = vector.extract_strided_slice %get3A_607 {offsets = [0], sizes = [1], strides = [1]} : vector<16xf32> to vector<1xf32>
        %squeeze3A = vector.extract %slice3A[0] : f32 from vector<1xf32>
        %get3A_608 = arith.index_cast %add3A_606 : i32 to index
        %get3A_609 = arith.constant 0 : index
        %get3A_610 = tpu.vector_load %arg16[%get3A_608, %get3A_609] {strides = array<i32>} : memref<256x32xf32, #tpu.memory_space<vmem>>, vector<16xf32>,
        %get3A_611 = arith.index_cast %add3A_604 : i32 to index
        %get3A_612 = arith.constant 0 : index
        %get3A_613 = tpu.vector_load %arg14[%get3A_611, %get3A_612] {strides = array<i32>} : memref<2048x32xf32, #tpu.memory_space<vmem>>, vector<16xf32>,
        %mul3A_614 = vector.broadcast %squeeze3A : f32 to vector<16xf32>
        %mul3A_615 = arith.mulf %mul3A_614, %get3A_613 : vector<16xf32>
        %add3A_616 = arith.addf %get3A_610, %mul3A_615 : vector<16xf32>
        %swap3A = arith.index_cast %add3A_606 : i32 to index
        %swap3A_617 = arith.constant 0 : index
        %swap3A_618 = tpu.vector_load %arg16[%swap3A, %swap3A_617] {strides = array<i32>} : memref<256x32xf32, #tpu.memory_space<vmem>>, vector<16xf32>,
        tpu.vector_store %arg16[%swap3A, %swap3A_617], %add3A_616 {strides = array<i32>} : memref<256x32xf32, #tpu.memory_space<vmem>>, vector<16xf32>,
        %get3A_619 = arith.index_cast %add3A_606 : i32 to index
        %get3A_620 = arith.constant 16 : index
        %get3A_621 = tpu.vector_load %arg16[%get3A_619, %get3A_620] {strides = array<i32>} : memref<256x32xf32, #tpu.memory_space<vmem>>, vector<16xf32>,
        %get3A_622 = arith.index_cast %add3A_604 : i32 to index
        %get3A_623 = arith.constant 16 : index
        %get3A_624 = tpu.vector_load %arg14[%get3A_622, %get3A_623] {strides = array<i32>} : memref<2048x32xf32, #tpu.memory_space<vmem>>, vector<16xf32>,
        %mul3A_625 = vector.broadcast %squeeze3A : f32 to vector<16xf32>
        %mul3A_626 = arith.mulf %mul3A_625, %get3A_624 : vector<16xf32>
        %add3A_627 = arith.addf %get3A_621, %mul3A_626 : vector<16xf32>
        %swap3A_628 = arith.index_cast %add3A_606 : i32 to index
        %swap3A_629 = arith.constant 16 : index
        %swap3A_630 = tpu.vector_load %arg16[%swap3A_628, %swap3A_629] {strides = array<i32>} : memref<256x32xf32, #tpu.memory_space<vmem>>, vector<16xf32>,
        tpu.vector_store %arg16[%swap3A_628, %swap3A_629], %add3A_627 {strides = array<i32>} : memref<256x32xf32, #tpu.memory_space<vmem>>, vector<16xf32>,
        %scan3A_631 = arith.constant 0 : i32
        scf.yield %scan3A_631 : i32
      }
      %scan3A_463 = arith.constant 128 : i32
      %dma_wait3A_464 = arith.constant 1152 : i32
      %dma_wait3A_465 = arith.constant 0 : i32
      %dma_wait3A_466 = tpu.memref_slice %arg14[%dma_wait3A_464, %dma_wait3A_465] : memref<2048x32xf32, #tpu.memory_space<vmem>> -> memref<128x32xf32, #tpu.memory_space<vmem>>
      %dma_wait3A_467 = arith.constant 1152 : i32
      %dma_wait3A_468 = tpu.memref_slice %arg13[%dma_wait3A_467] : memref<2048xi32, #tpu.memory_space<vmem>> -> memref<128xi32, #tpu.memory_space<vmem>>
      %dma_wait3A_469 = arith.constant 0 : i32
      %dma_wait3A_470 = arith.constant 0 : i32
      %dma_wait3A_471 = tpu.memref_slice %arg6[%dma_wait3A_469, %dma_wait3A_470] : memref<200008x32xf32, #tpu.memory_space<hbm>> -> memref<200008x32xf32, #tpu.memory_space<hbm>>
      tpu.wait_indirect_dma semaphore(%arg19 : memref<!tpu.dma_semaphore, #tpu.memory_space<semaphore_mem>>) src(%dma_wait3A_471 : memref<200008x32xf32, #tpu.memory_space<hbm>>) dst(%dma_wait3A_466 : memref<128x32xf32, #tpu.memory_space<vmem>>)
      %dma_start3A_472 = arith.constant 1664 : i32
      %dma_start3A_473 = arith.constant 0 : i32
      %dma_start3A_474 = tpu.memref_slice %arg14[%dma_start3A_472, %dma_start3A_473] : memref<2048x32xf32, #tpu.memory_space<vmem>> -> memref<128x32xf32, #tpu.memory_space<vmem>>
      %dma_start3A_475 = arith.constant 1664 : i32
      %dma_start3A_476 = tpu.memref_slice %arg13[%dma_start3A_475] : memref<2048xi32, #tpu.memory_space<vmem>> -> memref<128xi32, #tpu.memory_space<vmem>>
      %dma_start3A_477 = arith.constant 0 : i32
      %dma_start3A_478 = arith.constant 0 : i32
      %dma_start3A_479 = tpu.memref_slice %arg6[%dma_start3A_477, %dma_start3A_478] : memref<200008x32xf32, #tpu.memory_space<hbm>> -> memref<200008x32xf32, #tpu.memory_space<hbm>>
      tpu.enqueue_indirect_dma source(%dma_start3A_479 : memref<200008x32xf32, #tpu.memory_space<hbm>>) target(%dma_start3A_474 : memref<128x32xf32, #tpu.memory_space<vmem>>) offsets(%dma_start3A_476 : memref<128xi32, #tpu.memory_space<vmem>>) semaphore(%arg19 : memref<!tpu.dma_semaphore, #tpu.memory_space<semaphore_mem>>)
      %scan3A_480 = arith.constant 0 : i32
      %scan3A_481 = arith.constant 0 : i32
      %scan3A_482 = arith.constant 128 : i32
      %scan3A_483 = arith.addi %scan3A_481, %scan3A_482 : i32
      %scan3A_484 = arith.constant 1 : i32
      %scan3A_485 = scf.for %scan3A_601 = %scan3A_481 to %scan3A_483 step %scan3A_484 iter_args(%scan3A_602 = %scan3A_480) -> (i32)  : i32 {
        %add3A_603 = arith.constant 1152 : i32
        %add3A_604 = arith.addi %add3A_603, %scan3A_601 : i32
        %add3A_605 = arith.constant 128 : i32
        %add3A_606 = arith.addi %add3A_605, %scan3A_601 : i32
        %get3A = arith.index_cast %add3A_604 : i32 to index
        %get3A_607 = tpu.vector_load %arg12[%get3A] {strides = array<i32>} : memref<2064xf32, #tpu.memory_space<vmem>>, vector<16xf32>,
        %slice3A = vector.extract_strided_slice %get3A_607 {offsets = [0], sizes = [1], strides = [1]} : vector<16xf32> to vector<1xf32>
        %squeeze3A = vector.extract %slice3A[0] : f32 from vector<1xf32>
        %get3A_608 = arith.index_cast %add3A_606 : i32 to index
        %get3A_609 = arith.constant 0 : index
        %get3A_610 = tpu.vector_load %arg16[%get3A_608, %get3A_609] {strides = array<i32>} : memref<256x32xf32, #tpu.memory_space<vmem>>, vector<16xf32>,
        %get3A_611 = arith.index_cast %add3A_604 : i32 to index
        %get3A_612 = arith.constant 0 : index
        %get3A_613 = tpu.vector_load %arg14[%get3A_611, %get3A_612] {strides = array<i32>} : memref<2048x32xf32, #tpu.memory_space<vmem>>, vector<16xf32>,
        %mul3A_614 = vector.broadcast %squeeze3A : f32 to vector<16xf32>
        %mul3A_615 = arith.mulf %mul3A_614, %get3A_613 : vector<16xf32>
        %add3A_616 = arith.addf %get3A_610, %mul3A_615 : vector<16xf32>
        %swap3A = arith.index_cast %add3A_606 : i32 to index
        %swap3A_617 = arith.constant 0 : index
        %swap3A_618 = tpu.vector_load %arg16[%swap3A, %swap3A_617] {strides = array<i32>} : memref<256x32xf32, #tpu.memory_space<vmem>>, vector<16xf32>,
        tpu.vector_store %arg16[%swap3A, %swap3A_617], %add3A_616 {strides = array<i32>} : memref<256x32xf32, #tpu.memory_space<vmem>>, vector<16xf32>,
        %get3A_619 = arith.index_cast %add3A_606 : i32 to index
        %get3A_620 = arith.constant 16 : index
        %get3A_621 = tpu.vector_load %arg16[%get3A_619, %get3A_620] {strides = array<i32>} : memref<256x32xf32, #tpu.memory_space<vmem>>, vector<16xf32>,
        %get3A_622 = arith.index_cast %add3A_604 : i32 to index
        %get3A_623 = arith.constant 16 : index
        %get3A_624 = tpu.vector_load %arg14[%get3A_622, %get3A_623] {strides = array<i32>} : memref<2048x32xf32, #tpu.memory_space<vmem>>, vector<16xf32>,
        %mul3A_625 = vector.broadcast %squeeze3A : f32 to vector<16xf32>
        %mul3A_626 = arith.mulf %mul3A_625, %get3A_624 : vector<16xf32>
        %add3A_627 = arith.addf %get3A_621, %mul3A_626 : vector<16xf32>
        %swap3A_628 = arith.index_cast %add3A_606 : i32 to index
        %swap3A_629 = arith.constant 16 : index
        %swap3A_630 = tpu.vector_load %arg16[%swap3A_628, %swap3A_629] {strides = array<i32>} : memref<256x32xf32, #tpu.memory_space<vmem>>, vector<16xf32>,
        tpu.vector_store %arg16[%swap3A_628, %swap3A_629], %add3A_627 {strides = array<i32>} : memref<256x32xf32, #tpu.memory_space<vmem>>, vector<16xf32>,
        %scan3A_631 = arith.constant 0 : i32
        scf.yield %scan3A_631 : i32
      }
      %scan3A_486 = arith.constant 128 : i32
      %dma_wait3A_487 = arith.constant 1280 : i32
      %dma_wait3A_488 = arith.constant 0 : i32
      %dma_wait3A_489 = tpu.memref_slice %arg14[%dma_wait3A_487, %dma_wait3A_488] : memref<2048x32xf32, #tpu.memory_space<vmem>> -> memref<128x32xf32, #tpu.memory_space<vmem>>
      %dma_wait3A_490 = arith.constant 1280 : i32
      %dma_wait3A_491 = tpu.memref_slice %arg13[%dma_wait3A_490] : memref<2048xi32, #tpu.memory_space<vmem>> -> memref<128xi32, #tpu.memory_space<vmem>>
      %dma_wait3A_492 = arith.constant 0 : i32
      %dma_wait3A_493 = arith.constant 0 : i32
      %dma_wait3A_494 = tpu.memref_slice %arg6[%dma_wait3A_492, %dma_wait3A_493] : memref<200008x32xf32, #tpu.memory_space<hbm>> -> memref<200008x32xf32, #tpu.memory_space<hbm>>
      tpu.wait_indirect_dma semaphore(%arg20 : memref<!tpu.dma_semaphore, #tpu.memory_space<semaphore_mem>>) src(%dma_wait3A_494 : memref<200008x32xf32, #tpu.memory_space<hbm>>) dst(%dma_wait3A_489 : memref<128x32xf32, #tpu.memory_space<vmem>>)
      %dma_start3A_495 = arith.constant 1792 : i32
      %dma_start3A_496 = arith.constant 0 : i32
      %dma_start3A_497 = tpu.memref_slice %arg14[%dma_start3A_495, %dma_start3A_496] : memref<2048x32xf32, #tpu.memory_space<vmem>> -> memref<128x32xf32, #tpu.memory_space<vmem>>
      %dma_start3A_498 = arith.constant 1792 : i32
      %dma_start3A_499 = tpu.memref_slice %arg13[%dma_start3A_498] : memref<2048xi32, #tpu.memory_space<vmem>> -> memref<128xi32, #tpu.memory_space<vmem>>
      %dma_start3A_500 = arith.constant 0 : i32
      %dma_start3A_501 = arith.constant 0 : i32
      %dma_start3A_502 = tpu.memref_slice %arg6[%dma_start3A_500, %dma_start3A_501] : memref<200008x32xf32, #tpu.memory_space<hbm>> -> memref<200008x32xf32, #tpu.memory_space<hbm>>
      tpu.enqueue_indirect_dma source(%dma_start3A_502 : memref<200008x32xf32, #tpu.memory_space<hbm>>) target(%dma_start3A_497 : memref<128x32xf32, #tpu.memory_space<vmem>>) offsets(%dma_start3A_499 : memref<128xi32, #tpu.memory_space<vmem>>) semaphore(%arg20 : memref<!tpu.dma_semaphore, #tpu.memory_space<semaphore_mem>>)
      %scan3A_503 = arith.constant 0 : i32
      %scan3A_504 = arith.constant 0 : i32
      %scan3A_505 = arith.constant 128 : i32
      %scan3A_506 = arith.addi %scan3A_504, %scan3A_505 : i32
      %scan3A_507 = arith.constant 1 : i32
      %scan3A_508 = scf.for %scan3A_601 = %scan3A_504 to %scan3A_506 step %scan3A_507 iter_args(%scan3A_602 = %scan3A_503) -> (i32)  : i32 {
        %add3A_603 = arith.constant 1280 : i32
        %add3A_604 = arith.addi %add3A_603, %scan3A_601 : i32
        %add3A_605 = arith.constant 0 : i32
        %add3A_606 = arith.addi %add3A_605, %scan3A_601 : i32
        %get3A = arith.index_cast %add3A_604 : i32 to index
        %get3A_607 = tpu.vector_load %arg12[%get3A] {strides = array<i32>} : memref<2064xf32, #tpu.memory_space<vmem>>, vector<16xf32>,
        %slice3A = vector.extract_strided_slice %get3A_607 {offsets = [0], sizes = [1], strides = [1]} : vector<16xf32> to vector<1xf32>
        %squeeze3A = vector.extract %slice3A[0] : f32 from vector<1xf32>
        %get3A_608 = arith.index_cast %add3A_606 : i32 to index
        %get3A_609 = arith.constant 0 : index
        %get3A_610 = tpu.vector_load %arg16[%get3A_608, %get3A_609] {strides = array<i32>} : memref<256x32xf32, #tpu.memory_space<vmem>>, vector<16xf32>,
        %get3A_611 = arith.index_cast %add3A_604 : i32 to index
        %get3A_612 = arith.constant 0 : index
        %get3A_613 = tpu.vector_load %arg14[%get3A_611, %get3A_612] {strides = array<i32>} : memref<2048x32xf32, #tpu.memory_space<vmem>>, vector<16xf32>,
        %mul3A_614 = vector.broadcast %squeeze3A : f32 to vector<16xf32>
        %mul3A_615 = arith.mulf %mul3A_614, %get3A_613 : vector<16xf32>
        %add3A_616 = arith.addf %get3A_610, %mul3A_615 : vector<16xf32>
        %swap3A = arith.index_cast %add3A_606 : i32 to index
        %swap3A_617 = arith.constant 0 : index
        %swap3A_618 = tpu.vector_load %arg16[%swap3A, %swap3A_617] {strides = array<i32>} : memref<256x32xf32, #tpu.memory_space<vmem>>, vector<16xf32>,
        tpu.vector_store %arg16[%swap3A, %swap3A_617], %add3A_616 {strides = array<i32>} : memref<256x32xf32, #tpu.memory_space<vmem>>, vector<16xf32>,
        %get3A_619 = arith.index_cast %add3A_606 : i32 to index
        %get3A_620 = arith.constant 16 : index
        %get3A_621 = tpu.vector_load %arg16[%get3A_619, %get3A_620] {strides = array<i32>} : memref<256x32xf32, #tpu.memory_space<vmem>>, vector<16xf32>,
        %get3A_622 = arith.index_cast %add3A_604 : i32 to index
        %get3A_623 = arith.constant 16 : index
        %get3A_624 = tpu.vector_load %arg14[%get3A_622, %get3A_623] {strides = array<i32>} : memref<2048x32xf32, #tpu.memory_space<vmem>>, vector<16xf32>,
        %mul3A_625 = vector.broadcast %squeeze3A : f32 to vector<16xf32>
        %mul3A_626 = arith.mulf %mul3A_625, %get3A_624 : vector<16xf32>
        %add3A_627 = arith.addf %get3A_621, %mul3A_626 : vector<16xf32>
        %swap3A_628 = arith.index_cast %add3A_606 : i32 to index
        %swap3A_629 = arith.constant 16 : index
        %swap3A_630 = tpu.vector_load %arg16[%swap3A_628, %swap3A_629] {strides = array<i32>} : memref<256x32xf32, #tpu.memory_space<vmem>>, vector<16xf32>,
        tpu.vector_store %arg16[%swap3A_628, %swap3A_629], %add3A_627 {strides = array<i32>} : memref<256x32xf32, #tpu.memory_space<vmem>>, vector<16xf32>,
        %scan3A_631 = arith.constant 0 : i32
        scf.yield %scan3A_631 : i32
      }
      %scan3A_509 = arith.constant 128 : i32
      %dma_wait3A_510 = arith.constant 1408 : i32
      %dma_wait3A_511 = arith.constant 0 : i32
      %dma_wait3A_512 = tpu.memref_slice %arg14[%dma_wait3A_510, %dma_wait3A_511] : memref<2048x32xf32, #tpu.memory_space<vmem>> -> memref<128x32xf32, #tpu.memory_space<vmem>>
      %dma_wait3A_513 = arith.constant 1408 : i32
      %dma_wait3A_514 = tpu.memref_slice %arg13[%dma_wait3A_513] : memref<2048xi32, #tpu.memory_space<vmem>> -> memref<128xi32, #tpu.memory_space<vmem>>
      %dma_wait3A_515 = arith.constant 0 : i32
      %dma_wait3A_516 = arith.constant 0 : i32
      %dma_wait3A_517 = tpu.memref_slice %arg6[%dma_wait3A_515, %dma_wait3A_516] : memref<200008x32xf32, #tpu.memory_space<hbm>> -> memref<200008x32xf32, #tpu.memory_space<hbm>>
      tpu.wait_indirect_dma semaphore(%arg21 : memref<!tpu.dma_semaphore, #tpu.memory_space<semaphore_mem>>) src(%dma_wait3A_517 : memref<200008x32xf32, #tpu.memory_space<hbm>>) dst(%dma_wait3A_512 : memref<128x32xf32, #tpu.memory_space<vmem>>)
      %dma_start3A_518 = arith.constant 1920 : i32
      %dma_start3A_519 = arith.constant 0 : i32
      %dma_start3A_520 = tpu.memref_slice %arg14[%dma_start3A_518, %dma_start3A_519] : memref<2048x32xf32, #tpu.memory_space<vmem>> -> memref<128x32xf32, #tpu.memory_space<vmem>>
      %dma_start3A_521 = arith.constant 1920 : i32
      %dma_start3A_522 = tpu.memref_slice %arg13[%dma_start3A_521] : memref<2048xi32, #tpu.memory_space<vmem>> -> memref<128xi32, #tpu.memory_space<vmem>>
      %dma_start3A_523 = arith.constant 0 : i32
      %dma_start3A_524 = arith.constant 0 : i32
      %dma_start3A_525 = tpu.memref_slice %arg6[%dma_start3A_523, %dma_start3A_524] : memref<200008x32xf32, #tpu.memory_space<hbm>> -> memref<200008x32xf32, #tpu.memory_space<hbm>>
      tpu.enqueue_indirect_dma source(%dma_start3A_525 : memref<200008x32xf32, #tpu.memory_space<hbm>>) target(%dma_start3A_520 : memref<128x32xf32, #tpu.memory_space<vmem>>) offsets(%dma_start3A_522 : memref<128xi32, #tpu.memory_space<vmem>>) semaphore(%arg21 : memref<!tpu.dma_semaphore, #tpu.memory_space<semaphore_mem>>)
      %scan3A_526 = arith.constant 0 : i32
      %scan3A_527 = arith.constant 0 : i32
      %scan3A_528 = arith.constant 128 : i32
      %scan3A_529 = arith.addi %scan3A_527, %scan3A_528 : i32
      %scan3A_530 = arith.constant 1 : i32
      %scan3A_531 = scf.for %scan3A_601 = %scan3A_527 to %scan3A_529 step %scan3A_530 iter_args(%scan3A_602 = %scan3A_526) -> (i32)  : i32 {
        %add3A_603 = arith.constant 1408 : i32
        %add3A_604 = arith.addi %add3A_603, %scan3A_601 : i32
        %add3A_605 = arith.constant 128 : i32
        %add3A_606 = arith.addi %add3A_605, %scan3A_601 : i32
        %get3A = arith.index_cast %add3A_604 : i32 to index
        %get3A_607 = tpu.vector_load %arg12[%get3A] {strides = array<i32>} : memref<2064xf32, #tpu.memory_space<vmem>>, vector<16xf32>,
        %slice3A = vector.extract_strided_slice %get3A_607 {offsets = [0], sizes = [1], strides = [1]} : vector<16xf32> to vector<1xf32>
        %squeeze3A = vector.extract %slice3A[0] : f32 from vector<1xf32>
        %get3A_608 = arith.index_cast %add3A_606 : i32 to index
        %get3A_609 = arith.constant 0 : index
        %get3A_610 = tpu.vector_load %arg16[%get3A_608, %get3A_609] {strides = array<i32>} : memref<256x32xf32, #tpu.memory_space<vmem>>, vector<16xf32>,
        %get3A_611 = arith.index_cast %add3A_604 : i32 to index
        %get3A_612 = arith.constant 0 : index
        %get3A_613 = tpu.vector_load %arg14[%get3A_611, %get3A_612] {strides = array<i32>} : memref<2048x32xf32, #tpu.memory_space<vmem>>, vector<16xf32>,
        %mul3A_614 = vector.broadcast %squeeze3A : f32 to vector<16xf32>
        %mul3A_615 = arith.mulf %mul3A_614, %get3A_613 : vector<16xf32>
        %add3A_616 = arith.addf %get3A_610, %mul3A_615 : vector<16xf32>
        %swap3A = arith.index_cast %add3A_606 : i32 to index
        %swap3A_617 = arith.constant 0 : index
        %swap3A_618 = tpu.vector_load %arg16[%swap3A, %swap3A_617] {strides = array<i32>} : memref<256x32xf32, #tpu.memory_space<vmem>>, vector<16xf32>,
        tpu.vector_store %arg16[%swap3A, %swap3A_617], %add3A_616 {strides = array<i32>} : memref<256x32xf32, #tpu.memory_space<vmem>>, vector<16xf32>,
        %get3A_619 = arith.index_cast %add3A_606 : i32 to index
        %get3A_620 = arith.constant 16 : index
        %get3A_621 = tpu.vector_load %arg16[%get3A_619, %get3A_620] {strides = array<i32>} : memref<256x32xf32, #tpu.memory_space<vmem>>, vector<16xf32>,
        %get3A_622 = arith.index_cast %add3A_604 : i32 to index
        %get3A_623 = arith.constant 16 : index
        %get3A_624 = tpu.vector_load %arg14[%get3A_622, %get3A_623] {strides = array<i32>} : memref<2048x32xf32, #tpu.memory_space<vmem>>, vector<16xf32>,
        %mul3A_625 = vector.broadcast %squeeze3A : f32 to vector<16xf32>
        %mul3A_626 = arith.mulf %mul3A_625, %get3A_624 : vector<16xf32>
        %add3A_627 = arith.addf %get3A_621, %mul3A_626 : vector<16xf32>
        %swap3A_628 = arith.index_cast %add3A_606 : i32 to index
        %swap3A_629 = arith.constant 16 : index
        %swap3A_630 = tpu.vector_load %arg16[%swap3A_628, %swap3A_629] {strides = array<i32>} : memref<256x32xf32, #tpu.memory_space<vmem>>, vector<16xf32>,
        tpu.vector_store %arg16[%swap3A_628, %swap3A_629], %add3A_627 {strides = array<i32>} : memref<256x32xf32, #tpu.memory_space<vmem>>, vector<16xf32>,
        %scan3A_631 = arith.constant 0 : i32
        scf.yield %scan3A_631 : i32
      }
      %scan3A_532 = arith.constant 128 : i32
      %dma_wait3A_533 = arith.constant 1536 : i32
      %dma_wait3A_534 = arith.constant 0 : i32
      %dma_wait3A_535 = tpu.memref_slice %arg14[%dma_wait3A_533, %dma_wait3A_534] : memref<2048x32xf32, #tpu.memory_space<vmem>> -> memref<128x32xf32, #tpu.memory_space<vmem>>
      %dma_wait3A_536 = arith.constant 1536 : i32
      %dma_wait3A_537 = tpu.memref_slice %arg13[%dma_wait3A_536] : memref<2048xi32, #tpu.memory_space<vmem>> -> memref<128xi32, #tpu.memory_space<vmem>>
      %dma_wait3A_538 = arith.constant 0 : i32
      %dma_wait3A_539 = arith.constant 0 : i32
      %dma_wait3A_540 = tpu.memref_slice %arg6[%dma_wait3A_538, %dma_wait3A_539] : memref<200008x32xf32, #tpu.memory_space<hbm>> -> memref<200008x32xf32, #tpu.memory_space<hbm>>
      tpu.wait_indirect_dma semaphore(%arg18 : memref<!tpu.dma_semaphore, #tpu.memory_space<semaphore_mem>>) src(%dma_wait3A_540 : memref<200008x32xf32, #tpu.memory_space<hbm>>) dst(%dma_wait3A_535 : memref<128x32xf32, #tpu.memory_space<vmem>>)
      %scan3A_541 = arith.constant 0 : i32
      %scan3A_542 = arith.constant 0 : i32
      %scan3A_543 = arith.constant 128 : i32
      %scan3A_544 = arith.addi %scan3A_542, %scan3A_543 : i32
      %scan3A_545 = arith.constant 1 : i32
      %scan3A_546 = scf.for %scan3A_601 = %scan3A_542 to %scan3A_544 step %scan3A_545 iter_args(%scan3A_602 = %scan3A_541) -> (i32)  : i32 {
        %add3A_603 = arith.constant 1536 : i32
        %add3A_604 = arith.addi %add3A_603, %scan3A_601 : i32
        %add3A_605 = arith.constant 0 : i32
        %add3A_606 = arith.addi %add3A_605, %scan3A_601 : i32
        %get3A = arith.index_cast %add3A_604 : i32 to index
        %get3A_607 = tpu.vector_load %arg12[%get3A] {strides = array<i32>} : memref<2064xf32, #tpu.memory_space<vmem>>, vector<16xf32>,
        %slice3A = vector.extract_strided_slice %get3A_607 {offsets = [0], sizes = [1], strides = [1]} : vector<16xf32> to vector<1xf32>
        %squeeze3A = vector.extract %slice3A[0] : f32 from vector<1xf32>
        %get3A_608 = arith.index_cast %add3A_606 : i32 to index
        %get3A_609 = arith.constant 0 : index
        %get3A_610 = tpu.vector_load %arg16[%get3A_608, %get3A_609] {strides = array<i32>} : memref<256x32xf32, #tpu.memory_space<vmem>>, vector<16xf32>,
        %get3A_611 = arith.index_cast %add3A_604 : i32 to index
        %get3A_612 = arith.constant 0 : index
        %get3A_613 = tpu.vector_load %arg14[%get3A_611, %get3A_612] {strides = array<i32>} : memref<2048x32xf32, #tpu.memory_space<vmem>>, vector<16xf32>,
        %mul3A_614 = vector.broadcast %squeeze3A : f32 to vector<16xf32>
        %mul3A_615 = arith.mulf %mul3A_614, %get3A_613 : vector<16xf32>
        %add3A_616 = arith.addf %get3A_610, %mul3A_615 : vector<16xf32>
        %swap3A = arith.index_cast %add3A_606 : i32 to index
        %swap3A_617 = arith.constant 0 : index
        %swap3A_618 = tpu.vector_load %arg16[%swap3A, %swap3A_617] {strides = array<i32>} : memref<256x32xf32, #tpu.memory_space<vmem>>, vector<16xf32>,
        tpu.vector_store %arg16[%swap3A, %swap3A_617], %add3A_616 {strides = array<i32>} : memref<256x32xf32, #tpu.memory_space<vmem>>, vector<16xf32>,
        %get3A_619 = arith.index_cast %add3A_606 : i32 to index
        %get3A_620 = arith.constant 16 : index
        %get3A_621 = tpu.vector_load %arg16[%get3A_619, %get3A_620] {strides = array<i32>} : memref<256x32xf32, #tpu.memory_space<vmem>>, vector<16xf32>,
        %get3A_622 = arith.index_cast %add3A_604 : i32 to index
        %get3A_623 = arith.constant 16 : index
        %get3A_624 = tpu.vector_load %arg14[%get3A_622, %get3A_623] {strides = array<i32>} : memref<2048x32xf32, #tpu.memory_space<vmem>>, vector<16xf32>,
        %mul3A_625 = vector.broadcast %squeeze3A : f32 to vector<16xf32>
        %mul3A_626 = arith.mulf %mul3A_625, %get3A_624 : vector<16xf32>
        %add3A_627 = arith.addf %get3A_621, %mul3A_626 : vector<16xf32>
        %swap3A_628 = arith.index_cast %add3A_606 : i32 to index
        %swap3A_629 = arith.constant 16 : index
        %swap3A_630 = tpu.vector_load %arg16[%swap3A_628, %swap3A_629] {strides = array<i32>} : memref<256x32xf32, #tpu.memory_space<vmem>>, vector<16xf32>,
        tpu.vector_store %arg16[%swap3A_628, %swap3A_629], %add3A_627 {strides = array<i32>} : memref<256x32xf32, #tpu.memory_space<vmem>>, vector<16xf32>,
        %scan3A_631 = arith.constant 0 : i32
        scf.yield %scan3A_631 : i32
      }
      %scan3A_547 = arith.constant 128 : i32
      %dma_wait3A_548 = arith.constant 1664 : i32
      %dma_wait3A_549 = arith.constant 0 : i32
      %dma_wait3A_550 = tpu.memref_slice %arg14[%dma_wait3A_548, %dma_wait3A_549] : memref<2048x32xf32, #tpu.memory_space<vmem>> -> memref<128x32xf32, #tpu.memory_space<vmem>>
      %dma_wait3A_551 = arith.constant 1664 : i32
      %dma_wait3A_552 = tpu.memref_slice %arg13[%dma_wait3A_551] : memref<2048xi32, #tpu.memory_space<vmem>> -> memref<128xi32, #tpu.memory_space<vmem>>
      %dma_wait3A_553 = arith.constant 0 : i32
      %dma_wait3A_554 = arith.constant 0 : i32
      %dma_wait3A_555 = tpu.memref_slice %arg6[%dma_wait3A_553, %dma_wait3A_554] : memref<200008x32xf32, #tpu.memory_space<hbm>> -> memref<200008x32xf32, #tpu.memory_space<hbm>>
      tpu.wait_indirect_dma semaphore(%arg19 : memref<!tpu.dma_semaphore, #tpu.memory_space<semaphore_mem>>) src(%dma_wait3A_555 : memref<200008x32xf32, #tpu.memory_space<hbm>>) dst(%dma_wait3A_550 : memref<128x32xf32, #tpu.memory_space<vmem>>)
      %scan3A_556 = arith.constant 0 : i32
      %scan3A_557 = arith.constant 0 : i32
      %scan3A_558 = arith.constant 128 : i32
      %scan3A_559 = arith.addi %scan3A_557, %scan3A_558 : i32
      %scan3A_560 = arith.constant 1 : i32
      %scan3A_561 = scf.for %scan3A_601 = %scan3A_557 to %scan3A_559 step %scan3A_560 iter_args(%scan3A_602 = %scan3A_556) -> (i32)  : i32 {
        %add3A_603 = arith.constant 1664 : i32
        %add3A_604 = arith.addi %add3A_603, %scan3A_601 : i32
        %add3A_605 = arith.constant 128 : i32
        %add3A_606 = arith.addi %add3A_605, %scan3A_601 : i32
        %get3A = arith.index_cast %add3A_604 : i32 to index
        %get3A_607 = tpu.vector_load %arg12[%get3A] {strides = array<i32>} : memref<2064xf32, #tpu.memory_space<vmem>>, vector<16xf32>,
        %slice3A = vector.extract_strided_slice %get3A_607 {offsets = [0], sizes = [1], strides = [1]} : vector<16xf32> to vector<1xf32>
        %squeeze3A = vector.extract %slice3A[0] : f32 from vector<1xf32>
        %get3A_608 = arith.index_cast %add3A_606 : i32 to index
        %get3A_609 = arith.constant 0 : index
        %get3A_610 = tpu.vector_load %arg16[%get3A_608, %get3A_609] {strides = array<i32>} : memref<256x32xf32, #tpu.memory_space<vmem>>, vector<16xf32>,
        %get3A_611 = arith.index_cast %add3A_604 : i32 to index
        %get3A_612 = arith.constant 0 : index
        %get3A_613 = tpu.vector_load %arg14[%get3A_611, %get3A_612] {strides = array<i32>} : memref<2048x32xf32, #tpu.memory_space<vmem>>, vector<16xf32>,
        %mul3A_614 = vector.broadcast %squeeze3A : f32 to vector<16xf32>
        %mul3A_615 = arith.mulf %mul3A_614, %get3A_613 : vector<16xf32>
        %add3A_616 = arith.addf %get3A_610, %mul3A_615 : vector<16xf32>
        %swap3A = arith.index_cast %add3A_606 : i32 to index
        %swap3A_617 = arith.constant 0 : index
        %swap3A_618 = tpu.vector_load %arg16[%swap3A, %swap3A_617] {strides = array<i32>} : memref<256x32xf32, #tpu.memory_space<vmem>>, vector<16xf32>,
        tpu.vector_store %arg16[%swap3A, %swap3A_617], %add3A_616 {strides = array<i32>} : memref<256x32xf32, #tpu.memory_space<vmem>>, vector<16xf32>,
        %get3A_619 = arith.index_cast %add3A_606 : i32 to index
        %get3A_620 = arith.constant 16 : index
        %get3A_621 = tpu.vector_load %arg16[%get3A_619, %get3A_620] {strides = array<i32>} : memref<256x32xf32, #tpu.memory_space<vmem>>, vector<16xf32>,
        %get3A_622 = arith.index_cast %add3A_604 : i32 to index
        %get3A_623 = arith.constant 16 : index
        %get3A_624 = tpu.vector_load %arg14[%get3A_622, %get3A_623] {strides = array<i32>} : memref<2048x32xf32, #tpu.memory_space<vmem>>, vector<16xf32>,
        %mul3A_625 = vector.broadcast %squeeze3A : f32 to vector<16xf32>
        %mul3A_626 = arith.mulf %mul3A_625, %get3A_624 : vector<16xf32>
        %add3A_627 = arith.addf %get3A_621, %mul3A_626 : vector<16xf32>
        %swap3A_628 = arith.index_cast %add3A_606 : i32 to index
        %swap3A_629 = arith.constant 16 : index
        %swap3A_630 = tpu.vector_load %arg16[%swap3A_628, %swap3A_629] {strides = array<i32>} : memref<256x32xf32, #tpu.memory_space<vmem>>, vector<16xf32>,
        tpu.vector_store %arg16[%swap3A_628, %swap3A_629], %add3A_627 {strides = array<i32>} : memref<256x32xf32, #tpu.memory_space<vmem>>, vector<16xf32>,
        %scan3A_631 = arith.constant 0 : i32
        scf.yield %scan3A_631 : i32
      }
      %scan3A_562 = arith.constant 128 : i32
      %dma_wait3A_563 = arith.constant 1792 : i32
      %dma_wait3A_564 = arith.constant 0 : i32
      %dma_wait3A_565 = tpu.memref_slice %arg14[%dma_wait3A_563, %dma_wait3A_564] : memref<2048x32xf32, #tpu.memory_space<vmem>> -> memref<128x32xf32, #tpu.memory_space<vmem>>
      %dma_wait3A_566 = arith.constant 1792 : i32
      %dma_wait3A_567 = tpu.memref_slice %arg13[%dma_wait3A_566] : memref<2048xi32, #tpu.memory_space<vmem>> -> memref<128xi32, #tpu.memory_space<vmem>>
      %dma_wait3A_568 = arith.constant 0 : i32
      %dma_wait3A_569 = arith.constant 0 : i32
      %dma_wait3A_570 = tpu.memref_slice %arg6[%dma_wait3A_568, %dma_wait3A_569] : memref<200008x32xf32, #tpu.memory_space<hbm>> -> memref<200008x32xf32, #tpu.memory_space<hbm>>
      tpu.wait_indirect_dma semaphore(%arg20 : memref<!tpu.dma_semaphore, #tpu.memory_space<semaphore_mem>>) src(%dma_wait3A_570 : memref<200008x32xf32, #tpu.memory_space<hbm>>) dst(%dma_wait3A_565 : memref<128x32xf32, #tpu.memory_space<vmem>>)
      %scan3A_571 = arith.constant 0 : i32
      %scan3A_572 = arith.constant 0 : i32
      %scan3A_573 = arith.constant 128 : i32
      %scan3A_574 = arith.addi %scan3A_572, %scan3A_573 : i32
      %scan3A_575 = arith.constant 1 : i32
      %scan3A_576 = scf.for %scan3A_601 = %scan3A_572 to %scan3A_574 step %scan3A_575 iter_args(%scan3A_602 = %scan3A_571) -> (i32)  : i32 {
        %add3A_603 = arith.constant 1792 : i32
        %add3A_604 = arith.addi %add3A_603, %scan3A_601 : i32
        %add3A_605 = arith.constant 0 : i32
        %add3A_606 = arith.addi %add3A_605, %scan3A_601 : i32
        %get3A = arith.index_cast %add3A_604 : i32 to index
        %get3A_607 = tpu.vector_load %arg12[%get3A] {strides = array<i32>} : memref<2064xf32, #tpu.memory_space<vmem>>, vector<16xf32>,
        %slice3A = vector.extract_strided_slice %get3A_607 {offsets = [0], sizes = [1], strides = [1]} : vector<16xf32> to vector<1xf32>
        %squeeze3A = vector.extract %slice3A[0] : f32 from vector<1xf32>
        %get3A_608 = arith.index_cast %add3A_606 : i32 to index
        %get3A_609 = arith.constant 0 : index
        %get3A_610 = tpu.vector_load %arg16[%get3A_608, %get3A_609] {strides = array<i32>} : memref<256x32xf32, #tpu.memory_space<vmem>>, vector<16xf32>,
        %get3A_611 = arith.index_cast %add3A_604 : i32 to index
        %get3A_612 = arith.constant 0 : index
        %get3A_613 = tpu.vector_load %arg14[%get3A_611, %get3A_612] {strides = array<i32>} : memref<2048x32xf32, #tpu.memory_space<vmem>>, vector<16xf32>,
        %mul3A_614 = vector.broadcast %squeeze3A : f32 to vector<16xf32>
        %mul3A_615 = arith.mulf %mul3A_614, %get3A_613 : vector<16xf32>
        %add3A_616 = arith.addf %get3A_610, %mul3A_615 : vector<16xf32>
        %swap3A = arith.index_cast %add3A_606 : i32 to index
        %swap3A_617 = arith.constant 0 : index
        %swap3A_618 = tpu.vector_load %arg16[%swap3A, %swap3A_617] {strides = array<i32>} : memref<256x32xf32, #tpu.memory_space<vmem>>, vector<16xf32>,
        tpu.vector_store %arg16[%swap3A, %swap3A_617], %add3A_616 {strides = array<i32>} : memref<256x32xf32, #tpu.memory_space<vmem>>, vector<16xf32>,
        %get3A_619 = arith.index_cast %add3A_606 : i32 to index
        %get3A_620 = arith.constant 16 : index
        %get3A_621 = tpu.vector_load %arg16[%get3A_619, %get3A_620] {strides = array<i32>} : memref<256x32xf32, #tpu.memory_space<vmem>>, vector<16xf32>,
        %get3A_622 = arith.index_cast %add3A_604 : i32 to index
        %get3A_623 = arith.constant 16 : index
        %get3A_624 = tpu.vector_load %arg14[%get3A_622, %get3A_623] {strides = array<i32>} : memref<2048x32xf32, #tpu.memory_space<vmem>>, vector<16xf32>,
        %mul3A_625 = vector.broadcast %squeeze3A : f32 to vector<16xf32>
        %mul3A_626 = arith.mulf %mul3A_625, %get3A_624 : vector<16xf32>
        %add3A_627 = arith.addf %get3A_621, %mul3A_626 : vector<16xf32>
        %swap3A_628 = arith.index_cast %add3A_606 : i32 to index
        %swap3A_629 = arith.constant 16 : index
        %swap3A_630 = tpu.vector_load %arg16[%swap3A_628, %swap3A_629] {strides = array<i32>} : memref<256x32xf32, #tpu.memory_space<vmem>>, vector<16xf32>,
        tpu.vector_store %arg16[%swap3A_628, %swap3A_629], %add3A_627 {strides = array<i32>} : memref<256x32xf32, #tpu.memory_space<vmem>>, vector<16xf32>,
        %scan3A_631 = arith.constant 0 : i32
        scf.yield %scan3A_631 : i32
      }
      %scan3A_577 = arith.constant 128 : i32
      %dma_wait3A_578 = arith.constant 1920 : i32
      %dma_wait3A_579 = arith.constant 0 : i32
      %dma_wait3A_580 = tpu.memref_slice %arg14[%dma_wait3A_578, %dma_wait3A_579] : memref<2048x32xf32, #tpu.memory_space<vmem>> -> memref<128x32xf32, #tpu.memory_space<vmem>>
      %dma_wait3A_581 = arith.constant 1920 : i32
      %dma_wait3A_582 = tpu.memref_slice %arg13[%dma_wait3A_581] : memref<2048xi32, #tpu.memory_space<vmem>> -> memref<128xi32, #tpu.memory_space<vmem>>
      %dma_wait3A_583 = arith.constant 0 : i32
      %dma_wait3A_584 = arith.constant 0 : i32
      %dma_wait3A_585 = tpu.memref_slice %arg6[%dma_wait3A_583, %dma_wait3A_584] : memref<200008x32xf32, #tpu.memory_space<hbm>> -> memref<200008x32xf32, #tpu.memory_space<hbm>>
      tpu.wait_indirect_dma semaphore(%arg21 : memref<!tpu.dma_semaphore, #tpu.memory_space<semaphore_mem>>) src(%dma_wait3A_585 : memref<200008x32xf32, #tpu.memory_space<hbm>>) dst(%dma_wait3A_580 : memref<128x32xf32, #tpu.memory_space<vmem>>)
      %scan3A_586 = arith.constant 0 : i32
      %scan3A_587 = arith.constant 0 : i32
      %scan3A_588 = arith.constant 128 : i32
      %scan3A_589 = arith.addi %scan3A_587, %scan3A_588 : i32
      %scan3A_590 = arith.constant 1 : i32
      %scan3A_591 = scf.for %scan3A_601 = %scan3A_587 to %scan3A_589 step %scan3A_590 iter_args(%scan3A_602 = %scan3A_586) -> (i32)  : i32 {
        %add3A_603 = arith.constant 1920 : i32
        %add3A_604 = arith.addi %add3A_603, %scan3A_601 : i32
        %add3A_605 = arith.constant 128 : i32
        %add3A_606 = arith.addi %add3A_605, %scan3A_601 : i32
        %get3A = arith.index_cast %add3A_604 : i32 to index
        %get3A_607 = tpu.vector_load %arg12[%get3A] {strides = array<i32>} : memref<2064xf32, #tpu.memory_space<vmem>>, vector<16xf32>,
        %slice3A = vector.extract_strided_slice %get3A_607 {offsets = [0], sizes = [1], strides = [1]} : vector<16xf32> to vector<1xf32>
        %squeeze3A = vector.extract %slice3A[0] : f32 from vector<1xf32>
        %get3A_608 = arith.index_cast %add3A_606 : i32 to index
        %get3A_609 = arith.constant 0 : index
        %get3A_610 = tpu.vector_load %arg16[%get3A_608, %get3A_609] {strides = array<i32>} : memref<256x32xf32, #tpu.memory_space<vmem>>, vector<16xf32>,
        %get3A_611 = arith.index_cast %add3A_604 : i32 to index
        %get3A_612 = arith.constant 0 : index
        %get3A_613 = tpu.vector_load %arg14[%get3A_611, %get3A_612] {strides = array<i32>} : memref<2048x32xf32, #tpu.memory_space<vmem>>, vector<16xf32>,
        %mul3A_614 = vector.broadcast %squeeze3A : f32 to vector<16xf32>
        %mul3A_615 = arith.mulf %mul3A_614, %get3A_613 : vector<16xf32>
        %add3A_616 = arith.addf %get3A_610, %mul3A_615 : vector<16xf32>
        %swap3A = arith.index_cast %add3A_606 : i32 to index
        %swap3A_617 = arith.constant 0 : index
        %swap3A_618 = tpu.vector_load %arg16[%swap3A, %swap3A_617] {strides = array<i32>} : memref<256x32xf32, #tpu.memory_space<vmem>>, vector<16xf32>,
        tpu.vector_store %arg16[%swap3A, %swap3A_617], %add3A_616 {strides = array<i32>} : memref<256x32xf32, #tpu.memory_space<vmem>>, vector<16xf32>,
        %get3A_619 = arith.index_cast %add3A_606 : i32 to index
        %get3A_620 = arith.constant 16 : index
        %get3A_621 = tpu.vector_load %arg16[%get3A_619, %get3A_620] {strides = array<i32>} : memref<256x32xf32, #tpu.memory_space<vmem>>, vector<16xf32>,
        %get3A_622 = arith.index_cast %add3A_604 : i32 to index
        %get3A_623 = arith.constant 16 : index
        %get3A_624 = tpu.vector_load %arg14[%get3A_622, %get3A_623] {strides = array<i32>} : memref<2048x32xf32, #tpu.memory_space<vmem>>, vector<16xf32>,
        %mul3A_625 = vector.broadcast %squeeze3A : f32 to vector<16xf32>
        %mul3A_626 = arith.mulf %mul3A_625, %get3A_624 : vector<16xf32>
        %add3A_627 = arith.addf %get3A_621, %mul3A_626 : vector<16xf32>
        %swap3A_628 = arith.index_cast %add3A_606 : i32 to index
        %swap3A_629 = arith.constant 16 : index
        %swap3A_630 = tpu.vector_load %arg16[%swap3A_628, %swap3A_629] {strides = array<i32>} : memref<256x32xf32, #tpu.memory_space<vmem>>, vector<16xf32>,
        tpu.vector_store %arg16[%swap3A_628, %swap3A_629], %add3A_627 {strides = array<i32>} : memref<256x32xf32, #tpu.memory_space<vmem>>, vector<16xf32>,
        %scan3A_631 = arith.constant 0 : i32
        scf.yield %scan3A_631 : i32
      }
      %scan3A_592 = arith.constant 128 : i32
      %scan3A_593 = arith.constant 0 : i32
      %scan3A_594 = arith.constant 0 : i32
      %scan3A_595 = arith.constant 256 : i32
      %scan3A_596 = arith.addi %scan3A_594, %scan3A_595 : i32
      %scan3A_597 = arith.constant 1 : i32
      %scan3A_598 = scf.for %scan3A_601 = %scan3A_594 to %scan3A_596 step %scan3A_597 iter_args(%scan3A_602 = %scan3A_593) -> (i32)  : i32 {
        %get3A = arith.index_cast %scan3A_601 : i32 to index
        %get3A_603 = tpu.vector_load %arg15[%get3A] {strides = array<i32>} : memref<272xf32, #tpu.memory_space<vmem>>, vector<16xf32>,
        %slice3A = vector.extract_strided_slice %get3A_603 {offsets = [0], sizes = [1], strides = [1]} : vector<16xf32> to vector<1xf32>
        %squeeze3A = vector.extract %slice3A[0] : f32 from vector<1xf32>
        %get3A_604 = arith.index_cast %scan3A_601 : i32 to index
        %get3A_605 = arith.constant 0 : index
        %get3A_606 = tpu.vector_load %arg16[%get3A_604, %get3A_605] {strides = array<i32>} : memref<256x32xf32, #tpu.memory_space<vmem>>, vector<16xf32>,
        %mul3A_607 = vector.broadcast %squeeze3A : f32 to vector<16xf32>
        %mul3A_608 = arith.mulf %get3A_606, %mul3A_607 : vector<16xf32>
        %swap3A = arith.index_cast %scan3A_601 : i32 to index
        %swap3A_609 = arith.constant 0 : index
        %swap3A_610 = tpu.vector_load %arg16[%swap3A, %swap3A_609] {strides = array<i32>} : memref<256x32xf32, #tpu.memory_space<vmem>>, vector<16xf32>,
        tpu.vector_store %arg16[%swap3A, %swap3A_609], %mul3A_608 {strides = array<i32>} : memref<256x32xf32, #tpu.memory_space<vmem>>, vector<16xf32>,
        %get3A_611 = arith.index_cast %scan3A_601 : i32 to index
        %get3A_612 = arith.constant 16 : index
        %get3A_613 = tpu.vector_load %arg16[%get3A_611, %get3A_612] {strides = array<i32>} : memref<256x32xf32, #tpu.memory_space<vmem>>, vector<16xf32>,
        %mul3A_614 = vector.broadcast %squeeze3A : f32 to vector<16xf32>
        %mul3A_615 = arith.mulf %get3A_613, %mul3A_614 : vector<16xf32>
        %swap3A_616 = arith.index_cast %scan3A_601 : i32 to index
        %swap3A_617 = arith.constant 16 : index
        %swap3A_618 = tpu.vector_load %arg16[%swap3A_616, %swap3A_617] {strides = array<i32>} : memref<256x32xf32, #tpu.memory_space<vmem>>, vector<16xf32>,
        tpu.vector_store %arg16[%swap3A_616, %swap3A_617], %mul3A_615 {strides = array<i32>} : memref<256x32xf32, #tpu.memory_space<vmem>>, vector<16xf32>,
        %scan3A_619 = arith.constant 0 : i32
        scf.yield %scan3A_619 : i32
      }
      %scan3A_599 = arith.constant 256 : i32
      "tpu.region"() ({
        %run_scoped3A = tpu.sem_alloc : memref<!tpu.dma_semaphore, #tpu.memory_space<semaphore_mem>>
        %dma_start3A_601 = arith.constant 0 : i32
        %dma_start3A_602 = tpu.memref_slice %arg7[%add3A_13, %dma_start3A_601] : memref<253952x32xf32, #tpu.memory_space<hbm>> -> memref<256x32xf32, #tpu.memory_space<hbm>>
        %dma_start3A_603 = arith.constant 0 : i32
        %dma_start3A_604 = tpu.memref_slice %arg7[%add3A_13, %dma_start3A_603] : memref<253952x32xf32, #tpu.memory_space<hbm>> -> memref<256x32xf32, #tpu.memory_space<hbm>>
        tpu.enqueue_dma source(%arg16 : memref<256x32xf32, #tpu.memory_space<vmem>>) target(%dma_start3A_604 : memref<256x32xf32, #tpu.memory_space<hbm>>) target_semaphore(%run_scoped3A : memref<!tpu.dma_semaphore, #tpu.memory_space<semaphore_mem>>)
        %dma_wait3A_605 = arith.constant 0 : i32
        %dma_wait3A_606 = tpu.memref_slice %arg7[%add3A_13, %dma_wait3A_605] : memref<253952x32xf32, #tpu.memory_space<hbm>> -> memref<256x32xf32, #tpu.memory_space<hbm>>
        %dma_wait3A_607 = arith.constant 0 : i32
        %dma_wait3A_608 = tpu.memref_slice %arg7[%add3A_13, %dma_wait3A_607] : memref<253952x32xf32, #tpu.memory_space<hbm>> -> memref<256x32xf32, #tpu.memory_space<hbm>>
        tpu.wait_dma2 semaphore(%run_scoped3A : memref<!tpu.dma_semaphore, #tpu.memory_space<semaphore_mem>>) src(%arg16 : memref<256x32xf32, #tpu.memory_space<vmem>>) dst(%dma_wait3A_608 : memref<256x32xf32, #tpu.memory_space<hbm>>)
        tpu.yield
      }) : () -> ()
      %scan3A_600 = arith.constant 0 : i32
      scf.yield %scan3A_600 : i32
    }
    %scan3A_6 = arith.constant 31 : i32
    return
  }
}

</mosaic_0001>

<sc_bundles>
// kernel: kernel.4.cloned.1.call-start
scs
__scs_entry_jumppad:
0x0: {  	(pc) =	sbr.rel $0x88, $3  }
0x1: {  	(tag) =	ssettag $0x0;
	lr =	simm.s32 $0x1  }
0x2: {  	[smem:$0x3F9E] =	sst lr;
	_ =	strace $0xD0000000  }
0x3: {  	_ = 	snop  }
0x4: {  	_ = 	snop  }
0x5: {  	_ = 	snop  }
0x6: {  	_ = 	snop  }
0x7: {  	_ = 	snop  }
__scs_overlays_trampoline_lowered:
0x8: {  	[smem:$0x3FAD] =	sst s0  }
0x9: {  	[smem:$0x3FAE] =	sst s1  }
0xa: {  	[smem:$0x3FAF] =	sst s2  }
0xb: {  	[smem:$0x3FB0] =	sst s3  }
0xc: {  	[smem:$0x3FB1] =	sst s4  }
0xd: {  	[smem:$0x3FB2] =	sst s5  }
0xe: {  	[smem:$0x3FB3] =	sst s6  }
0xf: {  	[smem:$0x3FB4] =	sst s7  }
0x10: {  	[smem:$0x3FB5] =	sst s8  }
0x11: {  	[smem:$0x3FB6] =	sst s9;
	s0 =	simm.s32 @!p0 $0x0  }
0x12: {  	s1 =	sld [smem:$0x3F9C];
	s0 =	simm.s32 @p0 $0x1  }
0x13: {  	[smem:$0x3FB7] =	sst s0;
	s0 =	simm.s32 @!p1 $0x0  }
0x14: {  	s2 =	sld [smem:$0x3F9B];
	s0 =	simm.s32 @p1 $0x1  }
0x15: {  	[smem:$0x3FB8] =	sst s0;
	s0 =	simm.s32 @!p2 $0x0  }
0x16: {  	s3 =	sld [smem:$0x3FDB];
	s0 =	simm.s32 @p2 $0x1  }
0x17: {  	s4 =	simm.s32 $0x1BF5;
	[smem:$0x3FBA] =	sst s0  }
0x18: {  	s0 =	sld [smem:$0x3F9D];
	_ =	swait.ge [sflag:s4], $0x0  }
0x19: {  	s7 =	sld [smem:$0x3F9E]  }
0x1a: {  	s8 =	sadd.s32 $0xFFFFE003, lr  }
0x1b: {  	s9 =	sadd.s32 $0xFFFFFEF7, lr;
	s5 =	simm.s32 $0xFFFFFFFF;
	p2 =	slt.u32 s8, $0xFFFFF086  }
0x1c: {  	p1 =	slt.u32 s9, $0xF7A;
	s5 =	simm.s32 @!p2 $0x0  }
0x1d: {  	s5 =	simm.s32 @p1 $0x1;
	p0 =	seq.s32 s7, s2  }
0x1e: {  	s7 =	smul.u32 @!p0 $0xF7A, s2;
	p2 =	seq.s32 @!p0 s5, $0x0  }
0x1f: {  	s9 =	smul.u32 $0xF7A, s1;
	s8 =	simm.s32 @!p0 $0x1BF5;
	p2 =	por !p2, p0  }
0x20: {  	[sflag:s8] =	ssyncset.s32 @!p0 $0xFFFFF086;
	s6 =	sadd.s32 @!p0 s3, s7;
	s7 =	simm.s32 @!p0 $0x108  }
0x21: {  	s3 =	sadd.s32 s3, s9;
	s6 =	sadd.s32 @!p0 $0x88, s6;
	s7 =	simm.s32 @p2 $0x1082  }
0x22: {  	[simem:s7], [sflag:s8] =	dma.local @!p0 [hbm:s6], $0xF7A  }
0x23: {  	s9 =	sor.u32 $0xD0000000, s2;
	s6 =	simm.s32 $0x108;
	_ =	swait.ge @!p0 [sflag:s8], $0x0  }
0x24: {  	s3 =	sadd.s32 $0x88, s3;
	s6 =	simm.s32 @!p1 $0x1082;
	[sflag:s4] =	ssyncset.s32 $0xFFFFF086  }
0x25: {  	[simem:s6], [sflag:s4] =	dma.local [hbm:s3], $0xF7A  }
0x26: {  	[smem:$0x3F9E] =	sst s1;
	(tag) =	ssettag s2;
	_ =	strace s9  }
0x27: {  	s1 =	sld [smem:$0x3FAE]  }
0x28: {  	s2 =	sld [smem:$0x3FAF]  }
0x29: {  	s4 =	sld [smem:$0x3FB1]  }
0x2a: {  	p0 =	seq.s32 s5, $0x0;
	s5 =	sld [smem:$0x3FB2]  }
0x2b: {  	s6 =	sld [smem:$0x3FB3]  }
0x2c: {  	s7 =	sld [smem:$0x3FB4]  }
0x2d: {  	s3 =	simm.s32 $0x108;
	s8 =	sld [smem:$0x3FB5]  }
0x2e: {  	s3 =	simm.s32 @!p0 $0x1082;
	s9 =	sld [smem:$0x3FB6]  }
0x2f: {  	lr =	sadd.s32 s0, s3;
	s0 =	sld [smem:$0x3FAD]  }
0x30: {  	s3 =	sld [smem:$0x3FB0]  }
0x31: {  	[smem:$0x3FB9] =	sst s10  }
0x32: {  	s10 =	sld [smem:$0x3FB7];
	_ =	sdelay $0x3  }
0x33: {  	p0 =	seq.s32 s10, $0x1;
	s10 =	sld [smem:$0x3FB9];
	_ =	sdelay $0x3  }
0x34: {  	[smem:$0x3FB9] =	sst s10  }
0x35: {  	s10 =	sld [smem:$0x3FB8];
	_ =	sdelay $0x3  }
0x36: {  	p1 =	seq.s32 s10, $0x1;
	s10 =	sld [smem:$0x3FB9];
	_ =	sdelay $0x3  }
0x37: {  	[smem:$0x3FB9] =	sst s10  }
0x38: {  	s10 =	sld [smem:$0x3FBA]  }
0x39: {  	_ = 	snop;
	(pc) =	sbr.ind lr, $3  }
0x3a: {  	_ = 	snop  }
0x3b: {  	_ = 	snop  }
0x3c: {  	p2 =	seq.s32 s10, $0x1;
	s10 =	sld [smem:$0x3FB9]  }
0x3d: {  	_ =	shalt  }
0x3e: {  	_ =	shalt  }
0x3f: {  	_ =	shalt  }
0x40: {  	_ =	shalt  }
0x41: {  	_ =	shalt  }
0x42: {  	_ =	shalt  }
0x43: {  	_ =	shalt  }
0x44: {  	_ =	shalt  }
0x45: {  	_ =	shalt  }
0x46: {  	_ =	shalt  }
0x47: {  	_ =	shalt  }
0x48: {  	_ =	shalt  }
0x49: {  	_ =	shalt  }
0x4a: {  	_ =	shalt  }
0x4b: {  	_ =	shalt  }
0x4c: {  	_ =	shalt  }
0x4d: {  	_ =	shalt  }
0x4e: {  	_ =	shalt  }
0x4f: {  	_ =	shalt  }
0x50: {  	_ =	shalt  }
0x51: {  	_ =	shalt  }
0x52: {  	_ =	shalt  }
0x53: {  	_ =	shalt  }
0x54: {  	_ =	shalt  }
0x55: {  	_ =	shalt  }
0x56: {  	_ =	shalt  }
0x57: {  	_ =	shalt  }
0x58: {  	_ =	shalt  }
0x59: {  	_ =	shalt  }
0x5a: {  	_ =	shalt  }
0x5b: {  	_ =	shalt  }
0x5c: {  	_ =	shalt  }
0x5d: {  	_ =	shalt  }
0x5e: {  	_ =	shalt  }
0x5f: {  	_ =	shalt  }
0x60: {  	_ =	shalt  }
0x61: {  	_ =	shalt  }
0x62: {  	_ =	shalt  }
0x63: {  	_ =	shalt  }
0x64: {  	_ =	shalt  }
0x65: {  	_ =	shalt  }
0x66: {  	_ =	shalt  }
0x67: {  	_ =	shalt  }
0x68: {  	_ =	shalt  }
0x69: {  	_ =	shalt  }
0x6a: {  	_ =	shalt  }
0x6b: {  	_ =	shalt  }
0x6c: {  	_ =	shalt  }
0x6d: {  	_ =	shalt  }
0x6e: {  	_ =	shalt  }
0x6f: {  	_ =	shalt  }
0x70: {  	_ =	shalt  }
0x71: {  	_ =	shalt  }
0x72: {  	_ =	shalt  }
0x73: {  	_ =	shalt  }
0x74: {  	_ =	shalt  }
0x75: {  	_ =	shalt  }
0x76: {  	_ =	shalt  }
0x77: {  	_ =	shalt  }
0x78: {  	_ =	shalt  }
0x79: {  	_ =	shalt  }
0x7a: {  	_ =	shalt  }
0x7b: {  	_ =	shalt  }
0x7c: {  	_ =	shalt  }
0x7d: {  	_ =	shalt  }
0x7e: {  	_ =	shalt  }
0x7f: {  	_ =	shalt  }
0x80: {  	_ =	shalt  }
0x81: {  	_ =	shalt  }
0x82: {  	_ =	shalt  }
0x83: {  	_ =	shalt  }
0x84: {  	_ =	shalt  }
0x85: {  	_ =	shalt  }
0x86: {  	_ =	shalt  }
0x87: {  	_ =	shalt  }
.Lfunc_end0:
.L_simem_size_0:
called_computation_lowered:
.L_overlay_start_0:
0x88: {  	s2 =	sld [smem:$0x3FD9]  }
0x89: {  	s3 =	sld [smem:$0x3FFE];
	_ =	sdelay $0x1  }
0x8a: {  	s1 =	srdreg.scid  }
0x8b: {  	s0 =	sand.u32 $0x1, s1  }
0x8c: {  	s16 =	sshll.u32 s0, $0xA;
	s2 =	sadd.s32 s3, s2  }
0x8d: {  	s2 =	sadd.s32 s2, s16  }
0x8e: {  	[smem:$0x3FC5] =	sst s2  }
0x8f: {  	_ = 	snop  }
0x90: {  	(tm) =	ssettm $0x1  }
0x91: {  	s17 =	sld [smem:$0x3FFB];
	_ =	sdelay $0x3  }
0x92: {  	_ =	strace s17  }
0x93: {  	s2 =	sld [smem:$0x3FFC];
	_ =	sdelay $0x3  }
0x94: {  	_ =	strace s2  }
0x95: {  	s2 =	sld [smem:$0x3FFD];
	_ =	sdelay $0x3  }
0x96: {  	_ =	strace s2  }
0x97: {  	_ =	strace $0x8FFFFFFF  }
0x98: {  	s18 =	sld [smem:$0x3FDB];
	_ =	sdelay $0x1  }
0x99: {  	s19 =	simm.s32 $_scs_section_size  }
0x9a: {  	s4 =	simm.s32 $_size__tile_overlayer_lowered;
	s5 =	simm.s32 $_tile_overlayer_lowered  }
0x9b: {  	s22 =	simm.s32 $0x1BFF;
	s21 =	sshll.u32 s5, $0x1;
	s2 =	sadd.s32 s19, s18  }
0x9c: {  	s6 =	simm.s32 $0x0;
	s20 =	sshll.u32 s4, $0x1;
	s4 =	sadd.s32 s21, s2  }
0x9d: {  	[timem:s6], [sflag:s22] =	dma.local [hbm:s4], s20  }
0x9e: {  	_ =	swait.ge [sflag:s22], s20  }
0x9f: {  	s3 =	ssub.s32 $0x0, s20;
	[sflag:s22] =	ssyncset.done $0x0  }
0xa0: {  	[sflag:s22] =	ssyncadd.s32 s3;
	_ =	sdelay $0x1  }
0xa1: {  	s23 =	simm.s32 $0x1B8B  }
0xa2: {  	_ =	swait.ge [sflag:s23], $0x1  }
0xa3: {  	[sflag:s23] =	ssyncset.done $0x0  }
0xa4: {  	s25 =	simm.s32 $0x1B8E;
	s24 =	sld [smem:$0x3FFE];
	[sflag:s23] =	ssyncadd.s32 $0xFFFFFFFF  }
0xa5: {  	s26 =	simm.s32 $execute0_lowered;
	[smem:$0x3FD2] =	sst s25  }
0xa6: {  	s4 =	sshll.u32 s26, $0x1;
	_ =	strace $0x80000046;
	[dreg:$0x1] =	wrdreg $0xFFFFFFFF  }
0xa7: {  	s28 =	simm.s32 $_size_execute0_lowered;
	s2 =	sadd.s32 s2, s4;
	[dreg:$0x0] =	wrdreg $0x0  }
0xa8: {  	s4 =	sshll.u32 s28, $0x1;
	[dreg:$0x2] =	wrdreg s2  }
0xa9: {  	[dreg:$0x3] =	wrdreg s4  }
0xaa: {  	[dreg:$0x4] =	wrdreg $0xC0  }
0xab: {  	_ =	task [dreg:s6], $0x5FFFF  }
0xac: {  	[dreg:$0x1] =	wrdreg $0xFFFFFFFF  }
0xad: {  	[dreg:$0x0] =	wrdreg $0x60  }
0xae: {  	[dreg:$0x2] =	wrdreg s24  }
0xaf: {  	[dreg:$0x3] =	wrdreg $0x9  }
0xb0: {  	_ =	task.clear_ibuf [dreg:s6], $0x4FFFF;
	_ =	strace $0x90000046  }
0xb1: {  	s29 =	simm.s32 $0x9;
	_ =	strace $0x80000048  }
0xb2: {  	_ =	swait.ge [sflag:s29], $0x1  }
0xb3: {  	[sflag:s29] =	ssyncadd.s32 $0xFFFFFFFF  }
0xb4: {  	_ =	strace $0x90000048  }
0xb5: {  	_ =	sfence  }
0xb6: {  	s30 =	sld [smem:$0x0];
	_ =	sdelay $0x2  }
0xb7: {  	s31 =	sshll.u32 s1, $0xD;
	s1 =	sshrl.u32 s1, $0x2  }
0xb8: {  	s3 =	sand.u32 $0x4000, s31;
	s1 =	sadd.s32 s1, s30  }
0xb9: {  	s0 =	sor.u32 s3, s0;
	s1 =	sshll.u32 s1, $0x11  }
0xba: {  	s0 =	sor.u32 s1, s0  }
0xbb: {  	s0 =	sadd.s32 $0x8F2B, s0  }
0xbc: {  	[sflag:s0] =	ssyncadd.remote.s32 $0x1  }
0xbd: {  	_ =	sfence.sel $0xFFFF  }
0xbe: {  	[dreg:$0x0] =	wrdreg $0xFFFFFFFF;
	(pc) =	sbr.abs _section_cstart, $3  }
0xbf: {  	[dreg:$0x1] =	wrdreg $0xFFFFFFFF  }
0xc0: {  	_ =	task.clear_ibuf [dreg:s6], $0x2FFFF;
	_ =	strace $0x9FFFFFFF  }
0xc1: {  	(tm) =	ssettm $0x7FFFFFFF  }
tec
execute0_lowered:
.L_overlay_start_1:
0x0: {  	(tag) =	ssettag $0x1  }
0x1: {  	s1 =	srdreg.scid;
	s0 =	stileid.u32  }
0x2: {  	s2 =	rddreg [dreg:$0x0];
	s5 =	sand.u32 $0x1, s1;
	s31 =	sshll.u32 s0, $0x1  }
0x3: {  	s4 =	simm.s32 $0x0;
	s10 =	simm.s32 $0x2030;
	s3 =	sor.u32 s5, s31  }
0x4: {  	s11 =	simm.s32 $0x0;
	[smem:$0x7FF] =	sst s4;
	s9 =	smul.u32 $0x2020, s3  }
0x5: {  	s1 =	rddreg [dreg:$0x1];
	s6 =	ssub.s32 $0x2, s5;
	_ =	strace $0x80000047  }
0x6: {  	s5 =	sadd.s32 $0x200, s2;
	s8 =	sshrl.u32 s6, $0x1;
	s7 =	sshrl.u32 s9, $0x3  }
0x7: {  	s8 =	ssub.s32 s6, s8;
	v0 =	vmov s9;
	s9 =	simm.s32 $0x1;
	s7 =	sadd.s32 s7, s2  }
0x8: {  	v1 =	vimm.s32 $0x30D40;
	v2 =	vlaneseq.u32;
	s6 =	sadd.s32 $0x6800, s7;
	s7 =	smax.u32 s8, $0x1;
	s8 =	simm.s32 $0x4050  }
.LBB2_1:
0x9: {  	[tilespmem:s8], [sflag:$0x1] =	stream.linear.gather [hbm4b:s2+s4], $0x30, $0x38;
	[tilespmem:$0x4080] =	vst v63  }
0xa: {  	_ =	swait.ge [sflag:s9], $0x30  }
0xb: {  	[sflag:s9] =	ssyncset.done $0x0  }
0xc: {  	[sflag:s9] =	ssyncadd.s32 $0xFFFFFFD0  }
0xd: {  	v3 =	vld [tilespmem:s3+$0x4050];
	_ =	sdelay $0x4  }
0xe: {  	(v2sf) =	vpush v3, $0x0;
	_ =	sdelay $0xe  }
0xf: {  	s12 =	spop (v2sf)  }
0x10: {  	s13 =	sshrl.u32 s12, $0x3  }
0x11: {  	s13 =	sadd.s32 s5, s13  }
0x12: {  	[tilespmem:s4], [sflag:$0x1] =	stream.linear.gather [hbm4b:s13+s4], $0x2030, $0x38;
	[tilespmem:$0x4080] =	vst v63  }
0x13: {  	_ =	swait.ge [sflag:s9], $0x2030  }
0x14: {  	[sflag:s9] =	ssyncset.done $0x0  }
0x15: {  	s13 =	simm.s32 $0x0;
	[sflag:s9] =	ssyncadd.s32 $0xFFFFDFD0  }
.LBB2_2:
0x16: {  	p0 =	sne.s32 s13, $0x8040  }
.Ltmp0:
0x17: {  	_ = 	snop;
	(pc) =	sbr.rel @p0 .LBB2_2-.Ltmp0, $3  }
0x18: {  	_ =	sdelay $0x1  }
0x19: {  	s14 =	sshra.s32 s13, $0x2  }
0x1a: {  	s13 =	sadd.s32 $0x40, s13;
	[tilespmem:s14+$0x2030] =	vst v1  }
0x1b: {  	s13 =	simm.s32 $0x0  }
0x1c: {  	v3 =	vld [tilespmem:s13+$0x0];
	_ =	sdelay $0x4  }
0x1d: {  	v3 =	vsub.s32 v3, v0  }
0x1e: {  	vm0 =	vgt.s32 v3, $0x0  }
0x1f: {  	vm1 =	vlt.u32 v3, $0x2020;
	v3 =	vnsel vm0, $0x0, v3  }
0x20: {  	v3 =	vmin.u32 v3, $0x201F;
	_ =	sdelay $0x3  }
0x21: {  	v4 =	vadd.s32 s12, v2  }
0x22: {  	s14 =	simm.s32 $0x10;
	s13 =	simm.s32 $0x80;
	[tilespmem:v3+s10+$0x0] =	vst.idx.msk vm1, v4  }
.LBB2_4:
0x23: {  	p0 =	sne.s32 s13, $0x8080;
	v3 =	vld [tilespmem:s14+$0x0];
	_ =	sdelay $0x4  }
0x24: {  	v3 =	vsub.s32 v3, v0  }
0x25: {  	vm0 =	vgt.s32 v3, $0x0  }
0x26: {  	vm1 =	vlt.u32 v3, $0x2020;
	v3 =	vnsel vm0, $0x0, v3  }
0x27: {  	v3 =	vmin.u32 v3, $0x201F  }
.Ltmp1:
0x28: {  	(pc) =	sbr.rel @p0 .LBB2_4-.Ltmp1, $4  }
0x29: {  	_ = 	snop  }
0x2a: {  	s12 =	sadd.s32 $0x10, s12  }
0x2b: {  	v4 =	vadd.s32 s12, v2  }
0x2c: {  	s14 =	sshra.s32 s13, $0x2;
	s13 =	sadd.s32 $0x40, s13;
	[tilespmem:v3+s10+$0x0] =	vst.idx.msk vm1, v4  }
0x2d: {  	v3 =	vld [tilespmem:s14+$0x0];
	_ =	sdelay $0x4  }
0x2e: {  	v3 =	vsub.s32 v3, v0  }
0x2f: {  	vm0 =	vgt.s32 v3, $0x0  }
0x30: {  	vm1 =	vlt.u32 v3, $0x2020;
	v3 =	vnsel vm0, $0x0, v3  }
0x31: {  	v3 =	vmin.u32 v3, $0x201F;
	_ =	sdelay $0x2  }
0x32: {  	s12 =	sadd.s32 $0x10, s12;
	s11 =	sadd.s32 $0x1, s11  }
0x33: {  	v4 =	vadd.s32 s12, v2;
	p0 =	sne.s32 s11, s7  }
.Ltmp2:
0x34: {  	[tilespmem:v3+s10+$0x0] =	vst.idx.msk vm1, v4;
	(pc) =	sbr.rel @p0 .LBB2_1-.Ltmp2, $4  }
0x35: {  	[hbm4b:s6+s4] =	stream.linear.scatter [tilespmem:s10], [sflag:$0x1], $0x2020, $0x38;
	[tilespmem:$0x4080] =	vst v63  }
0x36: {  	_ =	swait.ge [sflag:s9], $0x2020  }
0x37: {  	[sflag:s9] =	ssyncset.done $0x0  }
0x38: {  	[sflag:s9] =	ssyncadd.s32 $0xFFFFDFE0  }
0x39: {  	_ =	sfence.sel $0x180000  }
0x3a: {  	[bflag:$0x0] =	sbarrier.arrive $0xFFFF  }
0x3b: {  	p0 =	sne.s32 s0, $0x0;
	_ =	strace $0x90000047  }
0x3c: {  	s0 =	sadd.s32 @!p0 $0x100000, s1;
	[bflag:$0x2] =	sbarrier.arrive $0xFFFF  }
0x3d: {  	[sflag:s0] =	ssyncadd.tile.s32 @!p0 $0x1;
	_ =	shalt  }
.Lfunc_end2:
_tile_overlayer_lowered:
.L_overlay_start_2:
0x3e: {  	(tag) =	ssettag $0x2  }
0x3f: {  	s0 =	rddreg [dreg:$0x0];
	s2 =	stileid.u32  }
0x40: {  	s1 =	rddreg [dreg:$0x1];
	p0 =	sne.s32 s2, $0x0  }
0x41: {  	s3 =	rddreg [dreg:$0x2];
	[bflag:$0x3] =	sbarrier.arrive $0xFFFF;
	s2 =	simm.s32 @!p0 $0x1C01  }
0x42: {  	[timem:s3], [sflag:s2] =	dma.local @!p0 [hbm:s0], s1  }
0x43: {  	s0 =	simm.s32 @!p0 $0x1  }
0x44: {  	_ =	swait.ge @!p0 [sflag:s0], s1  }
0x45: {  	s1 =	ssub.s32 @!p0 $0x0, s1;
	[sflag:s0] =	ssyncset.done @!p0 $0x0  }
0x46: {  	[sflag:s0] =	ssyncadd.s32 @!p0 s1  }
0x47: {  	[bflag:$0x3] =	sbarrier.arrive $0xFFFF  }
0x48: {  	_ =	shalt  }

// kernel: kernel.7.cloned.1.call-start
scs
__scs_entry_jumppad:
0x0: {  	(pc) =	sbr.rel $0x88, $3  }
0x1: {  	(tag) =	ssettag $0x0;
	lr =	simm.s32 $0x1  }
0x2: {  	[smem:$0x3F9E] =	sst lr;
	_ =	strace $0xD0000000  }
0x3: {  	_ = 	snop  }
0x4: {  	_ = 	snop  }
0x5: {  	_ = 	snop  }
0x6: {  	_ = 	snop  }
0x7: {  	_ = 	snop  }
__scs_overlays_trampoline_lowered:
0x8: {  	[smem:$0x3FAD] =	sst s0  }
0x9: {  	[smem:$0x3FAE] =	sst s1  }
0xa: {  	[smem:$0x3FAF] =	sst s2  }
0xb: {  	[smem:$0x3FB0] =	sst s3  }
0xc: {  	[smem:$0x3FB1] =	sst s4  }
0xd: {  	[smem:$0x3FB2] =	sst s5  }
0xe: {  	[smem:$0x3FB3] =	sst s6  }
0xf: {  	[smem:$0x3FB4] =	sst s7  }
0x10: {  	[smem:$0x3FB5] =	sst s8  }
0x11: {  	[smem:$0x3FB6] =	sst s9;
	s0 =	simm.s32 @!p0 $0x0  }
0x12: {  	s1 =	sld [smem:$0x3F9C];
	s0 =	simm.s32 @p0 $0x1  }
0x13: {  	[smem:$0x3FB7] =	sst s0;
	s0 =	simm.s32 @!p1 $0x0  }
0x14: {  	s2 =	sld [smem:$0x3F9B];
	s0 =	simm.s32 @p1 $0x1  }
0x15: {  	[smem:$0x3FB8] =	sst s0;
	s0 =	simm.s32 @!p2 $0x0  }
0x16: {  	s3 =	sld [smem:$0x3FDB];
	s0 =	simm.s32 @p2 $0x1  }
0x17: {  	s4 =	simm.s32 $0x1BF5;
	[smem:$0x3FBA] =	sst s0  }
0x18: {  	s0 =	sld [smem:$0x3F9D];
	_ =	swait.ge [sflag:s4], $0x0  }
0x19: {  	s7 =	sld [smem:$0x3F9E]  }
0x1a: {  	s8 =	sadd.s32 $0xFFFFE003, lr  }
0x1b: {  	s9 =	sadd.s32 $0xFFFFFEF7, lr;
	s5 =	simm.s32 $0xFFFFFFFF;
	p2 =	slt.u32 s8, $0xFFFFF086  }
0x1c: {  	p1 =	slt.u32 s9, $0xF7A;
	s5 =	simm.s32 @!p2 $0x0  }
0x1d: {  	s5 =	simm.s32 @p1 $0x1;
	p0 =	seq.s32 s7, s2  }
0x1e: {  	s7 =	smul.u32 @!p0 $0xF7A, s2;
	p2 =	seq.s32 @!p0 s5, $0x0  }
0x1f: {  	s9 =	smul.u32 $0xF7A, s1;
	s8 =	simm.s32 @!p0 $0x1BF5;
	p2 =	por !p2, p0  }
0x20: {  	[sflag:s8] =	ssyncset.s32 @!p0 $0xFFFFF086;
	s6 =	sadd.s32 @!p0 s3, s7;
	s7 =	simm.s32 @!p0 $0x108  }
0x21: {  	s3 =	sadd.s32 s3, s9;
	s6 =	sadd.s32 @!p0 $0x88, s6;
	s7 =	simm.s32 @p2 $0x1082  }
0x22: {  	[simem:s7], [sflag:s8] =	dma.local @!p0 [hbm:s6], $0xF7A  }
0x23: {  	s9 =	sor.u32 $0xD0000000, s2;
	s6 =	simm.s32 $0x108;
	_ =	swait.ge @!p0 [sflag:s8], $0x0  }
0x24: {  	s3 =	sadd.s32 $0x88, s3;
	s6 =	simm.s32 @!p1 $0x1082;
	[sflag:s4] =	ssyncset.s32 $0xFFFFF086  }
0x25: {  	[simem:s6], [sflag:s4] =	dma.local [hbm:s3], $0xF7A  }
0x26: {  	[smem:$0x3F9E] =	sst s1;
	(tag) =	ssettag s2;
	_ =	strace s9  }
0x27: {  	s1 =	sld [smem:$0x3FAE]  }
0x28: {  	s2 =	sld [smem:$0x3FAF]  }
0x29: {  	s4 =	sld [smem:$0x3FB1]  }
0x2a: {  	p0 =	seq.s32 s5, $0x0;
	s5 =	sld [smem:$0x3FB2]  }
0x2b: {  	s6 =	sld [smem:$0x3FB3]  }
0x2c: {  	s7 =	sld [smem:$0x3FB4]  }
0x2d: {  	s3 =	simm.s32 $0x108;
	s8 =	sld [smem:$0x3FB5]  }
0x2e: {  	s3 =	simm.s32 @!p0 $0x1082;
	s9 =	sld [smem:$0x3FB6]  }
0x2f: {  	lr =	sadd.s32 s0, s3;
	s0 =	sld [smem:$0x3FAD]  }
0x30: {  	s3 =	sld [smem:$0x3FB0]  }
0x31: {  	[smem:$0x3FB9] =	sst s10  }
0x32: {  	s10 =	sld [smem:$0x3FB7];
	_ =	sdelay $0x3  }
0x33: {  	p0 =	seq.s32 s10, $0x1;
	s10 =	sld [smem:$0x3FB9];
	_ =	sdelay $0x3  }
0x34: {  	[smem:$0x3FB9] =	sst s10  }
0x35: {  	s10 =	sld [smem:$0x3FB8];
	_ =	sdelay $0x3  }
0x36: {  	p1 =	seq.s32 s10, $0x1;
	s10 =	sld [smem:$0x3FB9];
	_ =	sdelay $0x3  }
0x37: {  	[smem:$0x3FB9] =	sst s10  }
0x38: {  	s10 =	sld [smem:$0x3FBA]  }
0x39: {  	_ = 	snop;
	(pc) =	sbr.ind lr, $3  }
0x3a: {  	_ = 	snop  }
0x3b: {  	_ = 	snop  }
0x3c: {  	p2 =	seq.s32 s10, $0x1;
	s10 =	sld [smem:$0x3FB9]  }
0x3d: {  	_ =	shalt  }
0x3e: {  	_ =	shalt  }
0x3f: {  	_ =	shalt  }
0x40: {  	_ =	shalt  }
0x41: {  	_ =	shalt  }
0x42: {  	_ =	shalt  }
0x43: {  	_ =	shalt  }
0x44: {  	_ =	shalt  }
0x45: {  	_ =	shalt  }
0x46: {  	_ =	shalt  }
0x47: {  	_ =	shalt  }
0x48: {  	_ =	shalt  }
0x49: {  	_ =	shalt  }
0x4a: {  	_ =	shalt  }
0x4b: {  	_ =	shalt  }
0x4c: {  	_ =	shalt  }
0x4d: {  	_ =	shalt  }
0x4e: {  	_ =	shalt  }
0x4f: {  	_ =	shalt  }
0x50: {  	_ =	shalt  }
0x51: {  	_ =	shalt  }
0x52: {  	_ =	shalt  }
0x53: {  	_ =	shalt  }
0x54: {  	_ =	shalt  }
0x55: {  	_ =	shalt  }
0x56: {  	_ =	shalt  }
0x57: {  	_ =	shalt  }
0x58: {  	_ =	shalt  }
0x59: {  	_ =	shalt  }
0x5a: {  	_ =	shalt  }
0x5b: {  	_ =	shalt  }
0x5c: {  	_ =	shalt  }
0x5d: {  	_ =	shalt  }
0x5e: {  	_ =	shalt  }
0x5f: {  	_ =	shalt  }
0x60: {  	_ =	shalt  }
0x61: {  	_ =	shalt  }
0x62: {  	_ =	shalt  }
0x63: {  	_ =	shalt  }
0x64: {  	_ =	shalt  }
0x65: {  	_ =	shalt  }
0x66: {  	_ =	shalt  }
0x67: {  	_ =	shalt  }
0x68: {  	_ =	shalt  }
0x69: {  	_ =	shalt  }
0x6a: {  	_ =	shalt  }
0x6b: {  	_ =	shalt  }
0x6c: {  	_ =	shalt  }
0x6d: {  	_ =	shalt  }
0x6e: {  	_ =	shalt  }
0x6f: {  	_ =	shalt  }
0x70: {  	_ =	shalt  }
0x71: {  	_ =	shalt  }
0x72: {  	_ =	shalt  }
0x73: {  	_ =	shalt  }
0x74: {  	_ =	shalt  }
0x75: {  	_ =	shalt  }
0x76: {  	_ =	shalt  }
0x77: {  	_ =	shalt  }
0x78: {  	_ =	shalt  }
0x79: {  	_ =	shalt  }
0x7a: {  	_ =	shalt  }
0x7b: {  	_ =	shalt  }
0x7c: {  	_ =	shalt  }
0x7d: {  	_ =	shalt  }
0x7e: {  	_ =	shalt  }
0x7f: {  	_ =	shalt  }
0x80: {  	_ =	shalt  }
0x81: {  	_ =	shalt  }
0x82: {  	_ =	shalt  }
0x83: {  	_ =	shalt  }
0x84: {  	_ =	shalt  }
0x85: {  	_ =	shalt  }
0x86: {  	_ =	shalt  }
0x87: {  	_ =	shalt  }
.Lfunc_end0:
.L_simem_size_0:
called_computation.1_lowered:
.L_overlay_start_0:
0x88: {  	s2 =	sld [smem:$0x3FD9]  }
0x89: {  	s3 =	sld [smem:$0x3FFE];
	_ =	sdelay $0x1  }
0x8a: {  	s1 =	srdreg.scid  }
0x8b: {  	s0 =	sand.u32 $0x1, s1  }
0x8c: {  	s17 =	sshll.u32 s0, $0xA;
	s2 =	sadd.s32 s3, s2  }
0x8d: {  	s2 =	sadd.s32 s2, s17  }
0x8e: {  	[smem:$0x3FC5] =	sst s2  }
0x8f: {  	_ = 	snop  }
0x90: {  	s2 =	sld [smem:$0x3FD0];
	(tm) =	ssettm $0x1  }
0x91: {  	s18 =	sld [smem:$0x3FFB];
	_ =	sdelay $0x3  }
0x92: {  	_ =	strace s18  }
0x93: {  	s3 =	sld [smem:$0x3FFC];
	_ =	sdelay $0x3  }
0x94: {  	_ =	strace s3  }
0x95: {  	s3 =	sld [smem:$0x3FFD];
	_ =	sdelay $0x3  }
0x96: {  	_ =	strace s3  }
0x97: {  	_ =	strace $0x8FFFFFFF  }
0x98: {  	s19 =	sld [smem:$0x3FDB];
	_ =	sdelay $0x1  }
0x99: {  	s4 =	simm.s32 $_scs_section_size  }
0x9a: {  	s5 =	simm.s32 $_size__tile_overlayer_lowered;
	s6 =	simm.s32 $_tile_overlayer_lowered  }
0x9b: {  	s22 =	simm.s32 $0x1BFF;
	s21 =	sshll.u32 s6, $0x1;
	s3 =	sadd.s32 s4, s19  }
0x9c: {  	s7 =	simm.s32 $0x0;
	s20 =	sshll.u32 s5, $0x1;
	s5 =	sadd.s32 s21, s3  }
0x9d: {  	[timem:s7], [sflag:s22] =	dma.local [hbm:s5], s20  }
0x9e: {  	_ =	swait.ge [sflag:s22], s20  }
0x9f: {  	s4 =	ssub.s32 $0x0, s20;
	[sflag:s22] =	ssyncset.done $0x0  }
0xa0: {  	[sflag:s22] =	ssyncadd.s32 s4;
	_ =	sdelay $0x1  }
0xa1: {  	s23 =	simm.s32 $0x1B8B  }
0xa2: {  	_ =	swait.ge [sflag:s23], $0x1  }
0xa3: {  	[sflag:s23] =	ssyncset.done $0x0  }
0xa4: {  	s25 =	simm.s32 $0x1B8E;
	s24 =	sld [smem:$0x3FFE];
	[sflag:s23] =	ssyncadd.s32 $0xFFFFFFFF  }
0xa5: {  	s26 =	simm.s32 $execute0_lowered;
	[smem:$0x3FD2] =	sst s25  }
0xa6: {  	s5 =	sshll.u32 s26, $0x1;
	_ =	strace $0x80000049;
	[dreg:$0x1] =	wrdreg $0xFFFFFFFF  }
0xa7: {  	s28 =	simm.s32 $_size_execute0_lowered;
	s3 =	sadd.s32 s3, s5;
	[dreg:$0x0] =	wrdreg $0x0  }
0xa8: {  	s5 =	sshll.u32 s28, $0x1;
	[dreg:$0x2] =	wrdreg s3  }
0xa9: {  	[dreg:$0x3] =	wrdreg s5  }
0xaa: {  	[dreg:$0x4] =	wrdreg $0xC0  }
0xab: {  	_ =	task [dreg:s7], $0x5FFFF  }
0xac: {  	[dreg:$0x1] =	wrdreg $0xFFFFFFFF  }
0xad: {  	[dreg:$0x0] =	wrdreg $0x60  }
0xae: {  	[dreg:$0x2] =	wrdreg s24  }
0xaf: {  	[dreg:$0x3] =	wrdreg s2  }
0xb0: {  	[dreg:$0x4] =	wrdreg $0x9  }
0xb1: {  	_ =	task.clear_ibuf [dreg:s7], $0x5FFFF;
	_ =	strace $0x90000049  }
0xb2: {  	s29 =	simm.s32 $0x9;
	_ =	strace $0x8000004B  }
0xb3: {  	_ =	swait.ge [sflag:s29], $0x1  }
0xb4: {  	[sflag:s29] =	ssyncadd.s32 $0xFFFFFFFF  }
0xb5: {  	_ =	strace $0x9000004B  }
0xb6: {  	_ =	sfence  }
0xb7: {  	s30 =	sld [smem:$0x0];
	_ =	sdelay $0x2  }
0xb8: {  	s31 =	sshll.u32 s1, $0xD;
	s1 =	sshrl.u32 s1, $0x2  }
0xb9: {  	s3 =	sand.u32 $0x4000, s31;
	s1 =	sadd.s32 s1, s30  }
0xba: {  	s0 =	sor.u32 s3, s0;
	s1 =	sshll.u32 s1, $0x11  }
0xbb: {  	s0 =	sor.u32 s1, s0  }
0xbc: {  	s0 =	sadd.s32 $0x8F2B, s0  }
0xbd: {  	[sflag:s0] =	ssyncadd.remote.s32 $0x1  }
0xbe: {  	_ =	sfence.sel $0xFFFF  }
0xbf: {  	[dreg:$0x0] =	wrdreg $0xFFFFFFFF;
	(pc) =	sbr.abs _section_cstart, $3  }
0xc0: {  	[dreg:$0x1] =	wrdreg $0xFFFFFFFF  }
0xc1: {  	_ =	task.clear_ibuf [dreg:s7], $0x2FFFF;
	_ =	strace $0x9FFFFFFF  }
0xc2: {  	(tm) =	ssettm $0x7FFFFFFF  }
0xc3: {  	_ =	shalt  }
tec
execute0_lowered:
.L_overlay_start_1:
0x0: {  	(tag) =	ssettag $0x1  }
0x1: {  	s0 =	rddreg [dreg:$0x0]  }
0x2: {  	s1 =	rddreg [dreg:$0x1];
	s2 =	simm.s32 $0x0;
	s23 =	srdreg.scid  }
0x3: {  	s4 =	stileid.u32;
	s11 =	simm.s32 $0x6;
	s14 =	simm.s32 $0x80  }
0x4: {  	s18 =	simm.s32 $0x1310;
	s20 =	simm.s32 $0x1410;
	s29 =	simm.s32 $0x1610  }
0x5: {  	s31 =	simm.s32 $0x1690;
	s13 =	simm.s32 $0x1810;
	s17 =	simm.s32 $0x1890  }
0x6: {  	s21 =	simm.s32 $0x1910;
	s30 =	simm.s32 $0x1A10;
	s10 =	simm.s32 $0x1A90  }
0x7: {  	s12 =	simm.s32 $0x1;
	s19 =	simm.s32 $0x3;
	s28 =	simm.s32 $0x4  }
0x8: {  	[smem:$0x7FF] =	sst s2;
	s22 =	sadd.s32 $0x1E200, s0;
	s3 =	sadd.s32 $0x16600, s0  }
0x9: {  	s2 =	sand.u32 $0x1, s23;
	s24 =	sadd.s32 $0xEA00, s0;
	s4 =	sshll.u32 s4, $0x1  }
0xa: {  	s7 =	sadd.s32 $0x6800, s0;
	_ =	strace $0x8000004A;
	[dreg:$0x3] =	wrdreg s22  }
0xb: {  	s0 =	sadd.s32 $0x25E00, s0;
	s23 =	simm.s32 $0x5;
	[dreg:$0x4] =	wrdreg s3  }
0xc: {  	[dreg:$0x5] =	wrdreg s24;
	s25 =	ssub.s32 $0x2, s2;
	s2 =	sor.u32 s2, s4  }
0xd: {  	[dreg:$0x6] =	wrdreg s0;
	s22 =	simm.s32 $0x1490;
	s24 =	simm.s32 $0x1510  }
0xe: {  	s3 =	simm.s32 $0x1710;
	s5 =	sshrl.u32 s25, $0x1;
	s2 =	smul.u32 $0x1F00, s2  }
0xf: {  	s26 =	ssub.s32 s25, s5;
	s25 =	simm.s32 $0x1990;
	s5 =	simm.s32 $0x0  }
0x10: {  	[dreg:$0x7] =	wrdreg s2;
	s0 =	smax.u32 s26, $0x1;
	s26 =	simm.s32 $0x1590  }
0x11: {  	v0 =	vimm.s32 $0x0;
	v1 =	vimm.f32 $0.0e+00;
	s2 =	simm.s32 $0x1790;
	[dreg:$0x8] =	wrdreg s0;
	s0 =	simm.s32 $0x2  }
.LBB2_1:
0x12: {  	[dreg:$0x9] =	wrdreg s5;
	s15 =	simm.s32 $0x0  }
.LBB2_2:
0x13: {  	s4 =	sshll.u32 s15, $0x8;
	s5 =	rddreg [dreg:$0x7]  }
0x14: {  	s4 =	sadd.s32 s5, s4  }
0x15: {  	s6 =	rddreg [dreg:$0x3];
	s5 =	sshrl.u32 s4, $0x3  }
0x16: {  	s8 =	simm.s32 $0x0;
	s6 =	sadd.s32 s6, s5  }
0x17: {  	[tilespmem:s8], [sflag:$0x6] =	stream.linear.gather [hbm4b:s6+s8], $0x100, $0x38;
	[tilespmem:$0x13C20] =	vst v63  }
0x18: {  	_ =	swait.ge [sflag:s11], $0x100  }
0x19: {  	[sflag:s11] =	ssyncset.done $0x0;
	s16 =	rddreg [dreg:$0x4]  }
0x1a: {  	s9 =	simm.s32 $0x100;
	[sflag:s11] =	ssyncadd.s32 $0xFFFFFF00;
	s6 =	sadd.s32 s16, s5  }
0x1b: {  	[tilespmem:s9], [sflag:$0x6] =	stream.linear.gather [hbm4b:s6+s8], $0x100, $0x38;
	[tilespmem:$0x13C20] =	vst v63  }
0x1c: {  	_ =	swait.ge [sflag:s11], $0x100  }
0x1d: {  	[sflag:s11] =	ssyncset.done $0x0;
	s9 =	rddreg [dreg:$0x5]  }
0x1e: {  	s16 =	simm.s32 $0x200;
	[sflag:s11] =	ssyncadd.s32 $0xFFFFFF00;
	s5 =	sadd.s32 s9, s5  }
0x1f: {  	[tilespmem:s16], [sflag:$0x6] =	stream.linear.gather [hbm4b:s5+s8], $0x100, $0x38;
	[tilespmem:$0x13C20] =	vst v63  }
0x20: {  	_ =	swait.ge [sflag:s11], $0x100  }
0x21: {  	[sflag:s11] =	ssyncset.done $0x0  }
0x22: {  	s5 =	simm.s32 $0x0;
	[sflag:s11] =	ssyncadd.s32 $0xFFFFFF00  }
0x23: {  	v2 =	vld [tilespmem:s5+$0x200]  }
0x24: {  	v3 =	vld [tilespmem:s5+$0x0]  }
0x25: {  	v4 =	vld [tilespmem:s5+$0x100];
	_ =	sdelay $0x3  }
0x26: {  	v2 =	vadd.f32 $1.000000000e+00, v2  }
0x27: {  	v3 =	vadd.f32 $1.000000000e+00, v3;
	v4 =	vadd.f32 $1.000000000e+00, v4  }
0x28: {  	v2 =	vmul.f32 $3.200000000e+01, v2  }
0x29: {  	v3 =	vmul.f32 $3.200000000e+01, v3;
	v4 =	vmul.f32 $3.200000000e+01, v4  }
0x2a: {  	v5 =	vadd.f32 $-5.000000000e-01, v2  }
0x2b: {  	v6 =	vadd.f32 $-5.000000000e-01, v3;
	v7 =	vadd.f32 $-5.000000000e-01, v4  }
0x2c: {  	v2 =	vtrunc.f32 v5  }
0x2d: {  	v3 =	vtrunc.f32 v6;
	v4 =	vtrunc.f32 v7  }
0x2e: {  	v8 =	vcvt.f32.s32 v3;
	v9 =	vcvt.f32.s32 v2  }
0x2f: {  	vm0 =	vlt.f32 v6, v3;
	v3 =	vcvt.f32.s32 v4;
	vm1 =	vlt.f32 v7, v4  }
0x30: {  	v4 =	vsel vm0, $0xFFFFFFFF, v0;
	v10 =	vsel vm1, $0xFFFFFFFF, v0;
	vm0 =	vlt.f32 v5, v2  }
0x31: {  	v4 =	vadd.s32 v8, v4;
	v3 =	vadd.s32 v3, v10;
	v2 =	vsel vm0, $0xFFFFFFFF, v0  }
0x32: {  	v2 =	vadd.s32 v9, v2;
	v8 =	vcvt.s32.f32 v4;
	v9 =	vcvt.s32.f32 v3  }
0x33: {  	v11 =	vshll.u32 v4, $0x2;
	v12 =	vshll.u32 v4, $0x4;
	v14 =	vshll.u32 v4, $0x6  }
0x34: {  	v15 =	vshll.u32 v3, $0x5;
	v18 =	vadd.s32 $0x1, v4;
	v19 =	vadd.s32 $0x1, v3  }
0x35: {  	v48 =	vshll.u32 v4, $0x8;
	v31 =	vshll.u32 v3, $0x7;
	v50 =	vshll.u32 v4, $0xA  }
0x36: {  	v53 =	vshll.u32 v3, $0x9;
	v55 =	vshll.u32 v4, $0xC;
	v56 =	vshll.u32 v3, $0xB  }
0x37: {  	v10 =	vcvt.s32.f32 v2;
	v20 =	vshll.u32 v2, $0x2;
	v21 =	vadd.s32 $0x1, v2  }
0x38: {  	v22 =	vor.u32 v18, v19;
	v24 =	vshll.u32 v18, $0x2;
	v25 =	vshll.u32 v18, $0x4  }
0x39: {  	v27 =	vshll.u32 v19, $0x1;
	v29 =	vshll.u32 v19, $0x5;
	v14 =	vand.u32 $0x100, v14  }
0x3a: {  	v15 =	vand.u32 $0x80, v15;
	v33 =	vshll.u32 v2, $0x4;
	v49 =	vshll.u32 v19, $0x9  }
0x3b: {  	v57 =	vshll.u32 v2, $0x8;
	v6 =	vsub.f32 v6, v8;
	v7 =	vsub.f32 v7, v9  }
0x3c: {  	v8 =	vshll.u32 v3, $0x1;
	v9 =	vand.u32 $0x4, v11;
	v11 =	vand.u32 $0x20, v12  }
0x3d: {  	v26 =	vor.u32 v21, v22;
	v24 =	vand.u32 $0x4, v24;
	v30 =	vshll.u32 v21, $0x2  }
0x3e: {  	v20 =	vand.u32 $0x8, v20;
	v47 =	vand.u32 $0x1, v21;
	v32 =	vshll.u32 v21, $0x4  }
0x3f: {  	v51 =	vand.u32 $0x40, v33;
	v52 =	vshll.u32 v21, $0x6;
	v54 =	vshll.u32 v21, $0x8  }
0x40: {  	v5 =	vsub.f32 v5, v10;
	v10 =	vshll.u32 v3, $0x3;
	v8 =	vand.u32 $0x2, v8  }
0x41: {  	vm0 =	vlt.u32 v26, $0x40;
	v26 =	vshll.u32 v19, $0x3;
	v9 =	vor.u32 v11, v9  }
0x42: {  	v12 =	vsub.f32 $0.0e+00, v6;
	v13 =	vsub.f32 $0.0e+00, v7;
	v10 =	vand.u32 $0x10, v10  }
0x43: {  	v26 =	vand.u32 $0x10, v26;
	v6 =	vsub.f32 $1.000000000e+00, v6;
	v7 =	vsub.f32 $1.000000000e+00, v7  }
0x44: {  	v9 =	vor.u32 v14, v9;
	v16 =	vsub.f32 $0.0e+00, v5;
	v17 =	vmul.f32 v13, v12  }
0x45: {  	v5 =	vsub.f32 $1.000000000e+00, v5;
	v34 =	vmul.f32 v7, v6;
	v6 =	vmul.f32 v13, v6  }
0x46: {  	v8 =	vor.u32 v10, v8;
	v7 =	vmul.f32 v7, v12;
	v23 =	vmul.f32 v16, v17  }
0x47: {  	v10 =	vand.u32 $0x80, v29;
	v58 =	vmul.f32 v5, v34;
	v59 =	vmul.f32 v5, v6  }
0x48: {  	v8 =	vor.u32 v15, v8;
	v6 =	vmul.f32 v16, v6;
	v60 =	vmul.f32 v5, v7  }
0x49: {  	v7 =	vmul.f32 v16, v7;
	v61 =	vmul.f32 v5, v17;
	v23 =	vand.u32 $0x7FFFFFFF, v23  }
0x4a: {  	v17 =	vor.u32 v4, v19;
	v4 =	vor.u32 v4, v3;
	v28 =	vnsel vm0, $0x0, v23  }
0x4b: {  	v23 =	vand.u32 $0x20, v25;
	v25 =	vand.u32 $0x2, v27;
	v27 =	vshll.u32 v18, $0x6  }
0x4c: {  	v3 =	vor.u32 v3, v18;
	v23 =	vor.u32 v23, v24;
	v11 =	vand.u32 $0x100, v27  }
0x4d: {  	v24 =	vor.u32 v26, v25;
	v25 =	vand.u32 $0x8, v30;
	v26 =	vshll.u32 v18, $0x8  }
0x4e: {  	v27 =	vshll.u32 v19, $0x7;
	v11 =	vor.u32 v11, v23;
	v23 =	vand.u32 $0x1, v2  }
0x4f: {  	v10 =	vor.u32 v10, v24;
	v14 =	vand.u32 $0x800, v26;
	v15 =	vand.u32 $0x400, v27  }
0x50: {  	v24 =	vor.u32 v47, v25;
	v25 =	vand.u32 $0x800, v48;
	v26 =	vshll.u32 v18, $0xA  }
0x51: {  	v27 =	vand.u32 $0x400, v31;
	v20 =	vor.u32 v23, v20;
	v23 =	vand.u32 $0x40, v32  }
0x52: {  	v11 =	vor.u32 v14, v11;
	v14 =	vshll.u32 v2, $0x6;
	v9 =	vor.u32 v25, v9  }
0x53: {  	v8 =	vor.u32 v27, v8;
	v10 =	vor.u32 v15, v10;
	v15 =	vand.u32 $0x4000, v26  }
0x54: {  	v25 =	vshll.u32 v18, $0xC;
	v26 =	vand.u32 $0x2000, v53;
	v27 =	vshll.u32 v19, $0xB  }
0x55: {  	v18 =	vor.u32 v21, v17;
	v19 =	vor.u32 v2, v3;
	v12 =	vor.u32 v51, v20  }
0x56: {  	v13 =	vor.u32 v23, v24;
	v20 =	vand.u32 $0x2000, v49;
	v23 =	vand.u32 $0x200, v52  }
0x57: {  	v24 =	vand.u32 $0x4000, v50;
	v14 =	vand.u32 $0x200, v14;
	v11 =	vor.u32 v15, v11  }
0x58: {  	v8 =	vor.u32 v26, v8;
	v15 =	vand.u32 $0x10000, v27;
	v26 =	vshll.u32 v2, $0xA  }
0x59: {  	v27 =	vshll.u32 v21, $0xA;
	v9 =	vor.u32 v24, v9;
	v10 =	vor.u32 v20, v10  }
0x5a: {  	v12 =	vor.u32 v14, v12;
	v13 =	vor.u32 v23, v13;
	v14 =	vand.u32 $0x20000, v25  }
0x5b: {  	v20 =	vand.u32 $0x1000, v54;
	v23 =	vand.u32 $0x20000, v55;
	v24 =	vand.u32 $0x10000, v56  }
0x5c: {  	v25 =	vand.u32 $0x1000, v57;
	v11 =	vor.u32 v14, v11;
	v14 =	vmul.f32 v16, v34  }
0x5d: {  	v10 =	vor.u32 v15, v10;
	v9 =	vor.u32 v23, v9;
	v5 =	vor.u32 v24, v8  }
0x5e: {  	v8 =	vor.u32 v25, v12;
	v12 =	vor.u32 v20, v13;
	v13 =	vand.u32 $0x8000, v26  }
0x5f: {  	v15 =	vand.u32 $0x8000, v27;
	v16 =	vor.u32 v2, v17;
	v20 =	vor.u32 v2, v4  }
0x60: {  	v23 =	vand.u32 $0x7FFFFFFF, v59;
	v17 =	vand.u32 $0x7FFFFFFF, v6;
	v25 =	vor.u32 v9, v10  }
0x61: {  	v27 =	vor.u32 v15, v12;
	v26 =	vor.u32 v5, v11;
	v62 =	vor.u32 v11, v10  }
0x62: {  	v10 =	vor.u32 v13, v8;
	v63 =	vor.u32 v9, v5;
	v15 =	vor.u32 v3, v21  }
0x63: {  	v13 =	vor.u32 v4, v21;
	v21 =	vor.u32 v2, v22;
	v22 =	vand.u32 $0x7FFFFFFF, v58  }
0x64: {  	s6 =	simm.s32 $0x10;
	[tilespmem:s5+$0x1200] =	vst v28;
	v12 =	vand.u32 $0x7FFFFFFF, v60;
	v9 =	vand.u32 $0x7FFFFFFF, v7;
	v11 =	vand.u32 $0x7FFFFFFF, v14  }
0x65: {  	v24 =	vld [tilespmem:s6+$0x200];
	v8 =	vor.u32 v10, v25;
	v5 =	vor.u32 v27, v25;
	v14 =	vand.u32 $0x7FFFFFFF, v61  }
0x66: {  	v25 =	vld [tilespmem:s6+$0x0];
	v7 =	vor.u32 v10, v26;
	v4 =	vor.u32 v26, v27;
	v3 =	vor.u32 v10, v62  }
0x67: {  	s8 =	simm.s32 $0x80;
	v26 =	vld [tilespmem:s6+$0x100];
	v10 =	vor.u32 v10, v63;
	v2 =	vor.u32 v63, v27;
	v6 =	vor.u32 v27, v62  }
.LBB2_3:
0x68: {  	p0 =	sne.s32 s8, $0x3C0;
	vm5 =	vlt.u32 v16, $0x40;
	vm6 =	vlt.u32 v18, $0x40;
	vm7 =	vlt.u32 v19, $0x40  }
0x69: {  	vm1 =	vlt.u32 v20, $0x40;
	vm4 =	vlt.u32 v15, $0x40;
	vm3 =	vlt.u32 v21, $0x40  }
0x6a: {  	vm2 =	vlt.u32 v13, $0x40;
	v15 =	vnsel vm1, $0x0, v22;
	v13 =	vnsel vm5, $0x0, v23  }
0x6b: {  	v11 =	vnsel vm2, $0x0, v11;
	v16 =	vadd.f32 $1.000000000e+00, v24;
	[tilespmem:s5+$0xB00] =	vst v15;
	v15 =	vnsel vm6, $0x0, v17  }
0x6c: {  	v17 =	vadd.f32 $1.000000000e+00, v25;
	v18 =	vadd.f32 $1.000000000e+00, v26;
	[tilespmem:s5+$0xC00] =	vst v11;
	v11 =	vnsel vm7, $0x0, v12  }
0x6d: {  	v9 =	vnsel vm4, $0x0, v9;
	v12 =	vmul.f32 $3.200000000e+01, v16;
	[tilespmem:s5+$0xD00] =	vst v13;
	v13 =	vnsel vm3, $0x0, v14  }
0x6e: {  	v8 =	vnsel vm5, $0x40000, v8;
	v14 =	vmul.f32 $3.200000000e+01, v17;
	v16 =	vmul.f32 $3.200000000e+01, v18;
	[tilespmem:s5+$0xE00] =	vst v15  }
0x6f: {  	v5 =	vnsel vm6, $0x40000, v5;
	v7 =	vnsel vm7, $0x40000, v7;
	v12 =	vadd.f32 $-5.000000000e-01, v12;
	[tilespmem:s5+$0xF00] =	vst v11  }
0x70: {  	v4 =	vnsel vm4, $0x40000, v4;
	v11 =	vadd.f32 $-5.000000000e-01, v14;
	v14 =	vadd.f32 $-5.000000000e-01, v16;
	[tilespmem:s5+$0x1000] =	vst v9  }
0x71: {  	v6 =	vnsel vm0, $0x40000, v6;
	v15 =	vnsel vm3, $0x40000, v3;
	v9 =	vtrunc.f32 v12;
	[tilespmem:s5+$0x1100] =	vst v13  }
0x72: {  	v10 =	vnsel vm1, $0x40000, v10;
	v3 =	vtrunc.f32 v11;
	v13 =	vtrunc.f32 v14;
	[tilespmem:s5+$0x500] =	vst v8  }
0x73: {  	v17 =	vnsel vm2, $0x40000, v2;
	v16 =	vcvt.f32.s32 v9;
	v8 =	vcvt.f32.s32 v3;
	[tilespmem:s5+$0x600] =	vst v5  }
0x74: {  	vm0 =	vlt.f32 v11, v3;
	v2 =	vcvt.f32.s32 v13;
	vm1 =	vlt.f32 v14, v13;
	[tilespmem:s5+$0x700] =	vst v7  }
0x75: {  	v3 =	vsel vm0, $0xFFFFFFFF, v0;
	vm0 =	vlt.f32 v12, v9;
	v5 =	vsel vm1, $0xFFFFFFFF, v0;
	[tilespmem:s5+$0x800] =	vst v4  }
0x76: {  	v4 =	vadd.s32 v8, v3;
	v3 =	vadd.s32 v2, v5;
	v2 =	vsel vm0, $0xFFFFFFFF, v0;
	[tilespmem:s5+$0x900] =	vst v15  }
0x77: {  	v2 =	vadd.s32 v16, v2;
	v5 =	vcvt.s32.f32 v4;
	v7 =	vcvt.s32.f32 v3;
	[tilespmem:s5+$0xA00] =	vst v6  }
0x78: {  	v8 =	vshll.u32 v4, $0x2;
	v9 =	vshll.u32 v4, $0x4;
	v6 =	vcvt.s32.f32 v2;
	[tilespmem:s5+$0x300] =	vst v10  }
0x79: {  	v11 =	vsub.f32 v11, v5;
	v13 =	vsub.f32 v14, v7;
	v5 =	vshll.u32 v3, $0x1;
	[tilespmem:s5+$0x400] =	vst v17;
	s5 =	smov.u32 s6  }
0x7a: {  	v14 =	vand.u32 $0x4, v8;
	v12 =	vsub.f32 v12, v6;
	v6 =	vshll.u32 v3, $0x3  }
0x7b: {  	v15 =	vand.u32 $0x20, v9;
	v16 =	vsub.f32 $0.0e+00, v11;
	v17 =	vsub.f32 $0.0e+00, v13  }
0x7c: {  	v18 =	vshll.u32 v4, $0x6;
	v19 =	vand.u32 $0x2, v5;
	v20 =	vand.u32 $0x10, v6  }
0x7d: {  	v21 =	vshll.u32 v3, $0x5;
	v9 =	vsub.f32 $0.0e+00, v12;
	v10 =	vmul.f32 v17, v16  }
0x7e: {  	v22 =	vshll.u32 v2, $0x2;
	v7 =	vadd.s32 $0x1, v4;
	v8 =	vadd.s32 $0x1, v3  }
0x7f: {  	v5 =	vadd.s32 $0x1, v2;
	v6 =	vor.u32 v7, v8;
	v23 =	vmul.f32 v9, v10  }
0x80: {  	v24 =	vshll.u32 v7, $0x2;
	v25 =	vshll.u32 v7, $0x4;
	v26 =	vor.u32 v5, v6  }
0x81: {  	v27 =	vshll.u32 v8, $0x1;
	vm0 =	vlt.u32 v26, $0x40;
	v23 =	vand.u32 $0x7FFFFFFF, v23  }
0x82: {  	v24 =	vand.u32 $0x4, v24;
	v26 =	vshll.u32 v8, $0x3;
	v23 =	vnsel vm0, $0x0, v23  }
0x83: {  	v25 =	vand.u32 $0x20, v25;
	v27 =	vand.u32 $0x2, v27;
	v26 =	vand.u32 $0x10, v26;
	[tilespmem:s5+$0x1200] =	vst v23  }
0x84: {  	v28 =	vshll.u32 v8, $0x5;
	v29 =	vshll.u32 v5, $0x2;
	v23 =	vshll.u32 v7, $0x6  }
0x85: {  	v11 =	vsub.f32 $1.000000000e+00, v11;
	v13 =	vsub.f32 $1.000000000e+00, v13;
	v24 =	vor.u32 v25, v24  }
0x86: {  	v14 =	vor.u32 v15, v14;
	v15 =	vand.u32 $0x100, v23;
	v23 =	vor.u32 v26, v27  }
0x87: {  	v19 =	vor.u32 v20, v19;
	v20 =	vand.u32 $0x80, v28;
	v25 =	vand.u32 $0x8, v29  }
0x88: {  	v18 =	vand.u32 $0x100, v18;
	v21 =	vand.u32 $0x80, v21;
	v26 =	vshll.u32 v7, $0x8  }
0x89: {  	v22 =	vand.u32 $0x8, v22;
	v28 =	vand.u32 $0x1, v5;
	v27 =	vshll.u32 v8, $0x7  }
0x8a: {  	v30 =	vshll.u32 v3, $0x7;
	v31 =	vshll.u32 v5, $0x4;
	v29 =	vshll.u32 v4, $0x8  }
0x8b: {  	v32 =	vshll.u32 v2, $0x4;
	v15 =	vor.u32 v15, v24;
	v24 =	vand.u32 $0x1, v2  }
0x8c: {  	v14 =	vor.u32 v18, v14;
	v18 =	vor.u32 v21, v19;
	v19 =	vor.u32 v20, v23  }
0x8d: {  	v20 =	vand.u32 $0x800, v26;
	v21 =	vand.u32 $0x400, v27;
	v23 =	vor.u32 v28, v25  }
0x8e: {  	v25 =	vand.u32 $0x800, v29;
	v22 =	vor.u32 v24, v22;
	v24 =	vand.u32 $0x40, v31  }
0x8f: {  	v26 =	vshll.u32 v7, $0xA;
	v27 =	vand.u32 $0x400, v30;
	v28 =	vshll.u32 v8, $0x9  }
0x90: {  	v29 =	vshll.u32 v4, $0xA;
	v30 =	vand.u32 $0x40, v32;
	v31 =	vshll.u32 v5, $0x6  }
0x91: {  	v33 =	vshll.u32 v2, $0x6;
	v34 =	vmul.f32 v13, v11;
	v32 =	vshll.u32 v3, $0x9  }
0x92: {  	v11 =	vmul.f32 v17, v11;
	v13 =	vmul.f32 v13, v16;
	v15 =	vor.u32 v20, v15  }
0x93: {  	v14 =	vor.u32 v25, v14;
	v16 =	vor.u32 v27, v18;
	v17 =	vor.u32 v21, v19  }
0x94: {  	v12 =	vsub.f32 $1.000000000e+00, v12;
	v18 =	vor.u32 v30, v22;
	v19 =	vor.u32 v24, v23  }
0x95: {  	v20 =	vand.u32 $0x4000, v26;
	v21 =	vand.u32 $0x2000, v28;
	v22 =	vand.u32 $0x200, v31  }
0x96: {  	v25 =	vand.u32 $0x2000, v32;
	v23 =	vand.u32 $0x4000, v29;
	v24 =	vshll.u32 v7, $0xC  }
0x97: {  	v26 =	vshll.u32 v8, $0xB;
	v27 =	vand.u32 $0x200, v33;
	v28 =	vshll.u32 v5, $0x8  }
0x98: {  	v29 =	vshll.u32 v4, $0xC;
	v30 =	vshll.u32 v3, $0xB;
	v31 =	vshll.u32 v2, $0x8  }
0x99: {  	v15 =	vor.u32 v20, v15;
	v17 =	vor.u32 v21, v17;
	v14 =	vor.u32 v23, v14  }
0x9a: {  	v16 =	vor.u32 v25, v16;
	v18 =	vor.u32 v27, v18;
	v19 =	vor.u32 v22, v19  }
0x9b: {  	v21 =	vand.u32 $0x10000, v26;
	v20 =	vand.u32 $0x20000, v24;
	v22 =	vand.u32 $0x1000, v28  }
0x9c: {  	v23 =	vand.u32 $0x20000, v29;
	v24 =	vand.u32 $0x10000, v30;
	v25 =	vand.u32 $0x1000, v31  }
0x9d: {  	v26 =	vshll.u32 v2, $0xA;
	v27 =	vshll.u32 v5, $0xA;
	v28 =	vmul.f32 v12, v34  }
0x9e: {  	v29 =	vmul.f32 v9, v34;
	v30 =	vmul.f32 v12, v11;
	v15 =	vor.u32 v20, v15  }
0x9f: {  	v32 =	vmul.f32 v12, v13;
	v17 =	vor.u32 v21, v17;
	v31 =	vmul.f32 v9, v11  }
0xa0: {  	v10 =	vmul.f32 v12, v10;
	v9 =	vmul.f32 v9, v13;
	v11 =	vor.u32 v23, v14  }
0xa1: {  	v12 =	vor.u32 v24, v16;
	v13 =	vor.u32 v25, v18;
	v14 =	vor.u32 v22, v19  }
0xa2: {  	v8 =	vor.u32 v4, v8;
	v16 =	vand.u32 $0x8000, v26;
	v18 =	vand.u32 $0x8000, v27  }
0xa3: {  	v4 =	vor.u32 v4, v3;
	v3 =	vor.u32 v3, v7;
	v25 =	vor.u32 v11, v17  }
0xa4: {  	v27 =	vor.u32 v18, v14;
	v26 =	vor.u32 v12, v15;
	v33 =	vor.u32 v15, v17  }
0xa5: {  	v34 =	vor.u32 v16, v13;
	v35 =	vor.u32 v11, v12;
	v16 =	vor.u32 v2, v8  }
0xa6: {  	v19 =	vor.u32 v2, v3;
	v18 =	vor.u32 v5, v8;
	v15 =	vor.u32 v3, v5  }
0xa7: {  	v21 =	vor.u32 v2, v6;
	v20 =	vor.u32 v2, v4;
	v13 =	vor.u32 v4, v5  }
.Ltmp0:
0xa8: {  	v22 =	vand.u32 $0x7FFFFFFF, v28;
	v11 =	vand.u32 $0x7FFFFFFF, v29;
	v23 =	vand.u32 $0x7FFFFFFF, v30;
	(pc) =	sbr.rel @p0 .LBB2_3-.Ltmp0, $4  }
0xa9: {  	s6 =	sshra.s32 s8, $0x2;
	v17 =	vand.u32 $0x7FFFFFFF, v31;
	v12 =	vand.u32 $0x7FFFFFFF, v32;
	v9 =	vand.u32 $0x7FFFFFFF, v9  }
0xaa: {  	v14 =	vand.u32 $0x7FFFFFFF, v10;
	v8 =	vor.u32 v34, v25;
	v5 =	vor.u32 v27, v25;
	v24 =	vld [tilespmem:s6+$0x200]  }
0xab: {  	v7 =	vor.u32 v34, v26;
	v4 =	vor.u32 v26, v27;
	v3 =	vor.u32 v34, v33;
	v25 =	vld [tilespmem:s6+$0x0]  }
0xac: {  	s8 =	sadd.s32 $0x40, s8;
	v10 =	vor.u32 v34, v35;
	v2 =	vor.u32 v35, v27;
	v6 =	vor.u32 v27, v33;
	v26 =	vld [tilespmem:s6+$0x100]  }
0xad: {  	vm3 =	vlt.u32 v16, $0x40  }
0xae: {  	vm4 =	vlt.u32 v18, $0x40;
	vm5 =	vlt.u32 v19, $0x40;
	vm2 =	vlt.u32 v20, $0x40  }
0xaf: {  	vm6 =	vlt.u32 v15, $0x40;
	vm7 =	vlt.u32 v21, $0x40;
	vm1 =	vlt.u32 v13, $0x40  }
0xb0: {  	v18 =	vnsel vm2, $0x0, v22;
	v16 =	vnsel vm3, $0x0, v23;
	v19 =	vnsel vm1, $0x0, v11  }
0xb1: {  	v17 =	vnsel vm4, $0x0, v17;
	v13 =	vadd.f32 $1.000000000e+00, v24;
	v11 =	vadd.f32 $1.000000000e+00, v25  }
0xb2: {  	v15 =	vnsel vm5, $0x0, v12;
	v7 =	vnsel vm5, $0x40000, v7;
	v37 =	vadd.f32 $1.000000000e+00, v26  }
0xb3: {  	v10 =	vnsel vm2, $0x40000, v10;
	v12 =	vmul.f32 $3.200000000e+01, v13;
	v38 =	vmul.f32 $3.200000000e+01, v11  }
0xb4: {  	v13 =	vnsel vm6, $0x0, v9;
	v9 =	vnsel vm3, $0x40000, v8;
	v20 =	vmul.f32 $3.200000000e+01, v37  }
0xb5: {  	v8 =	vnsel vm4, $0x40000, v5;
	v39 =	vadd.f32 $-5.000000000e-01, v12;
	v21 =	vadd.f32 $-5.000000000e-01, v38  }
0xb6: {  	v5 =	vnsel vm6, $0x40000, v4;
	v4 =	vnsel vm7, $0x40000, v3;
	v20 =	vadd.f32 $-5.000000000e-01, v20  }
0xb7: {  	v11 =	vnsel vm7, $0x0, v14;
	v12 =	vtrunc.f32 v39;
	v14 =	vtrunc.f32 v21  }
0xb8: {  	v3 =	vnsel vm0, $0x40000, v6;
	v41 =	vcvt.f32.s32 v12;
	v40 =	vtrunc.f32 v20  }
0xb9: {  	v6 =	vcvt.f32.s32 v14;
	vm0 =	vlt.f32 v21, v14;
	v42 =	vcvt.f32.s32 v40  }
0xba: {  	vm3 =	vlt.f32 v20, v40;
	v14 =	vsel vm0, $0xFFFFFFFF, v0;
	vm0 =	vlt.f32 v39, v12  }
0xbb: {  	v23 =	vsel vm3, $0xFFFFFFFF, v0;
	v14 =	vadd.s32 v6, v14;
	v6 =	vsel vm0, $0xFFFFFFFF, v0  }
0xbc: {  	v2 =	vnsel vm1, $0x40000, v2;
	v12 =	vadd.s32 v42, v23;
	v6 =	vadd.s32 v41, v6  }
0xbd: {  	v43 =	vcvt.s32.f32 v14;
	v46 =	vshll.u32 v14, $0x2;
	v27 =	vshll.u32 v14, $0x4  }
0xbe: {  	v30 =	vshll.u32 v14, $0x6;
	v22 =	vadd.s32 $0x1, v14;
	v58 =	vshll.u32 v14, $0x8  }
0xbf: {  	v63 =	vshll.u32 v14, $0xA;
	v44 =	vcvt.s32.f32 v12;
	v45 =	vcvt.s32.f32 v6  }
0xc0: {  	v47 =	vshll.u32 v12, $0x1;
	v26 =	vand.u32 $0x4, v46;
	v48 =	vshll.u32 v12, $0x3  }
0xc1: {  	v27 =	vand.u32 $0x20, v27;
	v33 =	vadd.s32 $0x1, v12;
	v34 =	vshll.u32 v12, $0x5  }
0xc2: {  	v35 =	vshll.u32 v22, $0x2;
	v36 =	vshll.u32 v22, $0x4;
	v50 =	vshll.u32 v22, $0x6  }
0xc3: {  	v51 =	vshll.u32 v6, $0x2;
	v30 =	vand.u32 $0x100, v30;
	v55 =	vand.u32 $0x1, v6  }
0xc4: {  	v57 =	vshll.u32 v22, $0x8;
	v59 =	vshll.u32 v12, $0x7;
	v61 =	vshll.u32 v6, $0x4  }
0xc5: {  	[tilespmem:s5+$0x1000] =	vst v13;
	v40 =	vshll.u32 v22, $0xA;
	v42 =	vshll.u32 v12, $0x9;
	v13 =	vshll.u32 v6, $0xA  }
0xc6: {  	v23 =	vsub.f32 v21, v43;
	v31 =	vand.u32 $0x2, v47;
	v32 =	vand.u32 $0x10, v48  }
0xc7: {  	v21 =	vadd.s32 $0x1, v6;
	v38 =	vshll.u32 v33, $0x1;
	v35 =	vand.u32 $0x4, v35  }
0xc8: {  	v36 =	vand.u32 $0x20, v36;
	v49 =	vshll.u32 v33, $0x3;
	v26 =	vor.u32 v27, v26  }
0xc9: {  	v27 =	vand.u32 $0x100, v50;
	v52 =	vshll.u32 v33, $0x5;
	v34 =	vand.u32 $0x80, v34  }
0xca: {  	v60 =	vshll.u32 v33, $0x7;
	v41 =	vshll.u32 v33, $0x9;
	v46 =	vshll.u32 v33, $0xB  }
0xcb: {  	v50 =	vshll.u32 v12, $0xB;
	v13 =	vand.u32 $0x8000, v13;
	v24 =	vsub.f32 v20, v44  }
0xcc: {  	v25 =	vsub.f32 v39, v45;
	v20 =	vor.u32 v22, v33;
	v35 =	vor.u32 v36, v35  }
0xcd: {  	v38 =	vand.u32 $0x2, v38;
	v31 =	vor.u32 v32, v31;
	v26 =	vor.u32 v30, v26  }
0xce: {  	v53 =	vshll.u32 v21, $0x2;
	v32 =	vand.u32 $0x8, v51;
	v54 =	vand.u32 $0x1, v21  }
0xcf: {  	v62 =	vshll.u32 v21, $0x4;
	v43 =	vshll.u32 v21, $0x6;
	v44 =	vshll.u32 v6, $0x6  }
0xd0: {  	v45 =	vshll.u32 v22, $0xC;
	v48 =	vshll.u32 v21, $0x8;
	v51 =	vshll.u32 v6, $0x8  }
0xd1: {  	[tilespmem:s5+$0x500] =	vst v9;
	v9 =	vshll.u32 v21, $0xA;
	v28 =	vsub.f32 $0.0e+00, v23;
	v37 =	vor.u32 v21, v20  }
0xd2: {  	v27 =	vor.u32 v27, v35;
	v35 =	vand.u32 $0x80, v52;
	v30 =	vand.u32 $0x8, v53  }
0xd3: {  	[tilespmem:s5+$0xB00] =	vst v18;
	v31 =	vor.u32 v34, v31;
	v32 =	vor.u32 v55, v32;
	v23 =	vsub.f32 $1.000000000e+00, v23  }
0xd4: {  	[tilespmem:s5+$0xE00] =	vst v17;
	v18 =	vand.u32 $0x20000, v45;
	v52 =	vand.u32 $0x10000, v46;
	v53 =	vand.u32 $0x10000, v50  }
0xd5: {  	[tilespmem:s5+$0x800] =	vst v5;
	v17 =	vand.u32 $0x1000, v51;
	v5 =	vand.u32 $0x8000, v9;
	v9 =	vor.u32 v14, v33  }
0xd6: {  	[tilespmem:s5+$0x400] =	vst v2;
	v2 =	vor.u32 v6, v20;
	v29 =	vsub.f32 $0.0e+00, v24;
	vm0 =	vlt.u32 v37, $0x40  }
0xd7: {  	v36 =	vsub.f32 $0.0e+00, v25;
	v37 =	vand.u32 $0x10, v49;
	v30 =	vor.u32 v54, v30  }
0xd8: {  	v24 =	vsub.f32 $1.000000000e+00, v24;
	v25 =	vsub.f32 $1.000000000e+00, v25;
	v49 =	vshll.u32 v14, $0xC  }
0xd9: {  	[tilespmem:s5+$0xA00] =	vst v3;
	v14 =	vor.u32 v14, v12;
	v12 =	vor.u32 v12, v22;
	v3 =	vor.u32 v6, v9  }
0xda: {  	[tilespmem:s5+$0xF00] =	vst v15;
	v9 =	vor.u32 v21, v9;
	vm15 =	vlt.u32 v2, $0x40;
	v37 =	vor.u32 v37, v38  }
0xdb: {  	[tilespmem:s5+$0x300] =	vst v10;
	v15 =	vand.u32 $0x20000, v49;
	v10 =	vor.u32 v12, v21;
	vm3 =	vlt.u32 v3, $0x40  }
0xdc: {  	vm12 =	vlt.u32 v9, $0x40;
	v38 =	vmul.f32 v29, v28;
	v35 =	vor.u32 v35, v37  }
0xdd: {  	v37 =	vand.u32 $0x800, v57;
	v29 =	vmul.f32 v29, v23;
	v23 =	vmul.f32 v24, v23  }
0xde: {  	v24 =	vmul.f32 v24, v28;
	v28 =	vand.u32 $0x400, v59;
	vm14 =	vlt.u32 v10, $0x40  }
0xdf: {  	v27 =	vor.u32 v37, v27;
	v37 =	vand.u32 $0x800, v58;
	v28 =	vor.u32 v28, v31  }
0xe0: {  	v31 =	vand.u32 $0x40, v61;
	v56 =	vmul.f32 v36, v38;
	v26 =	vor.u32 v37, v26  }
0xe1: {  	[tilespmem:s5+$0x1100] =	vst v11;
	v37 =	vand.u32 $0x400, v60;
	v55 =	vmul.f32 v25, v23;
	v11 =	vmul.f32 v36, v23  }
0xe2: {  	v31 =	vor.u32 v31, v32;
	v57 =	vmul.f32 v36, v29;
	v58 =	vmul.f32 v36, v24  }
0xe3: {  	[tilespmem:s5+$0x600] =	vst v8;
	v32 =	vand.u32 $0x4000, v63;
	v8 =	vmul.f32 v25, v24;
	v59 =	vmul.f32 v25, v38  }
0xe4: {  	v35 =	vor.u32 v37, v35;
	v37 =	vand.u32 $0x40, v62;
	v26 =	vor.u32 v32, v26  }
0xe5: {  	v32 =	vand.u32 $0x2000, v41;
	v34 =	vand.u32 $0x7FFFFFFF, v56;
	v30 =	vor.u32 v37, v30  }
0xe6: {  	v37 =	vand.u32 $0x4000, v40;
	v32 =	vor.u32 v32, v35;
	v35 =	vand.u32 $0x200, v43  }
0xe7: {  	v15 =	vor.u32 v15, v26;
	v27 =	vor.u32 v37, v27;
	v37 =	vand.u32 $0x2000, v42  }
0xe8: {  	v56 =	vmul.f32 v25, v29;
	v28 =	vor.u32 v37, v28;
	v37 =	vand.u32 $0x200, v44  }
0xe9: {  	[tilespmem:s5+$0xC00] =	vst v19;
	v11 =	vand.u32 $0x7FFFFFFF, v11;
	v34 =	vnsel vm0, $0x0, v34;
	v31 =	vor.u32 v37, v31  }
0xea: {  	[tilespmem:s5+$0x700] =	vst v7;
	v47 =	vor.u32 v35, v30;
	v30 =	vand.u32 $0x1000, v48;
	v7 =	vor.u32 v17, v31  }
0xeb: {  	[tilespmem:s5+$0xD00] =	vst v16;
	v7 =	vor.u32 v13, v7;
	v13 =	vor.u32 v6, v12;
	v12 =	vor.u32 v6, v14  }
0xec: {  	[tilespmem:s5+$0x900] =	vst v4;
	v14 =	vor.u32 v14, v21;
	v6 =	vand.u32 $0x7FFFFFFF, v55;
	vm1 =	vlt.u32 v12, $0x40  }
0xed: {  	v54 =	vor.u32 v52, v32;
	[tilespmem:s6+$0x1200] =	vst v34;
	vm2 =	vlt.u32 v14, $0x40;
	v6 =	vnsel vm1, $0x0, v6  }
0xee: {  	v18 =	vor.u32 v18, v27;
	v12 =	vand.u32 $0x7FFFFFFF, v56;
	v3 =	vnsel vm2, $0x0, v11;
	[tilespmem:s6+$0xB00] =	vst v6  }
0xef: {  	v60 =	vor.u32 v30, v47;
	v9 =	vnsel vm3, $0x0, v12;
	v6 =	vand.u32 $0x7FFFFFFF, v57;
	[tilespmem:s6+$0xC00] =	vst v3  }
0xf0: {  	vm13 =	vlt.u32 v13, $0x40;
	v3 =	vand.u32 $0x7FFFFFFF, v8;
	[tilespmem:s6+$0xD00] =	vst v9;
	v6 =	vnsel vm12, $0x0, v6  }
0xf1: {  	v4 =	vor.u32 v15, v54;
	v8 =	vand.u32 $0x7FFFFFFF, v58;
	v3 =	vnsel vm13, $0x0, v3;
	[tilespmem:s6+$0xE00] =	vst v6  }
0xf2: {  	v16 =	vor.u32 v53, v28;
	v2 =	vnsel vm14, $0x0, v8;
	v6 =	vand.u32 $0x7FFFFFFF, v59;
	[tilespmem:s6+$0xF00] =	vst v3  }
0xf3: {  	v3 =	vor.u32 v5, v60;
	v5 =	vor.u32 v7, v4;
	[tilespmem:s6+$0x1000] =	vst v2;
	v6 =	vnsel vm15, $0x0, v6  }
0xf4: {  	v2 =	vor.u32 v16, v18;
	v4 =	vor.u32 v3, v4;
	v5 =	vnsel vm3, $0x40000, v5;
	[tilespmem:s6+$0x1100] =	vst v6  }
0xf5: {  	v6 =	vor.u32 v7, v2;
	v4 =	vnsel vm12, $0x40000, v4;
	[tilespmem:s6+$0x500] =	vst v5  }
0xf6: {  	v5 =	vor.u32 v18, v54;
	v2 =	vor.u32 v2, v3;
	v6 =	vnsel vm13, $0x40000, v6;
	[tilespmem:s6+$0x600] =	vst v4  }
0xf7: {  	v4 =	vor.u32 v7, v5;
	v2 =	vnsel vm14, $0x40000, v2;
	[tilespmem:s6+$0x700] =	vst v6  }
0xf8: {  	v5 =	vor.u32 v3, v5;
	v6 =	vor.u32 v15, v16;
	v4 =	vnsel vm15, $0x40000, v4;
	[tilespmem:s6+$0x800] =	vst v2  }
0xf9: {  	v5 =	vnsel vm0, $0x40000, v5;
	v2 =	vor.u32 v7, v6;
	[tilespmem:s6+$0x900] =	vst v4  }
0xfa: {  	v3 =	vor.u32 v6, v3;
	[tilespmem:s6+$0xA00] =	vst v5;
	v2 =	vnsel vm1, $0x40000, v2  }
0xfb: {  	v3 =	vnsel vm2, $0x40000, v3;
	[tilespmem:s6+$0x300] =	vst v2  }
0xfc: {  	s9 =	simm.s32 $0x300;
	[tilespmem:s6+$0x400] =	vst v3  }
0xfd: {  	[tilespmem:s18], [sflag:$0x1] =	stream.indirect.gather [hbm4b:s7+s14], $0x1, s9, s14, $0xb8;
	[tilespmem:$0x13C20] =	vst v63  }
0xfe: {  	s16 =	simm.s32 $0x380;
	s18 =	simm.s32 $0x1390  }
0xff: {  	[tilespmem:s18], [sflag:$0x1] =	stream.indirect.gather [hbm4b:s7+s14], $0x1, s16, s14, $0xb8;
	[tilespmem:$0x13C20] =	vst v63  }
0x100: {  	s8 =	simm.s32 $0x400  }
0x101: {  	[tilespmem:s20], [sflag:$0x1] =	stream.indirect.gather [hbm4b:s7+s14], $0x1, s8, s14, $0xb8;
	[tilespmem:$0x13C20] =	vst v63  }
0x102: {  	s9 =	simm.s32 $0x480  }
0x103: {  	[tilespmem:s22], [sflag:$0x1] =	stream.indirect.gather [hbm4b:s7+s14], $0x1, s9, s14, $0xb8;
	[tilespmem:$0x13C20] =	vst v63  }
0x104: {  	s16 =	simm.s32 $0x500  }
0x105: {  	[tilespmem:s24], [sflag:$0x1] =	stream.indirect.gather [hbm4b:s7+s14], $0x1, s16, s14, $0xb8;
	[tilespmem:$0x13C20] =	vst v63  }
0x106: {  	s18 =	simm.s32 $0x580  }
0x107: {  	[tilespmem:s26], [sflag:$0x1] =	stream.indirect.gather [hbm4b:s7+s14], $0x1, s18, s14, $0xb8;
	[tilespmem:$0x13C20] =	vst v63  }
0x108: {  	s6 =	simm.s32 $0x600  }
0x109: {  	[tilespmem:s29], [sflag:$0x1] =	stream.indirect.gather [hbm4b:s7+s14], $0x1, s6, s14, $0xb8;
	[tilespmem:$0x13C20] =	vst v63  }
0x10a: {  	s8 =	simm.s32 $0x680  }
0x10b: {  	[tilespmem:s31], [sflag:$0x1] =	stream.indirect.gather [hbm4b:s7+s14], $0x1, s8, s14, $0xb8;
	[tilespmem:$0x13C20] =	vst v63  }
0x10c: {  	s9 =	simm.s32 $0x700  }
0x10d: {  	[tilespmem:s3], [sflag:$0x1] =	stream.indirect.gather [hbm4b:s7+s14], $0x1, s9, s14, $0xb8;
	[tilespmem:$0x13C20] =	vst v63  }
0x10e: {  	s16 =	simm.s32 $0x780  }
0x10f: {  	[tilespmem:s2], [sflag:$0x1] =	stream.indirect.gather [hbm4b:s7+s14], $0x1, s16, s14, $0xb8;
	[tilespmem:$0x13C20] =	vst v63  }
0x110: {  	s18 =	simm.s32 $0x800  }
0x111: {  	[tilespmem:s13], [sflag:$0x1] =	stream.indirect.gather [hbm4b:s7+s14], $0x1, s18, s14, $0xb8;
	[tilespmem:$0x13C20] =	vst v63  }
0x112: {  	s6 =	simm.s32 $0x880  }
0x113: {  	[tilespmem:s17], [sflag:$0x1] =	stream.indirect.gather [hbm4b:s7+s14], $0x1, s6, s14, $0xb8;
	[tilespmem:$0x13C20] =	vst v63  }
0x114: {  	s8 =	simm.s32 $0x900  }
0x115: {  	[tilespmem:s21], [sflag:$0x1] =	stream.indirect.gather [hbm4b:s7+s14], $0x1, s8, s14, $0xb8;
	[tilespmem:$0x13C20] =	vst v63  }
0x116: {  	s9 =	simm.s32 $0x980  }
0x117: {  	[tilespmem:s25], [sflag:$0x1] =	stream.indirect.gather [hbm4b:s7+s14], $0x1, s9, s14, $0xb8;
	[tilespmem:$0x13C20] =	vst v63  }
0x118: {  	s16 =	simm.s32 $0xA00  }
0x119: {  	[tilespmem:s30], [sflag:$0x1] =	stream.indirect.gather [hbm4b:s7+s14], $0x1, s16, s14, $0xb8;
	[tilespmem:$0x13C20] =	vst v63  }
0x11a: {  	s18 =	simm.s32 $0xA80  }
0x11b: {  	[tilespmem:s10], [sflag:$0x1] =	stream.indirect.gather [hbm4b:s7+s14], $0x1, s18, s14, $0xb8;
	[tilespmem:$0x13C20] =	vst v63  }
0x11c: {  	_ =	swait.ge [sflag:s12], $0x80  }
0x11d: {  	[sflag:s12] =	ssyncset.done $0x0  }
0x11e: {  	[sflag:s12] =	ssyncadd.s32 $0xFFFFFF80  }
0x11f: {  	_ =	swait.ge [sflag:s12], $0x80  }
0x120: {  	[sflag:s12] =	ssyncset.done $0x0  }
0x121: {  	[sflag:s12] =	ssyncadd.s32 $0xFFFFFF80  }
0x122: {  	_ =	swait.ge [sflag:s12], $0x80  }
0x123: {  	[sflag:s12] =	ssyncset.done $0x0  }
0x124: {  	[sflag:s12] =	ssyncadd.s32 $0xFFFFFF80  }
0x125: {  	_ =	swait.ge [sflag:s12], $0x80  }
0x126: {  	[sflag:s12] =	ssyncset.done $0x0  }
0x127: {  	[sflag:s12] =	ssyncadd.s32 $0xFFFFFF80  }
0x128: {  	_ =	swait.ge [sflag:s12], $0x80  }
0x129: {  	[sflag:s12] =	ssyncset.done $0x0  }
0x12a: {  	[sflag:s12] =	ssyncadd.s32 $0xFFFFFF80  }
0x12b: {  	_ =	swait.ge [sflag:s12], $0x80  }
0x12c: {  	[sflag:s12] =	ssyncset.done $0x0  }
0x12d: {  	[sflag:s12] =	ssyncadd.s32 $0xFFFFFF80  }
0x12e: {  	_ =	swait.ge [sflag:s12], $0x80  }
0x12f: {  	[sflag:s12] =	ssyncset.done $0x0  }
0x130: {  	[sflag:s12] =	ssyncadd.s32 $0xFFFFFF80  }
0x131: {  	_ =	swait.ge [sflag:s12], $0x80  }
0x132: {  	[sflag:s12] =	ssyncset.done $0x0  }
0x133: {  	[sflag:s12] =	ssyncadd.s32 $0xFFFFFF80  }
0x134: {  	_ =	swait.ge [sflag:s12], $0x80  }
0x135: {  	[sflag:s12] =	ssyncset.done $0x0  }
0x136: {  	[sflag:s12] =	ssyncadd.s32 $0xFFFFFF80  }
0x137: {  	_ =	swait.ge [sflag:s12], $0x80  }
0x138: {  	[sflag:s12] =	ssyncset.done $0x0  }
0x139: {  	[sflag:s12] =	ssyncadd.s32 $0xFFFFFF80  }
0x13a: {  	_ =	swait.ge [sflag:s12], $0x80  }
0x13b: {  	[sflag:s12] =	ssyncset.done $0x0  }
0x13c: {  	[sflag:s12] =	ssyncadd.s32 $0xFFFFFF80  }
0x13d: {  	_ =	swait.ge [sflag:s12], $0x80  }
0x13e: {  	[sflag:s12] =	ssyncset.done $0x0  }
0x13f: {  	[sflag:s12] =	ssyncadd.s32 $0xFFFFFF80  }
0x140: {  	_ =	swait.ge [sflag:s12], $0x80  }
0x141: {  	[sflag:s12] =	ssyncset.done $0x0  }
0x142: {  	[sflag:s12] =	ssyncadd.s32 $0xFFFFFF80  }
0x143: {  	_ =	swait.ge [sflag:s12], $0x80  }
0x144: {  	[sflag:s12] =	ssyncset.done $0x0  }
0x145: {  	[sflag:s12] =	ssyncadd.s32 $0xFFFFFF80  }
0x146: {  	_ =	swait.ge [sflag:s12], $0x80  }
0x147: {  	[sflag:s12] =	ssyncset.done $0x0  }
0x148: {  	[sflag:s12] =	ssyncadd.s32 $0xFFFFFF80  }
0x149: {  	_ =	swait.ge [sflag:s12], $0x80  }
0x14a: {  	[sflag:s12] =	ssyncset.done $0x0  }
0x14b: {  	s5 =	simm.s32 $0x0;
	[sflag:s12] =	ssyncadd.s32 $0xFFFFFF80  }
0x14c: {  	v4 =	vld [tilespmem:s5+$0x1A10]  }
0x14d: {  	v7 =	vld [tilespmem:s5+$0x1710]  }
0x14e: {  	v3 =	vld [tilespmem:s5+$0x1610]  }
0x14f: {  	v2 =	vld [tilespmem:s5+$0x1510]  }
0x150: {  	v8 =	vld [tilespmem:s5+$0x1410]  }
0x151: {  	v9 =	vld [tilespmem:s5+$0x1310]  }
0x152: {  	v10 =	vld [tilespmem:s5+$0xB00]  }
0x153: {  	v11 =	vld [tilespmem:s5+$0xC00]  }
0x154: {  	v12 =	vld [tilespmem:s5+$0xD00]  }
0x155: {  	v13 =	vld [tilespmem:s5+$0xE00]  }
0x156: {  	vm0 =	veq.s32 v9, $0x30D40;
	v9 =	vld [tilespmem:s5+$0xF00]  }
0x157: {  	v5 =	vld [tilespmem:s5+$0x1910];
	v10 =	vsel vm0, $0x0, v10;
	vm0 =	veq.s32 v8, $0x30D40  }
0x158: {  	v6 =	vld [tilespmem:s5+$0x1810];
	v8 =	vsel vm0, $0x0, v11;
	vm0 =	veq.s32 v2, $0x30D40  }
0x159: {  	v14 =	vld [tilespmem:s5+$0x1000];
	v12 =	vsel vm0, $0x0, v12;
	vm0 =	veq.s32 v3, $0x30D40  }
0x15a: {  	[tilespmem:s5+$0xB00] =	vst v10;
	v11 =	vld [tilespmem:s5+$0x1100];
	v13 =	vsel vm0, $0x0, v13;
	vm0 =	veq.s32 v7, $0x30D40  }
0x15b: {  	s6 =	simm.s32 $0x10;
	v15 =	vld [tilespmem:s5+$0x1200];
	[tilespmem:s5+$0xC00] =	vst v8;
	v7 =	vsel vm0, $0x0, v9;
	v9 =	vadd.f32 $0.0e+00, v10  }
0x15c: {  	v2 =	vld [tilespmem:s6+$0x1A10];
	[tilespmem:s5+$0xD00] =	vst v12  }
0x15d: {  	v3 =	vld [tilespmem:s6+$0x1910];
	[tilespmem:s5+$0xE00] =	vst v13;
	vm0 =	veq.s32 v6, $0x30D40;
	v8 =	vadd.f32 v8, v9  }
0x15e: {  	v61 =	vld [tilespmem:s6+$0x1810];
	[tilespmem:s5+$0xF00] =	vst v7;
	v6 =	vsel vm0, $0x0, v14;
	vm0 =	veq.s32 v5, $0x30D40  }
0x15f: {  	v14 =	vld [tilespmem:s6+$0x1710];
	[tilespmem:s5+$0x1000] =	vst v6;
	v5 =	vsel vm0, $0x0, v11;
	vm0 =	veq.s32 v4, $0x30D40;
	v8 =	vadd.f32 v12, v8  }
0x160: {  	v62 =	vld [tilespmem:s6+$0x1610];
	[tilespmem:s5+$0x1100] =	vst v5;
	v4 =	vsel vm0, $0x0, v15  }
0x161: {  	v11 =	vld [tilespmem:s6+$0x1510];
	[tilespmem:s5+$0x1200] =	vst v4;
	v8 =	vadd.f32 v13, v8  }
0x162: {  	v9 =	vld [tilespmem:s6+$0x1410]  }
0x163: {  	v10 =	vld [tilespmem:s6+$0x1310];
	v7 =	vadd.f32 v7, v8  }
0x164: {  	v12 =	vld [tilespmem:s6+$0xB00]  }
0x165: {  	v13 =	vld [tilespmem:s6+$0xC00];
	v6 =	vadd.f32 v6, v7  }
0x166: {  	v15 =	vld [tilespmem:s6+$0xD00]  }
0x167: {  	v8 =	vld [tilespmem:s6+$0xE00];
	v5 =	vadd.f32 v5, v6  }
0x168: {  	v63 =	vld [tilespmem:s6+$0xF00];
	vm0 =	veq.s32 v10, $0x30D40  }
0x169: {  	v7 =	vld [tilespmem:s6+$0x1000];
	v12 =	vsel vm0, $0x0, v12;
	vm0 =	veq.s32 v9, $0x30D40;
	v5 =	vadd.f32 v4, v5  }
0x16a: {  	v10 =	vld [tilespmem:s6+$0x1100];
	[tilespmem:s6+$0xB00] =	vst v12;
	v6 =	vsel vm0, $0x0, v13;
	vm0 =	veq.s32 v11, $0x30D40;
	v12 =	vadd.f32 $0.0e+00, v12  }
0x16b: {  	s8 =	simm.s32 $0x20;
	v11 =	vld [tilespmem:s6+$0x1200];
	[tilespmem:s6+$0xC00] =	vst v6;
	v9 =	vsel vm0, $0x0, v15;
	vm0 =	veq.s32 v62, $0x30D40;
	v13 =	vadd.f32 $9.999999960e-13, v5  }
0x16c: {  	v4 =	vld [tilespmem:s8+$0x1A10];
	[tilespmem:s6+$0xD00] =	vst v9;
	v12 =	vadd.f32 v6, v12;
	v8 =	vsel vm0, $0x0, v8;
	vm0 =	veq.s32 v14, $0x30D40  }
0x16d: {  	s9 =	simm.s32 $0xC0;
	s16 =	simm.s32 $0x0;
	s18 =	simm.s32 $0x100;
	v6 =	vsel vm0, $0x0, v63;
	vm0 =	veq.s32 v61, $0x30D40;
	v5 =	vld [tilespmem:s8+$0x1910];
	[tilespmem:s6+$0xE00] =	vst v8;
	(erf) = vrcp.f32 v13  }
.LBB2_5:
0x16e: {  	p0 =	sne.s32 s18, $0x3C0;
	v13 =	vld [tilespmem:s8+$0x1810];
	v9 =	vadd.f32 v9, v12;
	[tilespmem:s6+$0xF00] =	vst v6;
	v7 =	vsel vm0, $0x0, v7;
	vm0 =	veq.s32 v3, $0x30D40  }
0x16f: {  	v14 =	vld [tilespmem:s8+$0x1710];
	[tilespmem:s6+$0x1000] =	vst v7;
	v10 =	vsel vm0, $0x0, v10;
	vm0 =	veq.s32 v2, $0x30D40  }
0x170: {  	v12 =	vld [tilespmem:s8+$0x1610];
	v15 =	vadd.f32 v8, v9;
	[tilespmem:s6+$0x1100] =	vst v10;
	v8 =	vsel vm0, $0x0, v11  }
0x171: {  	v9 =	vld [tilespmem:s8+$0x1510];
	[tilespmem:s6+$0x1200] =	vst v8;
	v2 =	vmov v4  }
0x172: {  	v4 =	vld [tilespmem:s8+$0x1410];
	v6 =	vadd.f32 v6, v15;
	v3 =	vmov v5  }
0x173: {  	v5 =	vld [tilespmem:s8+$0x1310]  }
0x174: {  	v11 =	vld [tilespmem:s8+$0xB00];
	v6 =	vadd.f32 v7, v6  }
0x175: {  	v15 =	vld [tilespmem:s8+$0xC00]  }
0x176: {  	v16 =	vld [tilespmem:s8+$0xD00];
	v6 =	vadd.f32 v10, v6;
	v7 =	vpop (erf)  }
0x177: {  	v17 =	vld [tilespmem:s8+$0xE00];
	[tilespmem:s16+$0x11B10] =	vst v7;
	s16 =	smov.u32 s6;
	s6 =	smov.u32 s8  }
0x178: {  	vm0 =	veq.s32 v5, $0x30D40;
	v18 =	vld [tilespmem:s6+$0xF00];
	v5 =	vadd.f32 v8, v6  }
.Ltmp1:
0x179: {  	v6 =	vsel vm0, $0x0, v11;
	vm0 =	veq.s32 v4, $0x30D40;
	v7 =	vld [tilespmem:s6+$0x1000];
	(pc) =	sbr.rel @p0 .LBB2_5-.Ltmp1, $4  }
0x17a: {  	[tilespmem:s6+$0xB00] =	vst v6;
	v6 =	vadd.f32 $0.0e+00, v6;
	v8 =	vsel vm0, $0x0, v15;
	vm0 =	veq.s32 v9, $0x30D40;
	v10 =	vld [tilespmem:s6+$0x1100]  }
0x17b: {  	s8 =	sshra.s32 s9, $0x2;
	s9 =	smov.u32 s18;
	v15 =	vadd.f32 $9.999999960e-13, v5;
	[tilespmem:s6+$0xC00] =	vst v8;
	v9 =	vsel vm0, $0x0, v16;
	vm0 =	veq.s32 v12, $0x30D40;
	v11 =	vld [tilespmem:s6+$0x1200]  }
0x17c: {  	v4 =	vld [tilespmem:s8+$0x1A10];
	v12 =	vadd.f32 v8, v6;
	[tilespmem:s6+$0xD00] =	vst v9;
	v8 =	vsel vm0, $0x0, v17;
	vm0 =	veq.s32 v14, $0x30D40  }
0x17d: {  	s18 =	sadd.s32 $0x40, s18;
	v5 =	vld [tilespmem:s8+$0x1910];
	[tilespmem:s6+$0xE00] =	vst v8;
	v6 =	vsel vm0, $0x0, v18;
	vm0 =	veq.s32 v13, $0x30D40;
	(erf) = vrcp.f32 v15  }
0x17e: {  	v13 =	vld [tilespmem:s8+$0x1810];
	[tilespmem:s6+$0xF00] =	vst v6;
	v7 =	vsel vm0, $0x0, v7;
	vm10 =	veq.s32 v3, $0x30D40  }
0x17f: {  	vm11 =	veq.s32 v2, $0x30D40;
	v14 =	vld [tilespmem:s8+$0x1710];
	[tilespmem:s6+$0x1000] =	vst v7;
	v3 =	vsel vm10, $0x0, v10  }
0x180: {  	v27 =	vld [tilespmem:s8+$0x1610];
	[tilespmem:s6+$0x1100] =	vst v3;
	v2 =	vsel vm11, $0x0, v11  }
0x181: {  	v28 =	vld [tilespmem:s8+$0x1510];
	[tilespmem:s6+$0x1200] =	vst v2  }
0x182: {  	v9 =	vadd.f32 v9, v12;
	v15 =	vld [tilespmem:s8+$0x1410]  }
0x183: {  	v16 =	vld [tilespmem:s8+$0x1310]  }
0x184: {  	v8 =	vadd.f32 v8, v9;
	v17 =	vld [tilespmem:s8+$0xB00]  }
0x185: {  	v18 =	vld [tilespmem:s8+$0xC00]  }
0x186: {  	v19 =	vld [tilespmem:s8+$0xD00];
	v33 =	vadd.f32 v6, v8;
	v20 =	vpop (erf)  }
0x187: {  	v21 =	vld [tilespmem:s8+$0xE00];
	[tilespmem:s16+$0x11B10] =	vst v20  }
0x188: {  	v6 =	vadd.f32 v7, v33;
	vm12 =	veq.s32 v16, $0x30D40;
	v29 =	vld [tilespmem:s8+$0xF00]  }
0x189: {  	vm13 =	veq.s32 v15, $0x30D40;
	v17 =	vsel vm12, $0x0, v17;
	v20 =	vld [tilespmem:s8+$0x1000]  }
0x18a: {  	vm14 =	veq.s32 v28, $0x30D40;
	v3 =	vadd.f32 v3, v6;
	v30 =	vsel vm13, $0x0, v18;
	v31 =	vld [tilespmem:s8+$0x1100];
	[tilespmem:s8+$0xB00] =	vst v17  }
0x18b: {  	s9 =	sshra.s32 s9, $0x2;
	vm15 =	veq.s32 v27, $0x30D40;
	v34 =	vsel vm14, $0x0, v19;
	v32 =	vld [tilespmem:s8+$0x1200];
	[tilespmem:s8+$0xC00] =	vst v30  }
0x18c: {  	vm4 =	veq.s32 v14, $0x30D40;
	v36 =	vsel vm15, $0x0, v21;
	v2 =	vadd.f32 v2, v3;
	v35 =	vld [tilespmem:s9+$0x1A10];
	[tilespmem:s8+$0xD00] =	vst v34  }
0x18d: {  	vm5 =	veq.s32 v13, $0x30D40;
	v37 =	vld [tilespmem:s9+$0x1910];
	[tilespmem:s8+$0xE00] =	vst v36;
	v38 =	vsel vm4, $0x0, v29  }
0x18e: {  	vm6 =	veq.s32 v5, $0x30D40;
	v2 =	vadd.f32 $9.999999960e-13, v2;
	v39 =	vld [tilespmem:s9+$0x1810];
	v3 =	vsel vm5, $0x0, v20;
	[tilespmem:s8+$0xF00] =	vst v38  }
0x18f: {  	vm7 =	veq.s32 v4, $0x30D40;
	v5 =	vsel vm6, $0x0, v31;
	v40 =	vld [tilespmem:s9+$0x1710];
	[tilespmem:s8+$0x1000] =	vst v3  }
0x190: {  	(erf) = vrcp.f32 v2;
	v2 =	vsel vm7, $0x0, v32;
	v41 =	vld [tilespmem:s9+$0x1610];
	[tilespmem:s8+$0x1100] =	vst v5  }
0x191: {  	v42 =	vld [tilespmem:s9+$0x1510];
	[tilespmem:s8+$0x1200] =	vst v2  }
0x192: {  	v43 =	vld [tilespmem:s9+$0x1310]  }
0x193: {  	v44 =	vld [tilespmem:s9+$0xB00]  }
0x194: {  	v45 =	vld [tilespmem:s9+$0x1410]  }
0x195: {  	v46 =	vld [tilespmem:s9+$0xC00];
	_ =	sdelay $0x1  }
0x196: {  	v47 =	vld [tilespmem:s9+$0xD00];
	vm8 =	veq.s32 v43, $0x30D40  }
0x197: {  	v48 =	vadd.f32 $0.0e+00, v17;
	v16 =	vsel vm8, $0x0, v44  }
0x198: {  	v50 =	vld [tilespmem:s9+$0xE00];
	v49 =	vpop (erf);
	vm9 =	veq.s32 v45, $0x30D40;
	v51 =	vadd.f32 $0.0e+00, v16  }
0x199: {  	v9 =	vadd.f32 v30, v48;
	[tilespmem:s6+$0x11B10] =	vst v49;
	v52 =	vsel vm9, $0x0, v46  }
0x19a: {  	vm10 =	veq.s32 v42, $0x30D40;
	v53 =	vld [tilespmem:s9+$0xF00];
	v54 =	vadd.f32 v52, v51  }
0x19b: {  	v8 =	vadd.f32 v34, v9;
	v55 =	vsel vm10, $0x0, v47  }
0x19c: {  	vm11 =	veq.s32 v41, $0x30D40;
	v56 =	vld [tilespmem:s9+$0x1000];
	v17 =	vadd.f32 v55, v54  }
0x19d: {  	v7 =	vadd.f32 v36, v8;
	v57 =	vsel vm11, $0x0, v50  }
0x19e: {  	vm12 =	veq.s32 v40, $0x30D40;
	v58 =	vld [tilespmem:s9+$0x1100];
	v17 =	vadd.f32 v57, v17  }
0x19f: {  	v6 =	vadd.f32 v38, v7;
	v4 =	vsel vm12, $0x0, v53  }
0x1a0: {  	vm13 =	veq.s32 v39, $0x30D40;
	v59 =	vld [tilespmem:s9+$0x1200];
	v60 =	vadd.f32 v4, v17  }
0x1a1: {  	v3 =	vadd.f32 v3, v6;
	v61 =	vsel vm13, $0x0, v56  }
0x1a2: {  	vm14 =	veq.s32 v37, $0x30D40;
	v62 =	vadd.f32 v61, v60  }
0x1a3: {  	v3 =	vadd.f32 v5, v3;
	v63 =	vsel vm14, $0x0, v58  }
0x1a4: {  	vm15 =	veq.s32 v35, $0x30D40;
	v10 =	vadd.f32 v63, v62  }
0x1a5: {  	v2 =	vadd.f32 v2, v3;
	v3 =	vsel vm15, $0x0, v59  }
0x1a6: {  	v7 =	vadd.f32 v3, v10  }
0x1a7: {  	v2 =	vadd.f32 $9.999999960e-13, v2  }
0x1a8: {  	v7 =	vadd.f32 $9.999999960e-13, v7  }
0x1a9: {  	(erf) = vrcp.f32 v2  }
0x1aa: {  	(erf) = vrcp.f32 v7  }
0x1ab: {  	[tilespmem:s9+$0xD00] =	vst v55  }
0x1ac: {  	[tilespmem:s9+$0xE00] =	vst v57  }
0x1ad: {  	[tilespmem:s9+$0xB00] =	vst v16  }
0x1ae: {  	[tilespmem:s9+$0xC00] =	vst v52  }
0x1af: {  	[tilespmem:s9+$0xF00] =	vst v4  }
0x1b0: {  	[tilespmem:s9+$0x1000] =	vst v61  }
0x1b1: {  	[tilespmem:s9+$0x1100] =	vst v63  }
0x1b2: {  	[tilespmem:s9+$0x1200] =	vst v3;
	v2 =	vpop (erf)  }
0x1b3: {  	[tilespmem:s8+$0x11B10] =	vst v2;
	v2 =	vpop (erf)  }
0x1b4: {  	s6 =	simm.s32 $0x80;
	[tilespmem:s9+$0x11B10] =	vst v2  }
.LBB2_7:
0x1b5: {  	p0 =	sne.s32 s6, $0x7F80;
	[tilespmem:s5+$0x11C20] =	vst v1;
	s8 =	smov.u32 s6;
	s6 =	sadd.s32 $0x80, s6  }
.Ltmp2:
0x1b6: {  	[tilespmem:s5+$0x11C30] =	vst v1;
	(pc) =	sbr.rel @p0 .LBB2_7-.Ltmp2, $2  }
0x1b7: {  	_ =	sdelay $0x2  }
0x1b8: {  	s5 =	sshra.s32 s8, $0x2  }
0x1b9: {  	[tilespmem:s5+$0x11C20] =	vst v1  }
0x1ba: {  	[tilespmem:s5+$0x11C30] =	vst v1;
	s18 =	simm.s32 $0x1310;
	s9 =	simm.s32 $0x1B10  }
0x1bb: {  	[tilespmem:s9], [sflag:$0x2] =	stream.indirect.gather [hbm4b:s1+s14], $0x20, s18, s14, $0xb8;
	[tilespmem:$0x13C20] =	vst v63  }
0x1bc: {  	s16 =	simm.s32 $0x1390;
	s6 =	simm.s32 $0x2B10  }
0x1bd: {  	[tilespmem:s6], [sflag:$0x3] =	stream.indirect.gather [hbm4b:s1+s14], $0x20, s16, s14, $0xb8;
	[tilespmem:$0x13C20] =	vst v63  }
0x1be: {  	s8 =	simm.s32 $0x3B10  }
0x1bf: {  	[tilespmem:s8], [sflag:$0x4] =	stream.indirect.gather [hbm4b:s1+s14], $0x20, s20, s14, $0xb8;
	[tilespmem:$0x13C20] =	vst v63  }
0x1c0: {  	s9 =	simm.s32 $0x4B10  }
0x1c1: {  	[tilespmem:s9], [sflag:$0x5] =	stream.indirect.gather [hbm4b:s1+s14], $0x20, s22, s14, $0xb8;
	[tilespmem:$0x13C20] =	vst v63  }
0x1c2: {  	_ =	swait.ge [sflag:s0], $0x1000  }
0x1c3: {  	[sflag:s0] =	ssyncset.done $0x0  }
0x1c4: {  	s5 =	simm.s32 $0x0;
	s16 =	simm.s32 $0x5B10;
	[sflag:s0] =	ssyncadd.s32 $0xFFFFF000  }
0x1c5: {  	[tilespmem:s16], [sflag:$0x2] =	stream.indirect.gather [hbm4b:s1+s14], $0x20, s24, s14, $0xb8;
	[tilespmem:$0x13C20] =	vst v63  }
0x1c6: {  	s6 =	simm.s32 $0xB00;
	v2 =	vld [tilespmem:s5+$0x1B10]  }
0x1c7: {  	s8 =	simm.s32 $0x80;
	v3 =	vld.msk [tilespmem:s6+$0x0 ss:$0x0], $0xffff  }
.LBB2_9:
0x1c8: {  	p0 =	sne.s32 s8, $0x3F80;
	v4 =	vld [tilespmem:s5+$0x1B20]  }
0x1c9: {  	v5 =	vld [tilespmem:s5+$0x11C30]  }
0x1ca: {  	v6 =	vld [tilespmem:s5+$0x11C20];
	_ =	sdelay $0x2  }
0x1cb: {  	v2 =	vmul.f32 v2, v3;
	v3 =	vmul.f32 v4, v3;
	_ =	sdelay $0x1  }
.Ltmp3:
0x1cc: {  	v2 =	vadd.f32 v2, v6;
	v3 =	vadd.f32 v3, v5;
	(pc) =	sbr.rel @p0 .LBB2_9-.Ltmp3, $4  }
0x1cd: {  	_ = 	snop  }
0x1ce: {  	s9 =	sshra.s32 s8, $0x2;
	[tilespmem:s5+$0x11C20] =	vst v2  }
0x1cf: {  	s6 =	sadd.s32 $0x1, s6;
	v2 =	vld [tilespmem:s9+$0x1B10];
	[tilespmem:s5+$0x11C30] =	vst v3;
	s5 =	smov.u32 s9  }
0x1d0: {  	s8 =	sadd.s32 $0x80, s8;
	v3 =	vld.msk [tilespmem:s6+$0x0 ss:$0x0], $0xffff  }
0x1d1: {  	v4 =	vld [tilespmem:s5+$0x1B20]  }
0x1d2: {  	v5 =	vld [tilespmem:s5+$0x11C20]  }
0x1d3: {  	v6 =	vld [tilespmem:s5+$0x11C30];
	_ =	sdelay $0x1  }
0x1d4: {  	v2 =	vmul.f32 v2, v3  }
0x1d5: {  	v3 =	vmul.f32 v4, v3  }
0x1d6: {  	v2 =	vadd.f32 v2, v5  }
0x1d7: {  	v3 =	vadd.f32 v3, v6  }
0x1d8: {  	[tilespmem:s5+$0x11C20] =	vst v2  }
0x1d9: {  	[tilespmem:s5+$0x11C30] =	vst v3  }
0x1da: {  	_ =	swait.ge [sflag:s19], $0x1000  }
0x1db: {  	[sflag:s19] =	ssyncset.done $0x0  }
0x1dc: {  	s16 =	simm.s32 $0x6B10;
	s5 =	simm.s32 $0x0;
	[sflag:s19] =	ssyncadd.s32 $0xFFFFF000  }
0x1dd: {  	[tilespmem:s16], [sflag:$0x3] =	stream.indirect.gather [hbm4b:s1+s14], $0x20, s26, s14, $0xb8;
	[tilespmem:$0x13C20] =	vst v63  }
0x1de: {  	s6 =	simm.s32 $0xB80;
	v2 =	vld [tilespmem:s5+$0x2B10]  }
0x1df: {  	s8 =	simm.s32 $0x80;
	v3 =	vld.msk [tilespmem:s6+$0x0 ss:$0x0], $0xffff  }
.LBB2_11:
0x1e0: {  	p0 =	sne.s32 s8, $0x3F80;
	v4 =	vld [tilespmem:s5+$0x2B20]  }
0x1e1: {  	v5 =	vld [tilespmem:s5+$0x12C30]  }
0x1e2: {  	v6 =	vld [tilespmem:s5+$0x12C20];
	_ =	sdelay $0x2  }
0x1e3: {  	v2 =	vmul.f32 v2, v3;
	v3 =	vmul.f32 v4, v3;
	_ =	sdelay $0x1  }
.Ltmp4:
0x1e4: {  	v2 =	vadd.f32 v2, v6;
	v3 =	vadd.f32 v3, v5;
	(pc) =	sbr.rel @p0 .LBB2_11-.Ltmp4, $4  }
0x1e5: {  	_ = 	snop  }
0x1e6: {  	s9 =	sshra.s32 s8, $0x2;
	[tilespmem:s5+$0x12C20] =	vst v2  }
0x1e7: {  	s6 =	sadd.s32 $0x1, s6;
	v2 =	vld [tilespmem:s9+$0x2B10];
	[tilespmem:s5+$0x12C30] =	vst v3;
	s5 =	smov.u32 s9  }
0x1e8: {  	s8 =	sadd.s32 $0x80, s8;
	v3 =	vld.msk [tilespmem:s6+$0x0 ss:$0x0], $0xffff  }
0x1e9: {  	v4 =	vld [tilespmem:s5+$0x2B20]  }
0x1ea: {  	v5 =	vld [tilespmem:s5+$0x12C20]  }
0x1eb: {  	v6 =	vld [tilespmem:s5+$0x12C30];
	_ =	sdelay $0x1  }
0x1ec: {  	v2 =	vmul.f32 v2, v3  }
0x1ed: {  	v3 =	vmul.f32 v4, v3  }
0x1ee: {  	v2 =	vadd.f32 v2, v5  }
0x1ef: {  	v3 =	vadd.f32 v3, v6  }
0x1f0: {  	[tilespmem:s5+$0x12C20] =	vst v2  }
0x1f1: {  	[tilespmem:s5+$0x12C30] =	vst v3  }
0x1f2: {  	_ =	swait.ge [sflag:s28], $0x1000  }
0x1f3: {  	[sflag:s28] =	ssyncset.done $0x0  }
0x1f4: {  	s16 =	simm.s32 $0x7B10;
	s5 =	simm.s32 $0x0;
	[sflag:s28] =	ssyncadd.s32 $0xFFFFF000  }
0x1f5: {  	[tilespmem:s16], [sflag:$0x4] =	stream.indirect.gather [hbm4b:s1+s14], $0x20, s29, s14, $0xb8;
	[tilespmem:$0x13C20] =	vst v63  }
0x1f6: {  	s6 =	simm.s32 $0xC00;
	v2 =	vld [tilespmem:s5+$0x3B10]  }
0x1f7: {  	s8 =	simm.s32 $0x80;
	v3 =	vld.msk [tilespmem:s6+$0x0 ss:$0x0], $0xffff  }
.LBB2_13:
0x1f8: {  	p0 =	sne.s32 s8, $0x3F80;
	v4 =	vld [tilespmem:s5+$0x3B20]  }
0x1f9: {  	v5 =	vld [tilespmem:s5+$0x11C30]  }
0x1fa: {  	v6 =	vld [tilespmem:s5+$0x11C20];
	_ =	sdelay $0x2  }
0x1fb: {  	v2 =	vmul.f32 v2, v3;
	v3 =	vmul.f32 v4, v3;
	_ =	sdelay $0x1  }
.Ltmp5:
0x1fc: {  	v2 =	vadd.f32 v2, v6;
	v3 =	vadd.f32 v3, v5;
	(pc) =	sbr.rel @p0 .LBB2_13-.Ltmp5, $4  }
0x1fd: {  	_ = 	snop  }
0x1fe: {  	s9 =	sshra.s32 s8, $0x2;
	[tilespmem:s5+$0x11C20] =	vst v2  }
0x1ff: {  	s6 =	sadd.s32 $0x1, s6;
	v2 =	vld [tilespmem:s9+$0x3B10];
	[tilespmem:s5+$0x11C30] =	vst v3;
	s5 =	smov.u32 s9  }
0x200: {  	s8 =	sadd.s32 $0x80, s8;
	v3 =	vld.msk [tilespmem:s6+$0x0 ss:$0x0], $0xffff  }
0x201: {  	v4 =	vld [tilespmem:s5+$0x3B20]  }
0x202: {  	v5 =	vld [tilespmem:s5+$0x11C20]  }
0x203: {  	v6 =	vld [tilespmem:s5+$0x11C30];
	_ =	sdelay $0x1  }
0x204: {  	v2 =	vmul.f32 v2, v3  }
0x205: {  	v3 =	vmul.f32 v4, v3  }
0x206: {  	v2 =	vadd.f32 v2, v5  }
0x207: {  	v3 =	vadd.f32 v3, v6  }
0x208: {  	[tilespmem:s5+$0x11C20] =	vst v2  }
0x209: {  	[tilespmem:s5+$0x11C30] =	vst v3  }
0x20a: {  	_ =	swait.ge [sflag:s23], $0x1000  }
0x20b: {  	[sflag:s23] =	ssyncset.done $0x0  }
0x20c: {  	s16 =	simm.s32 $0x8B10;
	s5 =	simm.s32 $0x0;
	[sflag:s23] =	ssyncadd.s32 $0xFFFFF000  }
0x20d: {  	[tilespmem:s16], [sflag:$0x5] =	stream.indirect.gather [hbm4b:s1+s14], $0x20, s31, s14, $0xb8;
	[tilespmem:$0x13C20] =	vst v63  }
0x20e: {  	s6 =	simm.s32 $0xC80;
	v2 =	vld [tilespmem:s5+$0x4B10]  }
0x20f: {  	s8 =	simm.s32 $0x80;
	v3 =	vld.msk [tilespmem:s6+$0x0 ss:$0x0], $0xffff  }
.LBB2_15:
0x210: {  	p0 =	sne.s32 s8, $0x3F80;
	v4 =	vld [tilespmem:s5+$0x4B20]  }
0x211: {  	v5 =	vld [tilespmem:s5+$0x12C30]  }
0x212: {  	v6 =	vld [tilespmem:s5+$0x12C20];
	_ =	sdelay $0x2  }
0x213: {  	v2 =	vmul.f32 v2, v3;
	v3 =	vmul.f32 v4, v3;
	_ =	sdelay $0x1  }
.Ltmp6:
0x214: {  	v2 =	vadd.f32 v2, v6;
	v3 =	vadd.f32 v3, v5;
	(pc) =	sbr.rel @p0 .LBB2_15-.Ltmp6, $4  }
0x215: {  	_ = 	snop  }
0x216: {  	s9 =	sshra.s32 s8, $0x2;
	[tilespmem:s5+$0x12C20] =	vst v2  }
0x217: {  	s6 =	sadd.s32 $0x1, s6;
	v2 =	vld [tilespmem:s9+$0x4B10];
	[tilespmem:s5+$0x12C30] =	vst v3;
	s5 =	smov.u32 s9  }
0x218: {  	s8 =	sadd.s32 $0x80, s8;
	v3 =	vld.msk [tilespmem:s6+$0x0 ss:$0x0], $0xffff  }
0x219: {  	v4 =	vld [tilespmem:s5+$0x4B20]  }
0x21a: {  	v5 =	vld [tilespmem:s5+$0x12C20]  }
0x21b: {  	v6 =	vld [tilespmem:s5+$0x12C30];
	_ =	sdelay $0x1  }
0x21c: {  	v2 =	vmul.f32 v2, v3  }
0x21d: {  	v3 =	vmul.f32 v4, v3  }
0x21e: {  	v2 =	vadd.f32 v2, v5  }
0x21f: {  	v3 =	vadd.f32 v3, v6  }
0x220: {  	[tilespmem:s5+$0x12C20] =	vst v2  }
0x221: {  	[tilespmem:s5+$0x12C30] =	vst v3  }
0x222: {  	_ =	swait.ge [sflag:s0], $0x1000  }
0x223: {  	[sflag:s0] =	ssyncset.done $0x0  }
0x224: {  	s16 =	simm.s32 $0x9B10;
	s5 =	simm.s32 $0x0;
	[sflag:s0] =	ssyncadd.s32 $0xFFFFF000  }
0x225: {  	[tilespmem:s16], [sflag:$0x2] =	stream.indirect.gather [hbm4b:s1+s14], $0x20, s3, s14, $0xb8;
	[tilespmem:$0x13C20] =	vst v63  }
0x226: {  	s6 =	simm.s32 $0xD00;
	v2 =	vld [tilespmem:s5+$0x5B10]  }
0x227: {  	s8 =	simm.s32 $0x80;
	v3 =	vld.msk [tilespmem:s6+$0x0 ss:$0x0], $0xffff  }
.LBB2_17:
0x228: {  	p0 =	sne.s32 s8, $0x3F80;
	v4 =	vld [tilespmem:s5+$0x5B20]  }
0x229: {  	v5 =	vld [tilespmem:s5+$0x11C30]  }
0x22a: {  	v6 =	vld [tilespmem:s5+$0x11C20];
	_ =	sdelay $0x2  }
0x22b: {  	v2 =	vmul.f32 v2, v3;
	v3 =	vmul.f32 v4, v3;
	_ =	sdelay $0x1  }
.Ltmp7:
0x22c: {  	v2 =	vadd.f32 v2, v6;
	v3 =	vadd.f32 v3, v5;
	(pc) =	sbr.rel @p0 .LBB2_17-.Ltmp7, $4  }
0x22d: {  	_ = 	snop  }
0x22e: {  	s9 =	sshra.s32 s8, $0x2;
	[tilespmem:s5+$0x11C20] =	vst v2  }
0x22f: {  	s6 =	sadd.s32 $0x1, s6;
	v2 =	vld [tilespmem:s9+$0x5B10];
	[tilespmem:s5+$0x11C30] =	vst v3;
	s5 =	smov.u32 s9  }
0x230: {  	s8 =	sadd.s32 $0x80, s8;
	v3 =	vld.msk [tilespmem:s6+$0x0 ss:$0x0], $0xffff  }
0x231: {  	v4 =	vld [tilespmem:s5+$0x5B20]  }
0x232: {  	v5 =	vld [tilespmem:s5+$0x11C20]  }
0x233: {  	v6 =	vld [tilespmem:s5+$0x11C30];
	_ =	sdelay $0x1  }
0x234: {  	v2 =	vmul.f32 v2, v3  }
0x235: {  	v3 =	vmul.f32 v4, v3  }
0x236: {  	v2 =	vadd.f32 v2, v5  }
0x237: {  	v3 =	vadd.f32 v3, v6  }
0x238: {  	[tilespmem:s5+$0x11C20] =	vst v2  }
0x239: {  	[tilespmem:s5+$0x11C30] =	vst v3  }
0x23a: {  	_ =	swait.ge [sflag:s19], $0x1000  }
0x23b: {  	[sflag:s19] =	ssyncset.done $0x0  }
0x23c: {  	s16 =	simm.s32 $0xAB10;
	s5 =	simm.s32 $0x0;
	[sflag:s19] =	ssyncadd.s32 $0xFFFFF000  }
0x23d: {  	[tilespmem:s16], [sflag:$0x3] =	stream.indirect.gather [hbm4b:s1+s14], $0x20, s2, s14, $0xb8;
	[tilespmem:$0x13C20] =	vst v63  }
0x23e: {  	s6 =	simm.s32 $0xD80;
	v2 =	vld [tilespmem:s5+$0x6B10]  }
0x23f: {  	s8 =	simm.s32 $0x80;
	v3 =	vld.msk [tilespmem:s6+$0x0 ss:$0x0], $0xffff  }
.LBB2_19:
0x240: {  	p0 =	sne.s32 s8, $0x3F80;
	v4 =	vld [tilespmem:s5+$0x6B20]  }
0x241: {  	v5 =	vld [tilespmem:s5+$0x12C30]  }
0x242: {  	v6 =	vld [tilespmem:s5+$0x12C20];
	_ =	sdelay $0x2  }
0x243: {  	v2 =	vmul.f32 v2, v3;
	v3 =	vmul.f32 v4, v3;
	_ =	sdelay $0x1  }
.Ltmp8:
0x244: {  	v2 =	vadd.f32 v2, v6;
	v3 =	vadd.f32 v3, v5;
	(pc) =	sbr.rel @p0 .LBB2_19-.Ltmp8, $4  }
0x245: {  	_ = 	snop  }
0x246: {  	s9 =	sshra.s32 s8, $0x2;
	[tilespmem:s5+$0x12C20] =	vst v2  }
0x247: {  	s6 =	sadd.s32 $0x1, s6;
	v2 =	vld [tilespmem:s9+$0x6B10];
	[tilespmem:s5+$0x12C30] =	vst v3;
	s5 =	smov.u32 s9  }
0x248: {  	s8 =	sadd.s32 $0x80, s8;
	v3 =	vld.msk [tilespmem:s6+$0x0 ss:$0x0], $0xffff  }
0x249: {  	v4 =	vld [tilespmem:s5+$0x6B20]  }
0x24a: {  	v5 =	vld [tilespmem:s5+$0x12C20]  }
0x24b: {  	v6 =	vld [tilespmem:s5+$0x12C30];
	_ =	sdelay $0x1  }
0x24c: {  	v2 =	vmul.f32 v2, v3  }
0x24d: {  	v3 =	vmul.f32 v4, v3  }
0x24e: {  	v2 =	vadd.f32 v2, v5  }
0x24f: {  	v3 =	vadd.f32 v3, v6  }
0x250: {  	[tilespmem:s5+$0x12C20] =	vst v2  }
0x251: {  	[tilespmem:s5+$0x12C30] =	vst v3  }
0x252: {  	_ =	swait.ge [sflag:s28], $0x1000  }
0x253: {  	[sflag:s28] =	ssyncset.done $0x0  }
0x254: {  	s16 =	simm.s32 $0xBB10;
	s5 =	simm.s32 $0x0;
	[sflag:s28] =	ssyncadd.s32 $0xFFFFF000  }
0x255: {  	[tilespmem:s16], [sflag:$0x4] =	stream.indirect.gather [hbm4b:s1+s14], $0x20, s13, s14, $0xb8;
	[tilespmem:$0x13C20] =	vst v63  }
0x256: {  	s6 =	simm.s32 $0xE00;
	v2 =	vld [tilespmem:s5+$0x7B10]  }
0x257: {  	s8 =	simm.s32 $0x80;
	v3 =	vld.msk [tilespmem:s6+$0x0 ss:$0x0], $0xffff  }
.LBB2_21:
0x258: {  	p0 =	sne.s32 s8, $0x3F80;
	v4 =	vld [tilespmem:s5+$0x7B20]  }
0x259: {  	v5 =	vld [tilespmem:s5+$0x11C30]  }
0x25a: {  	v6 =	vld [tilespmem:s5+$0x11C20];
	_ =	sdelay $0x2  }
0x25b: {  	v2 =	vmul.f32 v2, v3;
	v3 =	vmul.f32 v4, v3;
	_ =	sdelay $0x1  }
.Ltmp9:
0x25c: {  	v2 =	vadd.f32 v2, v6;
	v3 =	vadd.f32 v3, v5;
	(pc) =	sbr.rel @p0 .LBB2_21-.Ltmp9, $4  }
0x25d: {  	_ = 	snop  }
0x25e: {  	s9 =	sshra.s32 s8, $0x2;
	[tilespmem:s5+$0x11C20] =	vst v2  }
0x25f: {  	s6 =	sadd.s32 $0x1, s6;
	v2 =	vld [tilespmem:s9+$0x7B10];
	[tilespmem:s5+$0x11C30] =	vst v3;
	s5 =	smov.u32 s9  }
0x260: {  	s8 =	sadd.s32 $0x80, s8;
	v3 =	vld.msk [tilespmem:s6+$0x0 ss:$0x0], $0xffff  }
0x261: {  	v4 =	vld [tilespmem:s5+$0x7B20]  }
0x262: {  	v5 =	vld [tilespmem:s5+$0x11C20]  }
0x263: {  	v6 =	vld [tilespmem:s5+$0x11C30];
	_ =	sdelay $0x1  }
0x264: {  	v2 =	vmul.f32 v2, v3  }
0x265: {  	v3 =	vmul.f32 v4, v3  }
0x266: {  	v2 =	vadd.f32 v2, v5  }
0x267: {  	v3 =	vadd.f32 v3, v6  }
0x268: {  	[tilespmem:s5+$0x11C20] =	vst v2  }
0x269: {  	[tilespmem:s5+$0x11C30] =	vst v3  }
0x26a: {  	_ =	swait.ge [sflag:s23], $0x1000  }
0x26b: {  	[sflag:s23] =	ssyncset.done $0x0  }
0x26c: {  	s16 =	simm.s32 $0xCB10;
	s5 =	simm.s32 $0x0;
	[sflag:s23] =	ssyncadd.s32 $0xFFFFF000  }
0x26d: {  	[tilespmem:s16], [sflag:$0x5] =	stream.indirect.gather [hbm4b:s1+s14], $0x20, s17, s14, $0xb8;
	[tilespmem:$0x13C20] =	vst v63  }
0x26e: {  	s6 =	simm.s32 $0xE80;
	v2 =	vld [tilespmem:s5+$0x8B10]  }
0x26f: {  	s8 =	simm.s32 $0x80;
	v3 =	vld.msk [tilespmem:s6+$0x0 ss:$0x0], $0xffff  }
.LBB2_23:
0x270: {  	p0 =	sne.s32 s8, $0x3F80;
	v4 =	vld [tilespmem:s5+$0x8B20]  }
0x271: {  	v5 =	vld [tilespmem:s5+$0x12C30]  }
0x272: {  	v6 =	vld [tilespmem:s5+$0x12C20];
	_ =	sdelay $0x2  }
0x273: {  	v2 =	vmul.f32 v2, v3;
	v3 =	vmul.f32 v4, v3;
	_ =	sdelay $0x1  }
.Ltmp10:
0x274: {  	v2 =	vadd.f32 v2, v6;
	v3 =	vadd.f32 v3, v5;
	(pc) =	sbr.rel @p0 .LBB2_23-.Ltmp10, $4  }
0x275: {  	_ = 	snop  }
0x276: {  	s9 =	sshra.s32 s8, $0x2;
	[tilespmem:s5+$0x12C20] =	vst v2  }
0x277: {  	s6 =	sadd.s32 $0x1, s6;
	v2 =	vld [tilespmem:s9+$0x8B10];
	[tilespmem:s5+$0x12C30] =	vst v3;
	s5 =	smov.u32 s9  }
0x278: {  	s8 =	sadd.s32 $0x80, s8;
	v3 =	vld.msk [tilespmem:s6+$0x0 ss:$0x0], $0xffff  }
0x279: {  	v4 =	vld [tilespmem:s5+$0x8B20]  }
0x27a: {  	v5 =	vld [tilespmem:s5+$0x12C20]  }
0x27b: {  	v6 =	vld [tilespmem:s5+$0x12C30];
	_ =	sdelay $0x1  }
0x27c: {  	v2 =	vmul.f32 v2, v3  }
0x27d: {  	v3 =	vmul.f32 v4, v3  }
0x27e: {  	v2 =	vadd.f32 v2, v5  }
0x27f: {  	v3 =	vadd.f32 v3, v6  }
0x280: {  	[tilespmem:s5+$0x12C20] =	vst v2  }
0x281: {  	[tilespmem:s5+$0x12C30] =	vst v3  }
0x282: {  	_ =	swait.ge [sflag:s0], $0x1000  }
0x283: {  	[sflag:s0] =	ssyncset.done $0x0  }
0x284: {  	s16 =	simm.s32 $0xDB10;
	s5 =	simm.s32 $0x0;
	[sflag:s0] =	ssyncadd.s32 $0xFFFFF000  }
0x285: {  	[tilespmem:s16], [sflag:$0x2] =	stream.indirect.gather [hbm4b:s1+s14], $0x20, s21, s14, $0xb8;
	[tilespmem:$0x13C20] =	vst v63  }
0x286: {  	s6 =	simm.s32 $0xF00;
	v2 =	vld [tilespmem:s5+$0x9B10]  }
0x287: {  	s8 =	simm.s32 $0x80;
	v3 =	vld.msk [tilespmem:s6+$0x0 ss:$0x0], $0xffff  }
.LBB2_25:
0x288: {  	p0 =	sne.s32 s8, $0x3F80;
	v4 =	vld [tilespmem:s5+$0x9B20]  }
0x289: {  	v5 =	vld [tilespmem:s5+$0x11C30]  }
0x28a: {  	v6 =	vld [tilespmem:s5+$0x11C20];
	_ =	sdelay $0x2  }
0x28b: {  	v2 =	vmul.f32 v2, v3;
	v3 =	vmul.f32 v4, v3;
	_ =	sdelay $0x1  }
.Ltmp11:
0x28c: {  	v2 =	vadd.f32 v2, v6;
	v3 =	vadd.f32 v3, v5;
	(pc) =	sbr.rel @p0 .LBB2_25-.Ltmp11, $4  }
0x28d: {  	_ = 	snop  }
0x28e: {  	s9 =	sshra.s32 s8, $0x2;
	[tilespmem:s5+$0x11C20] =	vst v2  }
0x28f: {  	s6 =	sadd.s32 $0x1, s6;
	v2 =	vld [tilespmem:s9+$0x9B10];
	[tilespmem:s5+$0x11C30] =	vst v3;
	s5 =	smov.u32 s9  }
0x290: {  	s8 =	sadd.s32 $0x80, s8;
	v3 =	vld.msk [tilespmem:s6+$0x0 ss:$0x0], $0xffff  }
0x291: {  	v4 =	vld [tilespmem:s5+$0x9B20]  }
0x292: {  	v5 =	vld [tilespmem:s5+$0x11C20]  }
0x293: {  	v6 =	vld [tilespmem:s5+$0x11C30];
	_ =	sdelay $0x1  }
0x294: {  	v2 =	vmul.f32 v2, v3  }
0x295: {  	v3 =	vmul.f32 v4, v3  }
0x296: {  	v2 =	vadd.f32 v2, v5  }
0x297: {  	v3 =	vadd.f32 v3, v6  }
0x298: {  	[tilespmem:s5+$0x11C20] =	vst v2  }
0x299: {  	[tilespmem:s5+$0x11C30] =	vst v3  }
0x29a: {  	_ =	swait.ge [sflag:s19], $0x1000  }
0x29b: {  	[sflag:s19] =	ssyncset.done $0x0  }
0x29c: {  	s16 =	simm.s32 $0xEB10;
	s5 =	simm.s32 $0x0;
	[sflag:s19] =	ssyncadd.s32 $0xFFFFF000  }
0x29d: {  	[tilespmem:s16], [sflag:$0x3] =	stream.indirect.gather [hbm4b:s1+s14], $0x20, s25, s14, $0xb8;
	[tilespmem:$0x13C20] =	vst v63  }
0x29e: {  	s6 =	simm.s32 $0xF80;
	v2 =	vld [tilespmem:s5+$0xAB10]  }
0x29f: {  	s8 =	simm.s32 $0x80;
	v3 =	vld.msk [tilespmem:s6+$0x0 ss:$0x0], $0xffff  }
.LBB2_27:
0x2a0: {  	p0 =	sne.s32 s8, $0x3F80;
	v4 =	vld [tilespmem:s5+$0xAB20]  }
0x2a1: {  	v5 =	vld [tilespmem:s5+$0x12C30]  }
0x2a2: {  	v6 =	vld [tilespmem:s5+$0x12C20];
	_ =	sdelay $0x2  }
0x2a3: {  	v2 =	vmul.f32 v2, v3;
	v3 =	vmul.f32 v4, v3;
	_ =	sdelay $0x1  }
.Ltmp12:
0x2a4: {  	v2 =	vadd.f32 v2, v6;
	v3 =	vadd.f32 v3, v5;
	(pc) =	sbr.rel @p0 .LBB2_27-.Ltmp12, $4  }
0x2a5: {  	_ = 	snop  }
0x2a6: {  	s9 =	sshra.s32 s8, $0x2;
	[tilespmem:s5+$0x12C20] =	vst v2  }
0x2a7: {  	s6 =	sadd.s32 $0x1, s6;
	v2 =	vld [tilespmem:s9+$0xAB10];
	[tilespmem:s5+$0x12C30] =	vst v3;
	s5 =	smov.u32 s9  }
0x2a8: {  	s8 =	sadd.s32 $0x80, s8;
	v3 =	vld.msk [tilespmem:s6+$0x0 ss:$0x0], $0xffff  }
0x2a9: {  	v4 =	vld [tilespmem:s5+$0xAB20]  }
0x2aa: {  	v5 =	vld [tilespmem:s5+$0x12C20]  }
0x2ab: {  	v6 =	vld [tilespmem:s5+$0x12C30];
	_ =	sdelay $0x1  }
0x2ac: {  	v2 =	vmul.f32 v2, v3  }
0x2ad: {  	v3 =	vmul.f32 v4, v3  }
0x2ae: {  	v2 =	vadd.f32 v2, v5  }
0x2af: {  	v3 =	vadd.f32 v3, v6  }
0x2b0: {  	[tilespmem:s5+$0x12C20] =	vst v2  }
0x2b1: {  	[tilespmem:s5+$0x12C30] =	vst v3  }
0x2b2: {  	_ =	swait.ge [sflag:s28], $0x1000  }
0x2b3: {  	[sflag:s28] =	ssyncset.done $0x0  }
0x2b4: {  	s16 =	simm.s32 $0xFB10;
	s5 =	simm.s32 $0x0;
	[sflag:s28] =	ssyncadd.s32 $0xFFFFF000  }
0x2b5: {  	[tilespmem:s16], [sflag:$0x4] =	stream.indirect.gather [hbm4b:s1+s14], $0x20, s30, s14, $0xb8;
	[tilespmem:$0x13C20] =	vst v63  }
0x2b6: {  	s6 =	simm.s32 $0x1000;
	v2 =	vld [tilespmem:s5+$0xBB10]  }
0x2b7: {  	s8 =	simm.s32 $0x80;
	v3 =	vld.msk [tilespmem:s6+$0x0 ss:$0x0], $0xffff  }
.LBB2_29:
0x2b8: {  	p0 =	sne.s32 s8, $0x3F80;
	v4 =	vld [tilespmem:s5+$0xBB20]  }
0x2b9: {  	v5 =	vld [tilespmem:s5+$0x11C30]  }
0x2ba: {  	v6 =	vld [tilespmem:s5+$0x11C20];
	_ =	sdelay $0x2  }
0x2bb: {  	v2 =	vmul.f32 v2, v3;
	v3 =	vmul.f32 v4, v3;
	_ =	sdelay $0x1  }
.Ltmp13:
0x2bc: {  	v2 =	vadd.f32 v2, v6;
	v3 =	vadd.f32 v3, v5;
	(pc) =	sbr.rel @p0 .LBB2_29-.Ltmp13, $4  }
0x2bd: {  	_ = 	snop  }
0x2be: {  	s9 =	sshra.s32 s8, $0x2;
	[tilespmem:s5+$0x11C20] =	vst v2  }
0x2bf: {  	s6 =	sadd.s32 $0x1, s6;
	v2 =	vld [tilespmem:s9+$0xBB10];
	[tilespmem:s5+$0x11C30] =	vst v3;
	s5 =	smov.u32 s9  }
0x2c0: {  	s8 =	sadd.s32 $0x80, s8;
	v3 =	vld.msk [tilespmem:s6+$0x0 ss:$0x0], $0xffff  }
0x2c1: {  	v4 =	vld [tilespmem:s5+$0xBB20]  }
0x2c2: {  	v5 =	vld [tilespmem:s5+$0x11C20]  }
0x2c3: {  	v6 =	vld [tilespmem:s5+$0x11C30];
	_ =	sdelay $0x1  }
0x2c4: {  	v2 =	vmul.f32 v2, v3  }
0x2c5: {  	v3 =	vmul.f32 v4, v3  }
0x2c6: {  	v2 =	vadd.f32 v2, v5  }
0x2c7: {  	v3 =	vadd.f32 v3, v6  }
0x2c8: {  	[tilespmem:s5+$0x11C20] =	vst v2  }
0x2c9: {  	[tilespmem:s5+$0x11C30] =	vst v3  }
0x2ca: {  	_ =	swait.ge [sflag:s23], $0x1000  }
0x2cb: {  	[sflag:s23] =	ssyncset.done $0x0  }
0x2cc: {  	s16 =	simm.s32 $0x10B10;
	s5 =	simm.s32 $0x0;
	[sflag:s23] =	ssyncadd.s32 $0xFFFFF000  }
0x2cd: {  	[tilespmem:s16], [sflag:$0x5] =	stream.indirect.gather [hbm4b:s1+s14], $0x20, s10, s14, $0xb8;
	[tilespmem:$0x13C20] =	vst v63  }
0x2ce: {  	s6 =	simm.s32 $0x1080;
	v2 =	vld [tilespmem:s5+$0xCB10]  }
0x2cf: {  	s8 =	simm.s32 $0x80;
	v3 =	vld.msk [tilespmem:s6+$0x0 ss:$0x0], $0xffff  }
.LBB2_31:
0x2d0: {  	p0 =	sne.s32 s8, $0x3F80;
	v4 =	vld [tilespmem:s5+$0xCB20]  }
0x2d1: {  	v5 =	vld [tilespmem:s5+$0x12C30]  }
0x2d2: {  	v6 =	vld [tilespmem:s5+$0x12C20];
	_ =	sdelay $0x2  }
0x2d3: {  	v2 =	vmul.f32 v2, v3;
	v3 =	vmul.f32 v4, v3;
	_ =	sdelay $0x1  }
.Ltmp14:
0x2d4: {  	v2 =	vadd.f32 v2, v6;
	v3 =	vadd.f32 v3, v5;
	(pc) =	sbr.rel @p0 .LBB2_31-.Ltmp14, $4  }
0x2d5: {  	_ = 	snop  }
0x2d6: {  	s9 =	sshra.s32 s8, $0x2;
	[tilespmem:s5+$0x12C20] =	vst v2  }
0x2d7: {  	s6 =	sadd.s32 $0x1, s6;
	v2 =	vld [tilespmem:s9+$0xCB10];
	[tilespmem:s5+$0x12C30] =	vst v3;
	s5 =	smov.u32 s9  }
0x2d8: {  	s8 =	sadd.s32 $0x80, s8;
	v3 =	vld.msk [tilespmem:s6+$0x0 ss:$0x0], $0xffff  }
0x2d9: {  	v4 =	vld [tilespmem:s5+$0xCB20]  }
0x2da: {  	v5 =	vld [tilespmem:s5+$0x12C20]  }
0x2db: {  	v6 =	vld [tilespmem:s5+$0x12C30];
	_ =	sdelay $0x1  }
0x2dc: {  	v2 =	vmul.f32 v2, v3  }
0x2dd: {  	v3 =	vmul.f32 v4, v3  }
0x2de: {  	v2 =	vadd.f32 v2, v5  }
0x2df: {  	v3 =	vadd.f32 v3, v6  }
0x2e0: {  	[tilespmem:s5+$0x12C20] =	vst v2  }
0x2e1: {  	[tilespmem:s5+$0x12C30] =	vst v3  }
0x2e2: {  	_ =	swait.ge [sflag:s0], $0x1000  }
0x2e3: {  	[sflag:s0] =	ssyncset.done $0x0  }
0x2e4: {  	s5 =	simm.s32 $0x0;
	[sflag:s0] =	ssyncadd.s32 $0xFFFFF000  }
0x2e5: {  	s6 =	simm.s32 $0x1100;
	v2 =	vld [tilespmem:s5+$0xDB10]  }
0x2e6: {  	s8 =	simm.s32 $0x80;
	v3 =	vld.msk [tilespmem:s6+$0x0 ss:$0x0], $0xffff  }
.LBB2_33:
0x2e7: {  	p0 =	sne.s32 s8, $0x3F80;
	v4 =	vld [tilespmem:s5+$0xDB20]  }
0x2e8: {  	v5 =	vld [tilespmem:s5+$0x11C30]  }
0x2e9: {  	v6 =	vld [tilespmem:s5+$0x11C20];
	_ =	sdelay $0x2  }
0x2ea: {  	v2 =	vmul.f32 v2, v3;
	v3 =	vmul.f32 v4, v3;
	_ =	sdelay $0x1  }
.Ltmp15:
0x2eb: {  	v2 =	vadd.f32 v2, v6;
	v3 =	vadd.f32 v3, v5;
	(pc) =	sbr.rel @p0 .LBB2_33-.Ltmp15, $4  }
0x2ec: {  	_ = 	snop  }
0x2ed: {  	s9 =	sshra.s32 s8, $0x2;
	[tilespmem:s5+$0x11C20] =	vst v2  }
0x2ee: {  	s6 =	sadd.s32 $0x1, s6;
	v2 =	vld [tilespmem:s9+$0xDB10];
	[tilespmem:s5+$0x11C30] =	vst v3;
	s5 =	smov.u32 s9  }
0x2ef: {  	s8 =	sadd.s32 $0x80, s8;
	v3 =	vld.msk [tilespmem:s6+$0x0 ss:$0x0], $0xffff  }
0x2f0: {  	v4 =	vld [tilespmem:s5+$0xDB20]  }
0x2f1: {  	v5 =	vld [tilespmem:s5+$0x11C20]  }
0x2f2: {  	v6 =	vld [tilespmem:s5+$0x11C30];
	_ =	sdelay $0x1  }
0x2f3: {  	v2 =	vmul.f32 v2, v3  }
0x2f4: {  	v3 =	vmul.f32 v4, v3  }
0x2f5: {  	v2 =	vadd.f32 v2, v5  }
0x2f6: {  	v3 =	vadd.f32 v3, v6  }
0x2f7: {  	[tilespmem:s5+$0x11C20] =	vst v2  }
0x2f8: {  	[tilespmem:s5+$0x11C30] =	vst v3  }
0x2f9: {  	_ =	swait.ge [sflag:s19], $0x1000  }
0x2fa: {  	[sflag:s19] =	ssyncset.done $0x0  }
0x2fb: {  	s5 =	simm.s32 $0x0;
	[sflag:s19] =	ssyncadd.s32 $0xFFFFF000  }
0x2fc: {  	s6 =	simm.s32 $0x1180;
	v2 =	vld [tilespmem:s5+$0xEB10]  }
0x2fd: {  	s8 =	simm.s32 $0x80;
	v3 =	vld.msk [tilespmem:s6+$0x0 ss:$0x0], $0xffff  }
.LBB2_35:
0x2fe: {  	p0 =	sne.s32 s8, $0x3F80;
	v4 =	vld [tilespmem:s5+$0xEB20]  }
0x2ff: {  	v5 =	vld [tilespmem:s5+$0x12C30]  }
0x300: {  	v6 =	vld [tilespmem:s5+$0x12C20];
	_ =	sdelay $0x2  }
0x301: {  	v2 =	vmul.f32 v2, v3;
	v3 =	vmul.f32 v4, v3;
	_ =	sdelay $0x1  }
.Ltmp16:
0x302: {  	v2 =	vadd.f32 v2, v6;
	v3 =	vadd.f32 v3, v5;
	(pc) =	sbr.rel @p0 .LBB2_35-.Ltmp16, $4  }
0x303: {  	_ = 	snop  }
0x304: {  	s9 =	sshra.s32 s8, $0x2;
	[tilespmem:s5+$0x12C20] =	vst v2  }
0x305: {  	s6 =	sadd.s32 $0x1, s6;
	v2 =	vld [tilespmem:s9+$0xEB10];
	[tilespmem:s5+$0x12C30] =	vst v3;
	s5 =	smov.u32 s9  }
0x306: {  	s8 =	sadd.s32 $0x80, s8;
	v3 =	vld.msk [tilespmem:s6+$0x0 ss:$0x0], $0xffff  }
0x307: {  	v4 =	vld [tilespmem:s5+$0xEB20]  }
0x308: {  	v5 =	vld [tilespmem:s5+$0x12C20]  }
0x309: {  	v6 =	vld [tilespmem:s5+$0x12C30];
	_ =	sdelay $0x1  }
0x30a: {  	v2 =	vmul.f32 v2, v3  }
0x30b: {  	v3 =	vmul.f32 v4, v3  }
0x30c: {  	v2 =	vadd.f32 v2, v5  }
0x30d: {  	v3 =	vadd.f32 v3, v6  }
0x30e: {  	[tilespmem:s5+$0x12C20] =	vst v2  }
0x30f: {  	[tilespmem:s5+$0x12C30] =	vst v3  }
0x310: {  	_ =	swait.ge [sflag:s28], $0x1000  }
0x311: {  	[sflag:s28] =	ssyncset.done $0x0  }
0x312: {  	s5 =	simm.s32 $0x0;
	[sflag:s28] =	ssyncadd.s32 $0xFFFFF000  }
0x313: {  	s6 =	simm.s32 $0x1200;
	v2 =	vld [tilespmem:s5+$0xFB10]  }
0x314: {  	s8 =	simm.s32 $0x80;
	v3 =	vld.msk [tilespmem:s6+$0x0 ss:$0x0], $0xffff  }
.LBB2_37:
0x315: {  	p0 =	sne.s32 s8, $0x3F80;
	v4 =	vld [tilespmem:s5+$0xFB20]  }
0x316: {  	v5 =	vld [tilespmem:s5+$0x11C30]  }
0x317: {  	v6 =	vld [tilespmem:s5+$0x11C20];
	_ =	sdelay $0x2  }
0x318: {  	v2 =	vmul.f32 v2, v3;
	v3 =	vmul.f32 v4, v3;
	_ =	sdelay $0x1  }
.Ltmp17:
0x319: {  	v2 =	vadd.f32 v2, v6;
	v3 =	vadd.f32 v3, v5;
	(pc) =	sbr.rel @p0 .LBB2_37-.Ltmp17, $4  }
0x31a: {  	_ = 	snop  }
0x31b: {  	s9 =	sshra.s32 s8, $0x2;
	[tilespmem:s5+$0x11C20] =	vst v2  }
0x31c: {  	s6 =	sadd.s32 $0x1, s6;
	v2 =	vld [tilespmem:s9+$0xFB10];
	[tilespmem:s5+$0x11C30] =	vst v3;
	s5 =	smov.u32 s9  }
0x31d: {  	s8 =	sadd.s32 $0x80, s8;
	v3 =	vld.msk [tilespmem:s6+$0x0 ss:$0x0], $0xffff  }
0x31e: {  	v4 =	vld [tilespmem:s5+$0xFB20]  }
0x31f: {  	v5 =	vld [tilespmem:s5+$0x11C20]  }
0x320: {  	v6 =	vld [tilespmem:s5+$0x11C30];
	_ =	sdelay $0x1  }
0x321: {  	v2 =	vmul.f32 v2, v3  }
0x322: {  	v3 =	vmul.f32 v4, v3  }
0x323: {  	v2 =	vadd.f32 v2, v5  }
0x324: {  	v3 =	vadd.f32 v3, v6  }
0x325: {  	[tilespmem:s5+$0x11C20] =	vst v2  }
0x326: {  	[tilespmem:s5+$0x11C30] =	vst v3  }
0x327: {  	_ =	swait.ge [sflag:s23], $0x1000  }
0x328: {  	[sflag:s23] =	ssyncset.done $0x0  }
0x329: {  	s5 =	simm.s32 $0x0;
	[sflag:s23] =	ssyncadd.s32 $0xFFFFF000  }
0x32a: {  	s8 =	simm.s32 $0x1280;
	v2 =	vld [tilespmem:s5+$0x10B10]  }
0x32b: {  	s9 =	simm.s32 $0x80;
	s6 =	simm.s32 $0x0;
	v3 =	vld.msk [tilespmem:s8+$0x0 ss:$0x0], $0xffff  }
.LBB2_39:
0x32c: {  	p0 =	sne.s32 s9, $0x3F80;
	v4 =	vld [tilespmem:s6+$0x10B20]  }
0x32d: {  	v5 =	vld [tilespmem:s6+$0x12C30]  }
0x32e: {  	v6 =	vld [tilespmem:s6+$0x12C20];
	_ =	sdelay $0x2  }
0x32f: {  	v2 =	vmul.f32 v2, v3;
	v3 =	vmul.f32 v4, v3;
	_ =	sdelay $0x1  }
.Ltmp18:
0x330: {  	v2 =	vadd.f32 v2, v6;
	v3 =	vadd.f32 v3, v5;
	(pc) =	sbr.rel @p0 .LBB2_39-.Ltmp18, $4  }
0x331: {  	_ = 	snop  }
0x332: {  	s16 =	sshra.s32 s9, $0x2;
	[tilespmem:s6+$0x12C20] =	vst v2  }
0x333: {  	s8 =	sadd.s32 $0x1, s8;
	v2 =	vld [tilespmem:s16+$0x10B10];
	[tilespmem:s6+$0x12C30] =	vst v3;
	s6 =	smov.u32 s16  }
0x334: {  	s9 =	sadd.s32 $0x80, s9;
	v3 =	vld.msk [tilespmem:s8+$0x0 ss:$0x0], $0xffff  }
0x335: {  	v4 =	vld [tilespmem:s6+$0x10B20]  }
0x336: {  	v5 =	vld [tilespmem:s6+$0x12C20]  }
0x337: {  	v6 =	vld [tilespmem:s6+$0x12C30];
	_ =	sdelay $0x1  }
0x338: {  	v2 =	vmul.f32 v2, v3  }
0x339: {  	v3 =	vmul.f32 v4, v3  }
0x33a: {  	v2 =	vadd.f32 v2, v5  }
0x33b: {  	v3 =	vadd.f32 v3, v6  }
0x33c: {  	[tilespmem:s6+$0x12C20] =	vst v2  }
0x33d: {  	s8 =	simm.s32 $0x11C30;
	[tilespmem:s6+$0x12C30] =	vst v3  }
0x33e: {  	s9 =	simm.s32 $0x4;
	s6 =	simm.s32 $0x11C30;
	v2 =	vld [tilespmem:s8+$0xFFFFFFF0]  }
.LBB2_41:
0x33f: {  	p0 =	sne.s32 s9, $0x3FC;
	v3 =	vld.msk [tilespmem:s5+$0x11B10 ss:$0x0], $0xffff  }
0x340: {  	v4 =	vld [tilespmem:s8+$0x0];
	_ =	sdelay $0x3  }
.Ltmp19:
0x341: {  	(pc) =	sbr.rel @p0 .LBB2_41-.Ltmp19, $3  }
0x342: {  	v2 =	vmul.f32 v3, v2;
	v3 =	vmul.f32 v4, v3;
	_ =	sdelay $0x1  }
0x343: {  	s8 =	sadd.s32 $0x20, s8;
	[tilespmem:s6+$0xFFFFFFF0] =	vst v2  }
0x344: {  	s5 =	sshra.s32 s9, $0x2;
	s9 =	sadd.s32 $0x4, s9;
	v2 =	vld [tilespmem:s8+$0xFFFFFFF0];
	[tilespmem:s6+$0x0] =	vst v3;
	s6 =	smov.u32 s8  }
0x345: {  	v3 =	vld.msk [tilespmem:s5+$0x11B10 ss:$0x0], $0xffff  }
0x346: {  	v4 =	vld [tilespmem:s8+$0x0];
	_ =	sdelay $0x3  }
0x347: {  	v2 =	vmul.f32 v3, v2  }
0x348: {  	s4 =	sshll.u32 s4, $0x2;
	s15 =	sadd.s32 $0x1, s15;
	v3 =	vmul.f32 v4, v3  }
0x349: {  	s8 =	rddreg [dreg:$0x6];
	s9 =	simm.s32 $0x0;
	p0 =	sne.s32 s15, $0x1F;
	[tilespmem:s6+$0xFFFFFFF0] =	vst v2  }
.Ltmp20:
0x34a: {  	s16 =	simm.s32 $0x11C20;
	s4 =	sadd.s32 s8, s4;
	[tilespmem:s6+$0x0] =	vst v3;
	(pc) =	sbr.rel @p0 .LBB2_2-.Ltmp20, $4  }
0x34b: {  	[hbm4b:s4+s9] =	stream.linear.scatter [tilespmem:s16], [sflag:$0x6], $0x2000, $0x38;
	[tilespmem:$0x13C20] =	vst v63  }
0x34c: {  	_ =	swait.ge [sflag:s11], $0x2000  }
0x34d: {  	[sflag:s11] =	ssyncset.done $0x0  }
0x34e: {  	[sflag:s11] =	ssyncadd.s32 $0xFFFFE000  }
0x34f: {  	s5 =	rddreg [dreg:$0x9]  }
0x350: {  	s4 =	rddreg [dreg:$0x8];
	s5 =	sadd.s32 $0x1, s5  }
0x351: {  	p0 =	sne.s32 s5, s4  }
.Ltmp21:
0x352: {  	_ = 	snop;
	(pc) =	sbr.rel @p0 .LBB2_1-.Ltmp21, $1  }
0x353: {  	_ =	sdelay $0x3  }
0x354: {  	_ =	sfence.sel $0x180000  }
0x355: {  	[bflag:$0x0] =	sbarrier.arrive $0xFFFF  }
0x356: {  	_ =	strace $0x9000004A  }
0x357: {  	s0 =	stileid.u32;
	[bflag:$0x2] =	sbarrier.arrive $0xFFFF  }
0x358: {  	p0 =	sne.s32 s0, $0x0;
	s0 =	rddreg [dreg:$0x2]  }
0x359: {  	s0 =	sadd.s32 @!p0 $0x100000, s0  }
0x35a: {  	[sflag:s0] =	ssyncadd.tile.s32 @!p0 $0x1;
	_ =	shalt  }
.Lfunc_end2:
_tile_overlayer_lowered:
.L_overlay_start_2:
0x35b: {  	(tag) =	ssettag $0x2  }
0x35c: {  	s0 =	rddreg [dreg:$0x0];
	s2 =	stileid.u32  }
0x35d: {  	s1 =	rddreg [dreg:$0x1];
	p0 =	sne.s32 s2, $0x0  }
0x35e: {  	s3 =	rddreg [dreg:$0x2];
	[bflag:$0x3] =	sbarrier.arrive $0xFFFF;
	s2 =	simm.s32 @!p0 $0x1C06  }
0x35f: {  	[timem:s3], [sflag:s2] =	dma.local @!p0 [hbm:s0], s1  }
0x360: {  	s0 =	simm.s32 @!p0 $0x6  }
0x361: {  	_ =	swait.ge @!p0 [sflag:s0], s1  }
0x362: {  	s1 =	ssub.s32 @!p0 $0x0, s1;
	[sflag:s0] =	ssyncset.done @!p0 $0x0  }
0x363: {  	[sflag:s0] =	ssyncadd.s32 @!p0 s1  }
0x364: {  	[bflag:$0x3] =	sbarrier.arrive $0xFFFF  }
0x365: {  	_ =	shalt  }

</sc_bundles>
